<compile_context>
chip_gen: v7x
topology: tpu7x:2x2x1
jax: 0.10.2.dev20260603
libtpu: 0.0.44.dev20260713+nightly
codegen_flags: <defaults>
</compile_context>

<pallas_src>
import functools

import jax
import jax.numpy as jnp
from jax import lax
from jax.experimental import pallas as pl
from jax.experimental.pallas import tpu as pltpu
from jax.experimental.pallas import tpu_sc as plsc

N = 10000
E = 320000
D_IN = 128
D_H = 64

NC = 2
NS = 16
NW = NC * NS

NPAD = 10240
ECH = 128
CPT = 160
EPAD = ECH * CPT * NS
RPT = NPAD // NS
W_SC = D_H // 2

_mesh = plsc.VectorSubcoreMesh(core_axis_name="c", subcore_axis_name="s")
_sc_params = pltpu.CompilerParams(use_tc_tiling_on_sc=False, needs_layout_passes=False)




def _edge_body(ha, hb, comb2d, out, acc_sh, h_sh, combbuf, srcbuf, dstbuf, rows, zbuf, sem, sem2):
    c = lax.axis_index("c")
    s = lax.axis_index("s")
    zero16 = jnp.zeros((16,), jnp.float32)

    def fill_z(i, _):
        zbuf[i, pl.ds(0, 16)] = zero16
        zbuf[i, pl.ds(16, 16)] = zero16
        return 0

    lax.fori_loop(0, RPT // 2, fill_z, 0)
    pltpu.sync_copy(zbuf, acc_sh.at[pl.ds(s * RPT, RPT // 2)])
    pltpu.sync_copy(zbuf, acc_sh.at[pl.ds(s * RPT + RPT // 2, RPT // 2)])
    for half in range(2):
        off = s * RPT + half * (RPT // 2)

        @pl.when(c == 0)
        def _stage_a():
            pltpu.sync_copy(ha.at[pl.ds(off, RPT // 2)], zbuf)

        @pl.when(c == 1)
        def _stage_b():
            pltpu.sync_copy(hb.at[pl.ds(off, RPT // 2)], zbuf)

        pltpu.sync_copy(zbuf, h_sh.at[pl.ds(off, RPT // 2)])

    cpt = CPT
    pltpu.sync_copy(comb2d.at[pl.ds(s * CPT, CPT)], combbuf)

    def extract(i, _):
        for k in range(8):
            v = plsc.bitcast(combbuf[i, pl.ds(16 * k, 16)], jnp.int32)
            srcbuf[i, pl.ds(16 * k, 16)] = lax.bitwise_and(v, 0xFFFF)
            dstbuf[i, pl.ds(16 * k, 16)] = lax.shift_right_logical(v, 16)
        return 0

    lax.fori_loop(0, cpt, extract, 0)
    plsc.subcore_barrier()

    pltpu.async_copy(h_sh.at[srcbuf.at[0]], rows.at[0], sem.at[0])

    def chunk(j, _):
        p = lax.rem(j, 2)

        @pl.when(j >= 1)
        def _wait_prev_scatter():
            pltpu.make_async_copy(
                rows.at[1 - p], acc_sh.at[dstbuf.at[j - 1]], sem2.at[1 - p]
            ).wait()

        @pl.when(j + 1 < cpt)
        def _start_next():
            pltpu.async_copy(h_sh.at[srcbuf.at[j + 1]], rows.at[1 - p], sem.at[1 - p])

        pltpu.make_async_copy(h_sh.at[srcbuf.at[j]], rows.at[p], sem.at[p]).wait()
        pltpu.async_copy(rows.at[p], acc_sh.at[dstbuf.at[j]], sem2.at[p], add=True)
        return 0

    lax.fori_loop(0, cpt, chunk, 0)
    plast = lax.rem(cpt - 1, 2)
    pltpu.make_async_copy(
        rows.at[plast], acc_sh.at[dstbuf.at[cpt - 1]], sem2.at[plast]
    ).wait()
    plsc.subcore_barrier()

    pltpu.sync_copy(acc_sh.at[pl.ds(s * RPT, RPT)], out.at[c, pl.ds(s * RPT, RPT)])


_edge_kernel = functools.partial(
    pl.kernel,
    out_type=jax.ShapeDtypeStruct((NC, NPAD, W_SC), jnp.float32),
    mesh=_mesh,
    scratch_types=[
        pltpu.VMEM_SHARED((NPAD, W_SC), jnp.float32),
        pltpu.VMEM_SHARED((NPAD, W_SC), jnp.float32),
        pltpu.VMEM((CPT, ECH), jnp.float32),
        pltpu.VMEM((CPT, ECH), jnp.int32),
        pltpu.VMEM((CPT, ECH), jnp.int32),
        pltpu.VMEM((2, ECH, W_SC), jnp.float32),
        pltpu.VMEM((RPT // 2, W_SC), jnp.float32),
        pltpu.SemaphoreType.DMA((2,)),
        pltpu.SemaphoreType.DMA((2,)),
    ],
    compiler_params=_sc_params,
)(_edge_body)


def _mm0_body(x_ref, w_ref, dc_ref, o_ref):
    d = lax.rsqrt(dc_ref[...] + 1.0)
    h = jnp.dot(x_ref[...], w_ref[...], preferred_element_type=jnp.float32)
    o_ref[...] = h * d


def _mid_body(aa_ref, ab_ref, hp_ref, dc_ref, b_ref, w_ref, o_ref):
    d = lax.rsqrt(dc_ref[...] + 1.0)
    a = jnp.concatenate([aa_ref[...], ab_ref[...]], axis=1)
    pre = d * (a + hp_ref[...]) + b_ref[...]
    h1 = jnp.maximum(pre, 0.0)
    o_ref[...] = jnp.dot(h1, w_ref[...], preferred_element_type=jnp.float32) * d


def _fin_body(aa_ref, ab_ref, hp_ref, dc_ref, b_ref, o_ref):
    d = lax.rsqrt(dc_ref[...] + 1.0)
    a = jnp.concatenate([aa_ref[...], ab_ref[...]], axis=1)
    o_ref[...] = d * a + hp_ref[...] * d + b_ref[...]


def _row_spec(br, width):
    return pl.BlockSpec((br, width), lambda i: (i, 0))


def _full_spec(shape):
    return pl.BlockSpec(shape, lambda i: tuple(0 for _ in shape))


_BR = 1024
_GRID = NPAD // _BR


def kernel(x, edge_index, W0, b0, W1, b1):
    src = edge_index[0]
    dst = edge_index[1]
    pad_src = jnp.zeros((EPAD - E,), jnp.int32)
    pad_dst = jnp.full((EPAD - E,), NPAD - 1, jnp.int32)
    src_p = jnp.concatenate([src, pad_src])
    dst_p = jnp.concatenate([dst, pad_dst])
    comb2d = lax.bitcast_convert_type(
        (src_p | (dst_p << 16)).reshape(EPAD // ECH, ECH), jnp.float32)

    ones_h = jnp.ones((NPAD, W_SC), jnp.float32)
    deg_full = _edge_kernel(ones_h, ones_h, comb2d)
    degcol = deg_full[0, :, 0:1]

    x_pad = jnp.pad(x, ((0, NPAD - N), (0, 0)))
    b0r = b0.reshape(1, D_H)
    b1r = b1.reshape(1, D_H)

    h0p = pl.pallas_call(
        _mm0_body,
        grid=(_GRID,),
        in_specs=[
            _row_spec(_BR, D_IN),
            _full_spec((D_IN, D_H)),
            _row_spec(_BR, 1),
        ],
        out_specs=_row_spec(_BR, D_H),
        out_shape=jax.ShapeDtypeStruct((NPAD, D_H), jnp.float32),
    )(x_pad, W0, degcol)

    a0 = _edge_kernel(h0p[:, :W_SC], h0p[:, W_SC:], comb2d)

    h1p = pl.pallas_call(
        _mid_body,
        grid=(_GRID,),
        in_specs=[
            _row_spec(_BR, W_SC),
            _row_spec(_BR, W_SC),
            _row_spec(_BR, D_H),
            _row_spec(_BR, 1),
            _full_spec((1, D_H)),
            _full_spec((D_H, D_H)),
        ],
        out_specs=_row_spec(_BR, D_H),
        out_shape=jax.ShapeDtypeStruct((NPAD, D_H), jnp.float32),
    )(a0[0], a0[1], h0p, degcol, b0r, W1)

    a1 = _edge_kernel(h1p[:, :W_SC], h1p[:, W_SC:], comb2d)

    out = pl.pallas_call(
        _fin_body,
        grid=(_GRID,),
        in_specs=[
            _row_spec(_BR, W_SC),
            _row_spec(_BR, W_SC),
            _row_spec(_BR, D_H),
            _row_spec(_BR, 1),
            _full_spec((1, D_H)),
        ],
        out_specs=_row_spec(_BR, D_H),
        out_shape=jax.ShapeDtypeStruct((NPAD, D_H), jnp.float32),
    )(a1[0], a1[1], h1p, degcol, b1r)

    return out[:N]

# --- scband reference (transcript-rebuilt; emitter-appended) ---
"""Pipeline reference for scband-gcnencoder-46694884442280 (READ-ONLY COPY).

The authoritative reference and input builder live on the scoring server;
editing this copy changes nothing except your own understanding.
"""

import jax, jax.numpy as jnp
import numpy as np

N = 10000
E = 320000
D_IN = 128
D_H = 64
D_OUT = 64


def glorot(key, shape):
    fan_in, fan_out = shape
    limit = float(np.sqrt(6.0 / (fan_in + fan_out)))
    return jax.random.uniform(key, shape, minval=-limit, maxval=limit, dtype=jnp.float32)


def setup_inputs(seed: int = 0) -> dict:
    key = jax.random.key(seed)
    k1, k2, k3, k4 = jax.random.split(key, 4)
    x = jax.random.normal(k1, (N, D_IN), dtype=jnp.float32)
    edge_index = jax.random.randint(k2, (2, E), 0, N, dtype=jnp.int32)
    W0 = glorot(k3, (D_IN, D_H))
    b0 = jnp.zeros((D_H,), dtype=jnp.float32)
    W1 = glorot(k4, (D_H, D_OUT))
    b1 = jnp.zeros((D_OUT,), dtype=jnp.float32)
    return {"x": x, "edge_index": edge_index, "W0": W0, "b0": b0, "W1": W1, "b1": b1}


def gcn_conv(x, src, dst, W, b):
    # PyG GCNConv semantics: add self-loops, symmetric normalization D^-1/2 (A+I) D^-1/2 X W + b
    n = x.shape[0]
    h = x @ W
    loop = jnp.arange(n, dtype=src.dtype)
    src_f = jnp.concatenate([src, loop])
    dst_f = jnp.concatenate([dst, loop])
    ones = jnp.ones((src_f.shape[0],), dtype=h.dtype)
    deg = jax.ops.segment_sum(ones, dst_f, num_segments=n)
    deg_inv_sqrt = jnp.where(deg > 0, jax.lax.rsqrt(jnp.maximum(deg, 1e-12)), 0.0)
    norm = deg_inv_sqrt[src_f] * deg_inv_sqrt[dst_f]
    msgs = h[src_f] * norm[:, None]
    out = jax.ops.segment_sum(msgs, dst_f, num_segments=n)
    return out + b


def reference(x, edge_index, W0, b0, W1, b1):
    src = edge_index[0]
    dst = edge_index[1]
    h = jax.nn.relu(gcn_conv(x, src, dst, W0, b0))
    out = gcn_conv(h, src, dst, W1, b1)
    return out

if __name__ == "__main__":
    import jax
    _d = setup_inputs()
    print(jax.jit(kernel)(*tuple(_d.values())))

</pallas_src>

<mosaic_0001>
#map = affine_map<(d0, d1) -> (0, 0)>
#map1 = affine_map<(d0, d1) -> (0, 0, 0)>
module attributes {stable_mosaic.version = 14 : i64} {
  func.func @_edge_body(%arg0: i32, %arg1: i32, %arg2: memref<10240x32xf32, #tpu.memory_space<hbm>>, %arg3: memref<10240x32xf32, #tpu.memory_space<hbm>>, %arg4: memref<2560x128xf32, #tpu.memory_space<hbm>>, %arg5: memref<2x10240x32xf32, #tpu.memory_space<hbm>>, %arg6: memref<10240x32xf32, #tpu.memory_space<vmem_shared>>, %arg7: memref<10240x32xf32, #tpu.memory_space<vmem_shared>>, %arg8: memref<160x128xf32, #tpu.memory_space<vmem>>, %arg9: memref<160x128xi32, #tpu.memory_space<vmem>>, %arg10: memref<160x128xi32, #tpu.memory_space<vmem>>, %arg11: memref<2x128x32xf32, #tpu.memory_space<vmem>>, %arg12: memref<320x32xf32, #tpu.memory_space<vmem>>, %arg13: memref<2x!tpu.dma_semaphore, #tpu.memory_space<semaphore_mem>>, %arg14: memref<2x!tpu.dma_semaphore, #tpu.memory_space<semaphore_mem>>) attributes {dimension_semantics = [#tpu.dimension_semantics<core_parallel>, #tpu.dimension_semantics<subcore_parallel>], iteration_bounds = array<i64: 2, 16>, scalar_prefetch = 0 : i64, scratch_operands = 9 : i64, tpu.core_type = #tpu.core_type<sc_vector_subcore>, window_params = [{transform_indices = #map}, {transform_indices = #map}, {transform_indices = #map}, {transform_indices = #map1}]} {
    %broadcast_in_dim3A = arith.constant 0.000000e+00 : f32
    %broadcast_in_dim3A_0 = vector.broadcast %broadcast_in_dim3A : f32 to vector<16xf32>
    %scan3A = arith.constant 0 : i32
    %scan3A_1 = arith.constant 0 : i32
    %scan3A_2 = arith.constant 320 : i32
    %scan3A_3 = arith.addi %scan3A_1, %scan3A_2 : i32
    %scan3A_4 = arith.constant 1 : i32
    %scan3A_5 = scf.for %scan3A_85 = %scan3A_1 to %scan3A_3 step %scan3A_4 iter_args(%scan3A_86 = %scan3A) -> (i32)  : i32 {
      %swap3A = arith.index_cast %scan3A_85 : i32 to index
      %swap3A_87 = arith.constant 0 : index
      %swap3A_88 = tpu.vector_load %arg12[%swap3A, %swap3A_87] {strides = array<i32>} : memref<320x32xf32, #tpu.memory_space<vmem>>, vector<16xf32>,
      tpu.vector_store %arg12[%swap3A, %swap3A_87], %broadcast_in_dim3A_0 {strides = array<i32>} : memref<320x32xf32, #tpu.memory_space<vmem>>, vector<16xf32>,
      %swap3A_89 = arith.index_cast %scan3A_85 : i32 to index
      %swap3A_90 = arith.constant 16 : index
      %swap3A_91 = tpu.vector_load %arg12[%swap3A_89, %swap3A_90] {strides = array<i32>} : memref<320x32xf32, #tpu.memory_space<vmem>>, vector<16xf32>,
      tpu.vector_store %arg12[%swap3A_89, %swap3A_90], %broadcast_in_dim3A_0 {strides = array<i32>} : memref<320x32xf32, #tpu.memory_space<vmem>>, vector<16xf32>,
      %scan3A_92 = arith.constant 0 : i32
      scf.yield %scan3A_92 : i32
    }
    %scan3A_6 = arith.constant 320 : i32
    %mul3A = arith.constant 640 : i32
    %mul3A_7 = arith.muli %arg1, %mul3A : i32
    "tpu.region"() ({
      %run_scoped3A = tpu.sem_alloc : memref<!tpu.dma_semaphore, #tpu.memory_space<semaphore_mem>>
      %dma_start3A_85 = arith.constant 0 : i32
      %dma_start3A_86 = tpu.memref_slice %arg6[%mul3A_7, %dma_start3A_85] : memref<10240x32xf32, #tpu.memory_space<vmem_shared>> -> memref<320x32xf32, #tpu.memory_space<vmem_shared>>
      %dma_start3A_87 = arith.constant 0 : i32
      %dma_start3A_88 = tpu.memref_slice %arg6[%mul3A_7, %dma_start3A_87] : memref<10240x32xf32, #tpu.memory_space<vmem_shared>> -> memref<320x32xf32, #tpu.memory_space<vmem_shared>>
      tpu.enqueue_dma source(%arg12 : memref<320x32xf32, #tpu.memory_space<vmem>>) target(%dma_start3A_88 : memref<320x32xf32, #tpu.memory_space<vmem_shared>>) target_semaphore(%run_scoped3A : memref<!tpu.dma_semaphore, #tpu.memory_space<semaphore_mem>>)
      %dma_wait3A_89 = arith.constant 0 : i32
      %dma_wait3A_90 = tpu.memref_slice %arg6[%mul3A_7, %dma_wait3A_89] : memref<10240x32xf32, #tpu.memory_space<vmem_shared>> -> memref<320x32xf32, #tpu.memory_space<vmem_shared>>
      %dma_wait3A_91 = arith.constant 0 : i32
      %dma_wait3A_92 = tpu.memref_slice %arg6[%mul3A_7, %dma_wait3A_91] : memref<10240x32xf32, #tpu.memory_space<vmem_shared>> -> memref<320x32xf32, #tpu.memory_space<vmem_shared>>
      tpu.wait_dma2 semaphore(%run_scoped3A : memref<!tpu.dma_semaphore, #tpu.memory_space<semaphore_mem>>) src(%arg12 : memref<320x32xf32, #tpu.memory_space<vmem>>) dst(%dma_wait3A_92 : memref<320x32xf32, #tpu.memory_space<vmem_shared>>)
      tpu.yield
    }) : () -> ()
    %mul3A_8 = arith.constant 640 : i32
    %mul3A_9 = arith.muli %arg1, %mul3A_8 : i32
    %add3A = arith.constant 320 : i32
    %add3A_10 = arith.addi %mul3A_9, %add3A : i32
    "tpu.region"() ({
      %run_scoped3A = tpu.sem_alloc : memref<!tpu.dma_semaphore, #tpu.memory_space<semaphore_mem>>
      %dma_start3A_85 = arith.constant 0 : i32
      %dma_start3A_86 = tpu.memref_slice %arg6[%add3A_10, %dma_start3A_85] : memref<10240x32xf32, #tpu.memory_space<vmem_shared>> -> memref<320x32xf32, #tpu.memory_space<vmem_shared>>
      %dma_start3A_87 = arith.constant 0 : i32
      %dma_start3A_88 = tpu.memref_slice %arg6[%add3A_10, %dma_start3A_87] : memref<10240x32xf32, #tpu.memory_space<vmem_shared>> -> memref<320x32xf32, #tpu.memory_space<vmem_shared>>
      tpu.enqueue_dma source(%arg12 : memref<320x32xf32, #tpu.memory_space<vmem>>) target(%dma_start3A_88 : memref<320x32xf32, #tpu.memory_space<vmem_shared>>) target_semaphore(%run_scoped3A : memref<!tpu.dma_semaphore, #tpu.memory_space<semaphore_mem>>)
      %dma_wait3A_89 = arith.constant 0 : i32
      %dma_wait3A_90 = tpu.memref_slice %arg6[%add3A_10, %dma_wait3A_89] : memref<10240x32xf32, #tpu.memory_space<vmem_shared>> -> memref<320x32xf32, #tpu.memory_space<vmem_shared>>
      %dma_wait3A_91 = arith.constant 0 : i32
      %dma_wait3A_92 = tpu.memref_slice %arg6[%add3A_10, %dma_wait3A_91] : memref<10240x32xf32, #tpu.memory_space<vmem_shared>> -> memref<320x32xf32, #tpu.memory_space<vmem_shared>>
      tpu.wait_dma2 semaphore(%run_scoped3A : memref<!tpu.dma_semaphore, #tpu.memory_space<semaphore_mem>>) src(%arg12 : memref<320x32xf32, #tpu.memory_space<vmem>>) dst(%dma_wait3A_92 : memref<320x32xf32, #tpu.memory_space<vmem_shared>>)
      tpu.yield
    }) : () -> ()
    %mul3A_11 = arith.constant 640 : i32
    %mul3A_12 = arith.muli %arg1, %mul3A_11 : i32
    %add3A_13 = arith.constant 0 : i32
    %add3A_14 = arith.addi %mul3A_12, %add3A_13 : i32
    %eq3A = arith.constant 0 : i32
    %eq3A_15 = arith.cmpi eq, %arg0, %eq3A : i32
    %convert_element_type3A = arith.extui %eq3A_15 : i1 to i32
    %cond3A = arith.constant 0 : i32
    %cond3A_16 = arith.cmpi ne, %convert_element_type3A, %cond3A : i32
    scf.if %cond3A_16 {
      "tpu.region"() ({
        %run_scoped3A = tpu.sem_alloc : memref<!tpu.dma_semaphore, #tpu.memory_space<semaphore_mem>>
        %dma_start3A_85 = arith.constant 0 : i32
        %dma_start3A_86 = tpu.memref_slice %arg2[%add3A_14, %dma_start3A_85] : memref<10240x32xf32, #tpu.memory_space<hbm>> -> memref<320x32xf32, #tpu.memory_space<hbm>>
        %dma_start3A_87 = arith.constant 0 : i32
        %dma_start3A_88 = tpu.memref_slice %arg2[%add3A_14, %dma_start3A_87] : memref<10240x32xf32, #tpu.memory_space<hbm>> -> memref<320x32xf32, #tpu.memory_space<hbm>>
        tpu.enqueue_dma source(%dma_start3A_88 : memref<320x32xf32, #tpu.memory_space<hbm>>) target(%arg12 : memref<320x32xf32, #tpu.memory_space<vmem>>) target_semaphore(%run_scoped3A : memref<!tpu.dma_semaphore, #tpu.memory_space<semaphore_mem>>)
        %dma_wait3A_89 = arith.constant 0 : i32
        %dma_wait3A_90 = tpu.memref_slice %arg2[%add3A_14, %dma_wait3A_89] : memref<10240x32xf32, #tpu.memory_space<hbm>> -> memref<320x32xf32, #tpu.memory_space<hbm>>
        %dma_wait3A_91 = arith.constant 0 : i32
        %dma_wait3A_92 = tpu.memref_slice %arg2[%add3A_14, %dma_wait3A_91] : memref<10240x32xf32, #tpu.memory_space<hbm>> -> memref<320x32xf32, #tpu.memory_space<hbm>>
        tpu.wait_dma2 semaphore(%run_scoped3A : memref<!tpu.dma_semaphore, #tpu.memory_space<semaphore_mem>>) src(%dma_wait3A_92 : memref<320x32xf32, #tpu.memory_space<hbm>>) dst(%arg12 : memref<320x32xf32, #tpu.memory_space<vmem>>)
        tpu.yield
      }) : () -> ()
    } else {
    }
    %eq3A_17 = arith.constant 1 : i32
    %eq3A_18 = arith.cmpi eq, %arg0, %eq3A_17 : i32
    %convert_element_type3A_19 = arith.extui %eq3A_18 : i1 to i32
    %cond3A_20 = arith.constant 0 : i32
    %cond3A_21 = arith.cmpi ne, %convert_element_type3A_19, %cond3A_20 : i32
    scf.if %cond3A_21 {
      "tpu.region"() ({
        %run_scoped3A = tpu.sem_alloc : memref<!tpu.dma_semaphore, #tpu.memory_space<semaphore_mem>>
        %dma_start3A_85 = arith.constant 0 : i32
        %dma_start3A_86 = tpu.memref_slice %arg3[%add3A_14, %dma_start3A_85] : memref<10240x32xf32, #tpu.memory_space<hbm>> -> memref<320x32xf32, #tpu.memory_space<hbm>>
        %dma_start3A_87 = arith.constant 0 : i32
        %dma_start3A_88 = tpu.memref_slice %arg3[%add3A_14, %dma_start3A_87] : memref<10240x32xf32, #tpu.memory_space<hbm>> -> memref<320x32xf32, #tpu.memory_space<hbm>>
        tpu.enqueue_dma source(%dma_start3A_88 : memref<320x32xf32, #tpu.memory_space<hbm>>) target(%arg12 : memref<320x32xf32, #tpu.memory_space<vmem>>) target_semaphore(%run_scoped3A : memref<!tpu.dma_semaphore, #tpu.memory_space<semaphore_mem>>)
        %dma_wait3A_89 = arith.constant 0 : i32
        %dma_wait3A_90 = tpu.memref_slice %arg3[%add3A_14, %dma_wait3A_89] : memref<10240x32xf32, #tpu.memory_space<hbm>> -> memref<320x32xf32, #tpu.memory_space<hbm>>
        %dma_wait3A_91 = arith.constant 0 : i32
        %dma_wait3A_92 = tpu.memref_slice %arg3[%add3A_14, %dma_wait3A_91] : memref<10240x32xf32, #tpu.memory_space<hbm>> -> memref<320x32xf32, #tpu.memory_space<hbm>>
        tpu.wait_dma2 semaphore(%run_scoped3A : memref<!tpu.dma_semaphore, #tpu.memory_space<semaphore_mem>>) src(%dma_wait3A_92 : memref<320x32xf32, #tpu.memory_space<hbm>>) dst(%arg12 : memref<320x32xf32, #tpu.memory_space<vmem>>)
        tpu.yield
      }) : () -> ()
    } else {
    }
    "tpu.region"() ({
      %run_scoped3A = tpu.sem_alloc : memref<!tpu.dma_semaphore, #tpu.memory_space<semaphore_mem>>
      %dma_start3A_85 = arith.constant 0 : i32
      %dma_start3A_86 = tpu.memref_slice %arg7[%add3A_14, %dma_start3A_85] : memref<10240x32xf32, #tpu.memory_space<vmem_shared>> -> memref<320x32xf32, #tpu.memory_space<vmem_shared>>
      %dma_start3A_87 = arith.constant 0 : i32
      %dma_start3A_88 = tpu.memref_slice %arg7[%add3A_14, %dma_start3A_87] : memref<10240x32xf32, #tpu.memory_space<vmem_shared>> -> memref<320x32xf32, #tpu.memory_space<vmem_shared>>
      tpu.enqueue_dma source(%arg12 : memref<320x32xf32, #tpu.memory_space<vmem>>) target(%dma_start3A_88 : memref<320x32xf32, #tpu.memory_space<vmem_shared>>) target_semaphore(%run_scoped3A : memref<!tpu.dma_semaphore, #tpu.memory_space<semaphore_mem>>)
      %dma_wait3A_89 = arith.constant 0 : i32
      %dma_wait3A_90 = tpu.memref_slice %arg7[%add3A_14, %dma_wait3A_89] : memref<10240x32xf32, #tpu.memory_space<vmem_shared>> -> memref<320x32xf32, #tpu.memory_space<vmem_shared>>
      %dma_wait3A_91 = arith.constant 0 : i32
      %dma_wait3A_92 = tpu.memref_slice %arg7[%add3A_14, %dma_wait3A_91] : memref<10240x32xf32, #tpu.memory_space<vmem_shared>> -> memref<320x32xf32, #tpu.memory_space<vmem_shared>>
      tpu.wait_dma2 semaphore(%run_scoped3A : memref<!tpu.dma_semaphore, #tpu.memory_space<semaphore_mem>>) src(%arg12 : memref<320x32xf32, #tpu.memory_space<vmem>>) dst(%dma_wait3A_92 : memref<320x32xf32, #tpu.memory_space<vmem_shared>>)
      tpu.yield
    }) : () -> ()
    %mul3A_22 = arith.constant 640 : i32
    %mul3A_23 = arith.muli %arg1, %mul3A_22 : i32
    %add3A_24 = arith.constant 320 : i32
    %add3A_25 = arith.addi %mul3A_23, %add3A_24 : i32
    %eq3A_26 = arith.constant 0 : i32
    %eq3A_27 = arith.cmpi eq, %arg0, %eq3A_26 : i32
    %convert_element_type3A_28 = arith.extui %eq3A_27 : i1 to i32
    %cond3A_29 = arith.constant 0 : i32
    %cond3A_30 = arith.cmpi ne, %convert_element_type3A_28, %cond3A_29 : i32
    scf.if %cond3A_30 {
      "tpu.region"() ({
        %run_scoped3A = tpu.sem_alloc : memref<!tpu.dma_semaphore, #tpu.memory_space<semaphore_mem>>
        %dma_start3A_85 = arith.constant 0 : i32
        %dma_start3A_86 = tpu.memref_slice %arg2[%add3A_25, %dma_start3A_85] : memref<10240x32xf32, #tpu.memory_space<hbm>> -> memref<320x32xf32, #tpu.memory_space<hbm>>
        %dma_start3A_87 = arith.constant 0 : i32
        %dma_start3A_88 = tpu.memref_slice %arg2[%add3A_25, %dma_start3A_87] : memref<10240x32xf32, #tpu.memory_space<hbm>> -> memref<320x32xf32, #tpu.memory_space<hbm>>
        tpu.enqueue_dma source(%dma_start3A_88 : memref<320x32xf32, #tpu.memory_space<hbm>>) target(%arg12 : memref<320x32xf32, #tpu.memory_space<vmem>>) target_semaphore(%run_scoped3A : memref<!tpu.dma_semaphore, #tpu.memory_space<semaphore_mem>>)
        %dma_wait3A_89 = arith.constant 0 : i32
        %dma_wait3A_90 = tpu.memref_slice %arg2[%add3A_25, %dma_wait3A_89] : memref<10240x32xf32, #tpu.memory_space<hbm>> -> memref<320x32xf32, #tpu.memory_space<hbm>>
        %dma_wait3A_91 = arith.constant 0 : i32
        %dma_wait3A_92 = tpu.memref_slice %arg2[%add3A_25, %dma_wait3A_91] : memref<10240x32xf32, #tpu.memory_space<hbm>> -> memref<320x32xf32, #tpu.memory_space<hbm>>
        tpu.wait_dma2 semaphore(%run_scoped3A : memref<!tpu.dma_semaphore, #tpu.memory_space<semaphore_mem>>) src(%dma_wait3A_92 : memref<320x32xf32, #tpu.memory_space<hbm>>) dst(%arg12 : memref<320x32xf32, #tpu.memory_space<vmem>>)
        tpu.yield
      }) : () -> ()
    } else {
    }
    %eq3A_31 = arith.constant 1 : i32
    %eq3A_32 = arith.cmpi eq, %arg0, %eq3A_31 : i32
    %convert_element_type3A_33 = arith.extui %eq3A_32 : i1 to i32
    %cond3A_34 = arith.constant 0 : i32
    %cond3A_35 = arith.cmpi ne, %convert_element_type3A_33, %cond3A_34 : i32
    scf.if %cond3A_35 {
      "tpu.region"() ({
        %run_scoped3A = tpu.sem_alloc : memref<!tpu.dma_semaphore, #tpu.memory_space<semaphore_mem>>
        %dma_start3A_85 = arith.constant 0 : i32
        %dma_start3A_86 = tpu.memref_slice %arg3[%add3A_25, %dma_start3A_85] : memref<10240x32xf32, #tpu.memory_space<hbm>> -> memref<320x32xf32, #tpu.memory_space<hbm>>
        %dma_start3A_87 = arith.constant 0 : i32
        %dma_start3A_88 = tpu.memref_slice %arg3[%add3A_25, %dma_start3A_87] : memref<10240x32xf32, #tpu.memory_space<hbm>> -> memref<320x32xf32, #tpu.memory_space<hbm>>
        tpu.enqueue_dma source(%dma_start3A_88 : memref<320x32xf32, #tpu.memory_space<hbm>>) target(%arg12 : memref<320x32xf32, #tpu.memory_space<vmem>>) target_semaphore(%run_scoped3A : memref<!tpu.dma_semaphore, #tpu.memory_space<semaphore_mem>>)
        %dma_wait3A_89 = arith.constant 0 : i32
        %dma_wait3A_90 = tpu.memref_slice %arg3[%add3A_25, %dma_wait3A_89] : memref<10240x32xf32, #tpu.memory_space<hbm>> -> memref<320x32xf32, #tpu.memory_space<hbm>>
        %dma_wait3A_91 = arith.constant 0 : i32
        %dma_wait3A_92 = tpu.memref_slice %arg3[%add3A_25, %dma_wait3A_91] : memref<10240x32xf32, #tpu.memory_space<hbm>> -> memref<320x32xf32, #tpu.memory_space<hbm>>
        tpu.wait_dma2 semaphore(%run_scoped3A : memref<!tpu.dma_semaphore, #tpu.memory_space<semaphore_mem>>) src(%dma_wait3A_92 : memref<320x32xf32, #tpu.memory_space<hbm>>) dst(%arg12 : memref<320x32xf32, #tpu.memory_space<vmem>>)
        tpu.yield
      }) : () -> ()
    } else {
    }
    "tpu.region"() ({
      %run_scoped3A = tpu.sem_alloc : memref<!tpu.dma_semaphore, #tpu.memory_space<semaphore_mem>>
      %dma_start3A_85 = arith.constant 0 : i32
      %dma_start3A_86 = tpu.memref_slice %arg7[%add3A_25, %dma_start3A_85] : memref<10240x32xf32, #tpu.memory_space<vmem_shared>> -> memref<320x32xf32, #tpu.memory_space<vmem_shared>>
      %dma_start3A_87 = arith.constant 0 : i32
      %dma_start3A_88 = tpu.memref_slice %arg7[%add3A_25, %dma_start3A_87] : memref<10240x32xf32, #tpu.memory_space<vmem_shared>> -> memref<320x32xf32, #tpu.memory_space<vmem_shared>>
      tpu.enqueue_dma source(%arg12 : memref<320x32xf32, #tpu.memory_space<vmem>>) target(%dma_start3A_88 : memref<320x32xf32, #tpu.memory_space<vmem_shared>>) target_semaphore(%run_scoped3A : memref<!tpu.dma_semaphore, #tpu.memory_space<semaphore_mem>>)
      %dma_wait3A_89 = arith.constant 0 : i32
      %dma_wait3A_90 = tpu.memref_slice %arg7[%add3A_25, %dma_wait3A_89] : memref<10240x32xf32, #tpu.memory_space<vmem_shared>> -> memref<320x32xf32, #tpu.memory_space<vmem_shared>>
      %dma_wait3A_91 = arith.constant 0 : i32
      %dma_wait3A_92 = tpu.memref_slice %arg7[%add3A_25, %dma_wait3A_91] : memref<10240x32xf32, #tpu.memory_space<vmem_shared>> -> memref<320x32xf32, #tpu.memory_space<vmem_shared>>
      tpu.wait_dma2 semaphore(%run_scoped3A : memref<!tpu.dma_semaphore, #tpu.memory_space<semaphore_mem>>) src(%arg12 : memref<320x32xf32, #tpu.memory_space<vmem>>) dst(%dma_wait3A_92 : memref<320x32xf32, #tpu.memory_space<vmem_shared>>)
      tpu.yield
    }) : () -> ()
    %mul3A_36 = arith.constant 160 : i32
    %mul3A_37 = arith.muli %arg1, %mul3A_36 : i32
    "tpu.region"() ({
      %run_scoped3A = tpu.sem_alloc : memref<!tpu.dma_semaphore, #tpu.memory_space<semaphore_mem>>
      %dma_start3A_85 = arith.constant 0 : i32
      %dma_start3A_86 = tpu.memref_slice %arg4[%mul3A_37, %dma_start3A_85] : memref<2560x128xf32, #tpu.memory_space<hbm>> -> memref<160x128xf32, #tpu.memory_space<hbm>>
      %dma_start3A_87 = arith.constant 0 : i32
      %dma_start3A_88 = tpu.memref_slice %arg4[%mul3A_37, %dma_start3A_87] : memref<2560x128xf32, #tpu.memory_space<hbm>> -> memref<160x128xf32, #tpu.memory_space<hbm>>
      tpu.enqueue_dma source(%dma_start3A_88 : memref<160x128xf32, #tpu.memory_space<hbm>>) target(%arg8 : memref<160x128xf32, #tpu.memory_space<vmem>>) target_semaphore(%run_scoped3A : memref<!tpu.dma_semaphore, #tpu.memory_space<semaphore_mem>>)
      %dma_wait3A_89 = arith.constant 0 : i32
      %dma_wait3A_90 = tpu.memref_slice %arg4[%mul3A_37, %dma_wait3A_89] : memref<2560x128xf32, #tpu.memory_space<hbm>> -> memref<160x128xf32, #tpu.memory_space<hbm>>
      %dma_wait3A_91 = arith.constant 0 : i32
      %dma_wait3A_92 = tpu.memref_slice %arg4[%mul3A_37, %dma_wait3A_91] : memref<2560x128xf32, #tpu.memory_space<hbm>> -> memref<160x128xf32, #tpu.memory_space<hbm>>
      tpu.wait_dma2 semaphore(%run_scoped3A : memref<!tpu.dma_semaphore, #tpu.memory_space<semaphore_mem>>) src(%dma_wait3A_92 : memref<160x128xf32, #tpu.memory_space<hbm>>) dst(%arg8 : memref<160x128xf32, #tpu.memory_space<vmem>>)
      tpu.yield
    }) : () -> ()
    %scan3A_38 = arith.constant 0 : i32
    %scan3A_39 = arith.constant 0 : i32
    %scan3A_40 = arith.constant 160 : i32
    %scan3A_41 = arith.addi %scan3A_39, %scan3A_40 : i32
    %scan3A_42 = arith.constant 1 : i32
    %scan3A_43 = scf.for %scan3A_85 = %scan3A_39 to %scan3A_41 step %scan3A_42 iter_args(%scan3A_86 = %scan3A_38) -> (i32)  : i32 {
      %get3A = arith.index_cast %scan3A_85 : i32 to index
      %get3A_87 = arith.constant 0 : index
      %get3A_88 = tpu.vector_load %arg8[%get3A, %get3A_87] {strides = array<i32>} : memref<160x128xf32, #tpu.memory_space<vmem>>, vector<16xf32>,
      %bitcast3A = vector.bitcast %get3A_88 : vector<16xf32> to vector<16xi32>
      %and3A = arith.constant 65535 : i32
      %and3A_89 = vector.broadcast %and3A : i32 to vector<16xi32>
      %and3A_90 = arith.andi %bitcast3A, %and3A_89 : vector<16xi32>
      %swap3A = arith.index_cast %scan3A_85 : i32 to index
      %swap3A_91 = arith.constant 0 : index
      %swap3A_92 = tpu.vector_load %arg9[%swap3A, %swap3A_91] {strides = array<i32>} : memref<160x128xi32, #tpu.memory_space<vmem>>, vector<16xi32>,
      tpu.vector_store %arg9[%swap3A, %swap3A_91], %and3A_90 {strides = array<i32>} : memref<160x128xi32, #tpu.memory_space<vmem>>, vector<16xi32>,
      %shift_right_logical3A = arith.constant 16 : i32
      %shift_right_logical3A_93 = vector.broadcast %shift_right_logical3A : i32 to vector<16xi32>
      %shift_right_logical3A_94 = arith.shrui %bitcast3A, %shift_right_logical3A_93 : vector<16xi32>
      %swap3A_95 = arith.index_cast %scan3A_85 : i32 to index
      %swap3A_96 = arith.constant 0 : index
      %swap3A_97 = tpu.vector_load %arg10[%swap3A_95, %swap3A_96] {strides = array<i32>} : memref<160x128xi32, #tpu.memory_space<vmem>>, vector<16xi32>,
      tpu.vector_store %arg10[%swap3A_95, %swap3A_96], %shift_right_logical3A_94 {strides = array<i32>} : memref<160x128xi32, #tpu.memory_space<vmem>>, vector<16xi32>,
      %get3A_98 = arith.index_cast %scan3A_85 : i32 to index
      %get3A_99 = arith.constant 16 : index
      %get3A_100 = tpu.vector_load %arg8[%get3A_98, %get3A_99] {strides = array<i32>} : memref<160x128xf32, #tpu.memory_space<vmem>>, vector<16xf32>,
      %bitcast3A_101 = vector.bitcast %get3A_100 : vector<16xf32> to vector<16xi32>
      %and3A_102 = arith.constant 65535 : i32
      %and3A_103 = vector.broadcast %and3A_102 : i32 to vector<16xi32>
      %and3A_104 = arith.andi %bitcast3A_101, %and3A_103 : vector<16xi32>
      %swap3A_105 = arith.index_cast %scan3A_85 : i32 to index
      %swap3A_106 = arith.constant 16 : index
      %swap3A_107 = tpu.vector_load %arg9[%swap3A_105, %swap3A_106] {strides = array<i32>} : memref<160x128xi32, #tpu.memory_space<vmem>>, vector<16xi32>,
      tpu.vector_store %arg9[%swap3A_105, %swap3A_106], %and3A_104 {strides = array<i32>} : memref<160x128xi32, #tpu.memory_space<vmem>>, vector<16xi32>,
      %shift_right_logical3A_108 = arith.constant 16 : i32
      %shift_right_logical3A_109 = vector.broadcast %shift_right_logical3A_108 : i32 to vector<16xi32>
      %shift_right_logical3A_110 = arith.shrui %bitcast3A_101, %shift_right_logical3A_109 : vector<16xi32>
      %swap3A_111 = arith.index_cast %scan3A_85 : i32 to index
      %swap3A_112 = arith.constant 16 : index
      %swap3A_113 = tpu.vector_load %arg10[%swap3A_111, %swap3A_112] {strides = array<i32>} : memref<160x128xi32, #tpu.memory_space<vmem>>, vector<16xi32>,
      tpu.vector_store %arg10[%swap3A_111, %swap3A_112], %shift_right_logical3A_110 {strides = array<i32>} : memref<160x128xi32, #tpu.memory_space<vmem>>, vector<16xi32>,
      %get3A_114 = arith.index_cast %scan3A_85 : i32 to index
      %get3A_115 = arith.constant 32 : index
      %get3A_116 = tpu.vector_load %arg8[%get3A_114, %get3A_115] {strides = array<i32>} : memref<160x128xf32, #tpu.memory_space<vmem>>, vector<16xf32>,
      %bitcast3A_117 = vector.bitcast %get3A_116 : vector<16xf32> to vector<16xi32>
      %and3A_118 = arith.constant 65535 : i32
      %and3A_119 = vector.broadcast %and3A_118 : i32 to vector<16xi32>
      %and3A_120 = arith.andi %bitcast3A_117, %and3A_119 : vector<16xi32>
      %swap3A_121 = arith.index_cast %scan3A_85 : i32 to index
      %swap3A_122 = arith.constant 32 : index
      %swap3A_123 = tpu.vector_load %arg9[%swap3A_121, %swap3A_122] {strides = array<i32>} : memref<160x128xi32, #tpu.memory_space<vmem>>, vector<16xi32>,
      tpu.vector_store %arg9[%swap3A_121, %swap3A_122], %and3A_120 {strides = array<i32>} : memref<160x128xi32, #tpu.memory_space<vmem>>, vector<16xi32>,
      %shift_right_logical3A_124 = arith.constant 16 : i32
      %shift_right_logical3A_125 = vector.broadcast %shift_right_logical3A_124 : i32 to vector<16xi32>
      %shift_right_logical3A_126 = arith.shrui %bitcast3A_117, %shift_right_logical3A_125 : vector<16xi32>
      %swap3A_127 = arith.index_cast %scan3A_85 : i32 to index
      %swap3A_128 = arith.constant 32 : index
      %swap3A_129 = tpu.vector_load %arg10[%swap3A_127, %swap3A_128] {strides = array<i32>} : memref<160x128xi32, #tpu.memory_space<vmem>>, vector<16xi32>,
      tpu.vector_store %arg10[%swap3A_127, %swap3A_128], %shift_right_logical3A_126 {strides = array<i32>} : memref<160x128xi32, #tpu.memory_space<vmem>>, vector<16xi32>,
      %get3A_130 = arith.index_cast %scan3A_85 : i32 to index
      %get3A_131 = arith.constant 48 : index
      %get3A_132 = tpu.vector_load %arg8[%get3A_130, %get3A_131] {strides = array<i32>} : memref<160x128xf32, #tpu.memory_space<vmem>>, vector<16xf32>,
      %bitcast3A_133 = vector.bitcast %get3A_132 : vector<16xf32> to vector<16xi32>
      %and3A_134 = arith.constant 65535 : i32
      %and3A_135 = vector.broadcast %and3A_134 : i32 to vector<16xi32>
      %and3A_136 = arith.andi %bitcast3A_133, %and3A_135 : vector<16xi32>
      %swap3A_137 = arith.index_cast %scan3A_85 : i32 to index
      %swap3A_138 = arith.constant 48 : index
      %swap3A_139 = tpu.vector_load %arg9[%swap3A_137, %swap3A_138] {strides = array<i32>} : memref<160x128xi32, #tpu.memory_space<vmem>>, vector<16xi32>,
      tpu.vector_store %arg9[%swap3A_137, %swap3A_138], %and3A_136 {strides = array<i32>} : memref<160x128xi32, #tpu.memory_space<vmem>>, vector<16xi32>,
      %shift_right_logical3A_140 = arith.constant 16 : i32
      %shift_right_logical3A_141 = vector.broadcast %shift_right_logical3A_140 : i32 to vector<16xi32>
      %shift_right_logical3A_142 = arith.shrui %bitcast3A_133, %shift_right_logical3A_141 : vector<16xi32>
      %swap3A_143 = arith.index_cast %scan3A_85 : i32 to index
      %swap3A_144 = arith.constant 48 : index
      %swap3A_145 = tpu.vector_load %arg10[%swap3A_143, %swap3A_144] {strides = array<i32>} : memref<160x128xi32, #tpu.memory_space<vmem>>, vector<16xi32>,
      tpu.vector_store %arg10[%swap3A_143, %swap3A_144], %shift_right_logical3A_142 {strides = array<i32>} : memref<160x128xi32, #tpu.memory_space<vmem>>, vector<16xi32>,
      %get3A_146 = arith.index_cast %scan3A_85 : i32 to index
      %get3A_147 = arith.constant 64 : index
      %get3A_148 = tpu.vector_load %arg8[%get3A_146, %get3A_147] {strides = array<i32>} : memref<160x128xf32, #tpu.memory_space<vmem>>, vector<16xf32>,
      %bitcast3A_149 = vector.bitcast %get3A_148 : vector<16xf32> to vector<16xi32>
      %and3A_150 = arith.constant 65535 : i32
      %and3A_151 = vector.broadcast %and3A_150 : i32 to vector<16xi32>
      %and3A_152 = arith.andi %bitcast3A_149, %and3A_151 : vector<16xi32>
      %swap3A_153 = arith.index_cast %scan3A_85 : i32 to index
      %swap3A_154 = arith.constant 64 : index
      %swap3A_155 = tpu.vector_load %arg9[%swap3A_153, %swap3A_154] {strides = array<i32>} : memref<160x128xi32, #tpu.memory_space<vmem>>, vector<16xi32>,
      tpu.vector_store %arg9[%swap3A_153, %swap3A_154], %and3A_152 {strides = array<i32>} : memref<160x128xi32, #tpu.memory_space<vmem>>, vector<16xi32>,
      %shift_right_logical3A_156 = arith.constant 16 : i32
      %shift_right_logical3A_157 = vector.broadcast %shift_right_logical3A_156 : i32 to vector<16xi32>
      %shift_right_logical3A_158 = arith.shrui %bitcast3A_149, %shift_right_logical3A_157 : vector<16xi32>
      %swap3A_159 = arith.index_cast %scan3A_85 : i32 to index
      %swap3A_160 = arith.constant 64 : index
      %swap3A_161 = tpu.vector_load %arg10[%swap3A_159, %swap3A_160] {strides = array<i32>} : memref<160x128xi32, #tpu.memory_space<vmem>>, vector<16xi32>,
      tpu.vector_store %arg10[%swap3A_159, %swap3A_160], %shift_right_logical3A_158 {strides = array<i32>} : memref<160x128xi32, #tpu.memory_space<vmem>>, vector<16xi32>,
      %get3A_162 = arith.index_cast %scan3A_85 : i32 to index
      %get3A_163 = arith.constant 80 : index
      %get3A_164 = tpu.vector_load %arg8[%get3A_162, %get3A_163] {strides = array<i32>} : memref<160x128xf32, #tpu.memory_space<vmem>>, vector<16xf32>,
      %bitcast3A_165 = vector.bitcast %get3A_164 : vector<16xf32> to vector<16xi32>
      %and3A_166 = arith.constant 65535 : i32
      %and3A_167 = vector.broadcast %and3A_166 : i32 to vector<16xi32>
      %and3A_168 = arith.andi %bitcast3A_165, %and3A_167 : vector<16xi32>
      %swap3A_169 = arith.index_cast %scan3A_85 : i32 to index
      %swap3A_170 = arith.constant 80 : index
      %swap3A_171 = tpu.vector_load %arg9[%swap3A_169, %swap3A_170] {strides = array<i32>} : memref<160x128xi32, #tpu.memory_space<vmem>>, vector<16xi32>,
      tpu.vector_store %arg9[%swap3A_169, %swap3A_170], %and3A_168 {strides = array<i32>} : memref<160x128xi32, #tpu.memory_space<vmem>>, vector<16xi32>,
      %shift_right_logical3A_172 = arith.constant 16 : i32
      %shift_right_logical3A_173 = vector.broadcast %shift_right_logical3A_172 : i32 to vector<16xi32>
      %shift_right_logical3A_174 = arith.shrui %bitcast3A_165, %shift_right_logical3A_173 : vector<16xi32>
      %swap3A_175 = arith.index_cast %scan3A_85 : i32 to index
      %swap3A_176 = arith.constant 80 : index
      %swap3A_177 = tpu.vector_load %arg10[%swap3A_175, %swap3A_176] {strides = array<i32>} : memref<160x128xi32, #tpu.memory_space<vmem>>, vector<16xi32>,
      tpu.vector_store %arg10[%swap3A_175, %swap3A_176], %shift_right_logical3A_174 {strides = array<i32>} : memref<160x128xi32, #tpu.memory_space<vmem>>, vector<16xi32>,
      %get3A_178 = arith.index_cast %scan3A_85 : i32 to index
      %get3A_179 = arith.constant 96 : index
      %get3A_180 = tpu.vector_load %arg8[%get3A_178, %get3A_179] {strides = array<i32>} : memref<160x128xf32, #tpu.memory_space<vmem>>, vector<16xf32>,
      %bitcast3A_181 = vector.bitcast %get3A_180 : vector<16xf32> to vector<16xi32>
      %and3A_182 = arith.constant 65535 : i32
      %and3A_183 = vector.broadcast %and3A_182 : i32 to vector<16xi32>
      %and3A_184 = arith.andi %bitcast3A_181, %and3A_183 : vector<16xi32>
      %swap3A_185 = arith.index_cast %scan3A_85 : i32 to index
      %swap3A_186 = arith.constant 96 : index
      %swap3A_187 = tpu.vector_load %arg9[%swap3A_185, %swap3A_186] {strides = array<i32>} : memref<160x128xi32, #tpu.memory_space<vmem>>, vector<16xi32>,
      tpu.vector_store %arg9[%swap3A_185, %swap3A_186], %and3A_184 {strides = array<i32>} : memref<160x128xi32, #tpu.memory_space<vmem>>, vector<16xi32>,
      %shift_right_logical3A_188 = arith.constant 16 : i32
      %shift_right_logical3A_189 = vector.broadcast %shift_right_logical3A_188 : i32 to vector<16xi32>
      %shift_right_logical3A_190 = arith.shrui %bitcast3A_181, %shift_right_logical3A_189 : vector<16xi32>
      %swap3A_191 = arith.index_cast %scan3A_85 : i32 to index
      %swap3A_192 = arith.constant 96 : index
      %swap3A_193 = tpu.vector_load %arg10[%swap3A_191, %swap3A_192] {strides = array<i32>} : memref<160x128xi32, #tpu.memory_space<vmem>>, vector<16xi32>,
      tpu.vector_store %arg10[%swap3A_191, %swap3A_192], %shift_right_logical3A_190 {strides = array<i32>} : memref<160x128xi32, #tpu.memory_space<vmem>>, vector<16xi32>,
      %get3A_194 = arith.index_cast %scan3A_85 : i32 to index
      %get3A_195 = arith.constant 112 : index
      %get3A_196 = tpu.vector_load %arg8[%get3A_194, %get3A_195] {strides = array<i32>} : memref<160x128xf32, #tpu.memory_space<vmem>>, vector<16xf32>,
      %bitcast3A_197 = vector.bitcast %get3A_196 : vector<16xf32> to vector<16xi32>
      %and3A_198 = arith.constant 65535 : i32
      %and3A_199 = vector.broadcast %and3A_198 : i32 to vector<16xi32>
      %and3A_200 = arith.andi %bitcast3A_197, %and3A_199 : vector<16xi32>
      %swap3A_201 = arith.index_cast %scan3A_85 : i32 to index
      %swap3A_202 = arith.constant 112 : index
      %swap3A_203 = tpu.vector_load %arg9[%swap3A_201, %swap3A_202] {strides = array<i32>} : memref<160x128xi32, #tpu.memory_space<vmem>>, vector<16xi32>,
      tpu.vector_store %arg9[%swap3A_201, %swap3A_202], %and3A_200 {strides = array<i32>} : memref<160x128xi32, #tpu.memory_space<vmem>>, vector<16xi32>,
      %shift_right_logical3A_204 = arith.constant 16 : i32
      %shift_right_logical3A_205 = vector.broadcast %shift_right_logical3A_204 : i32 to vector<16xi32>
      %shift_right_logical3A_206 = arith.shrui %bitcast3A_197, %shift_right_logical3A_205 : vector<16xi32>
      %swap3A_207 = arith.index_cast %scan3A_85 : i32 to index
      %swap3A_208 = arith.constant 112 : index
      %swap3A_209 = tpu.vector_load %arg10[%swap3A_207, %swap3A_208] {strides = array<i32>} : memref<160x128xi32, #tpu.memory_space<vmem>>, vector<16xi32>,
      tpu.vector_store %arg10[%swap3A_207, %swap3A_208], %shift_right_logical3A_206 {strides = array<i32>} : memref<160x128xi32, #tpu.memory_space<vmem>>, vector<16xi32>,
      %scan3A_210 = arith.constant 0 : i32
      scf.yield %scan3A_210 : i32
    }
    %scan3A_44 = arith.constant 160 : i32
    %barrier3A = arith.constant 0 : index
    tpu.barrier barrier_id(%barrier3A)
    %dma_start3A = arith.constant 0 : i32
    %dma_start3A_45 = arith.constant 0 : i32
    %dma_start3A_46 = arith.constant 0 : i32
    %dma_start3A_47 = arith.constant 0 : i32
    %dma_start3A_48 = arith.constant 0 : i32
    %dma_start3A_49 = tpu.memref_slice %arg11[%dma_start3A_45, %dma_start3A_47, %dma_start3A_48] : memref<2x128x32xf32, #tpu.memory_space<vmem>> -> memref<1x128x32xf32, #tpu.memory_space<vmem>>
    %dma_start3A_50 = tpu.memref_squeeze %dma_start3A_49 : memref<1x128x32xf32, #tpu.memory_space<vmem>> -> memref<128x32xf32, #tpu.memory_space<vmem>>
    %dma_start3A_51 = arith.constant 0 : i32
    %dma_start3A_52 = tpu.memref_slice %arg9[%dma_start3A, %dma_start3A_51] : memref<160x128xi32, #tpu.memory_space<vmem>> -> memref<1x128xi32, #tpu.memory_space<vmem>>
    %dma_start3A_53 = tpu.memref_squeeze %dma_start3A_52 : memref<1x128xi32, #tpu.memory_space<vmem>> -> memref<128xi32, #tpu.memory_space<vmem>>
    %dma_start3A_54 = arith.constant 0 : i32
    %dma_start3A_55 = arith.constant 0 : i32
    %dma_start3A_56 = tpu.memref_slice %arg7[%dma_start3A_54, %dma_start3A_55] : memref<10240x32xf32, #tpu.memory_space<vmem_shared>> -> memref<10240x32xf32, #tpu.memory_space<vmem_shared>>
    %dma_start3A_57 = tpu.memref_slice %arg13[%dma_start3A_46] : memref<2x!tpu.dma_semaphore, #tpu.memory_space<semaphore_mem>> -> memref<1x!tpu.dma_semaphore, #tpu.memory_space<semaphore_mem>>
    %dma_start3A_58 = tpu.memref_squeeze %dma_start3A_57 : memref<1x!tpu.dma_semaphore, #tpu.memory_space<semaphore_mem>> -> memref<!tpu.dma_semaphore, #tpu.memory_space<semaphore_mem>>
    tpu.enqueue_indirect_dma source(%dma_start3A_56 : memref<10240x32xf32, #tpu.memory_space<vmem_shared>>) target(%dma_start3A_50 : memref<128x32xf32, #tpu.memory_space<vmem>>) offsets(%dma_start3A_53 : memref<128xi32, #tpu.memory_space<vmem>>) semaphore(%dma_start3A_58 : memref<!tpu.dma_semaphore, #tpu.memory_space<semaphore_mem>>)
    %scan3A_59 = arith.constant 0 : i32
    %scan3A_60 = arith.constant 0 : i32
    %scan3A_61 = arith.constant 160 : i32
    %scan3A_62 = arith.addi %scan3A_60, %scan3A_61 : i32
    %scan3A_63 = arith.constant 1 : i32
    %scan3A_64 = scf.for %scan3A_85 = %scan3A_60 to %scan3A_62 step %scan3A_63 iter_args(%scan3A_86 = %scan3A_59) -> (i32)  : i32 {
      %rem3A_87 = arith.constant 2 : i32
      %rem3A_88 = arith.remsi %scan3A_85, %rem3A_87 : i32
      %ge3A = arith.constant 1 : i32
      %ge3A_89 = arith.cmpi sge, %scan3A_85, %ge3A : i32
      %convert_element_type3A_90 = arith.extui %ge3A_89 : i1 to i32
      %cond3A_91 = arith.constant 0 : i32
      %cond3A_92 = arith.cmpi ne, %convert_element_type3A_90, %cond3A_91 : i32
      scf.if %cond3A_92 {
        %sub3A = arith.constant 1 : i32
        %sub3A_124 = arith.subi %sub3A, %rem3A_88 : i32
        %sub3A_125 = arith.constant 1 : i32
        %sub3A_126 = arith.subi %scan3A_85, %sub3A_125 : i32
        %sub3A_127 = arith.constant 1 : i32
        %sub3A_128 = arith.subi %sub3A_127, %rem3A_88 : i32
        %dma_wait3A_129 = arith.constant 0 : i32
        %dma_wait3A_130 = arith.constant 0 : i32
        %dma_wait3A_131 = tpu.memref_slice %arg11[%sub3A_124, %dma_wait3A_129, %dma_wait3A_130] : memref<2x128x32xf32, #tpu.memory_space<vmem>> -> memref<1x128x32xf32, #tpu.memory_space<vmem>>
        %dma_wait3A_132 = tpu.memref_squeeze %dma_wait3A_131 : memref<1x128x32xf32, #tpu.memory_space<vmem>> -> memref<128x32xf32, #tpu.memory_space<vmem>>
        %dma_wait3A_133 = arith.constant 0 : i32
        %dma_wait3A_134 = tpu.memref_slice %arg10[%sub3A_126, %dma_wait3A_133] : memref<160x128xi32, #tpu.memory_space<vmem>> -> memref<1x128xi32, #tpu.memory_space<vmem>>
        %dma_wait3A_135 = tpu.memref_squeeze %dma_wait3A_134 : memref<1x128xi32, #tpu.memory_space<vmem>> -> memref<128xi32, #tpu.memory_space<vmem>>
        %dma_wait3A_136 = arith.constant 0 : i32
        %dma_wait3A_137 = arith.constant 0 : i32
        %dma_wait3A_138 = tpu.memref_slice %arg6[%dma_wait3A_136, %dma_wait3A_137] : memref<10240x32xf32, #tpu.memory_space<vmem_shared>> -> memref<10240x32xf32, #tpu.memory_space<vmem_shared>>
        %dma_wait3A_139 = tpu.memref_slice %arg14[%sub3A_128] : memref<2x!tpu.dma_semaphore, #tpu.memory_space<semaphore_mem>> -> memref<1x!tpu.dma_semaphore, #tpu.memory_space<semaphore_mem>>
        %dma_wait3A_140 = tpu.memref_squeeze %dma_wait3A_139 : memref<1x!tpu.dma_semaphore, #tpu.memory_space<semaphore_mem>> -> memref<!tpu.dma_semaphore, #tpu.memory_space<semaphore_mem>>
        tpu.wait_indirect_dma semaphore(%dma_wait3A_140 : memref<!tpu.dma_semaphore, #tpu.memory_space<semaphore_mem>>) src(%dma_wait3A_132 : memref<128x32xf32, #tpu.memory_space<vmem>>) dst(%dma_wait3A_138 : memref<10240x32xf32, #tpu.memory_space<vmem_shared>>)
      } else {
      }
      %add3A_93 = arith.constant 1 : i32
      %add3A_94 = arith.addi %scan3A_85, %add3A_93 : i32
      %lt3A = arith.constant 160 : i32
      %lt3A_95 = arith.cmpi slt, %add3A_94, %lt3A : i32
      %convert_element_type3A_96 = arith.extui %lt3A_95 : i1 to i32
      %cond3A_97 = arith.constant 0 : i32
      %cond3A_98 = arith.cmpi ne, %convert_element_type3A_96, %cond3A_97 : i32
      scf.if %cond3A_98 {
        %add3A_124 = arith.constant 1 : i32
        %add3A_125 = arith.addi %scan3A_85, %add3A_124 : i32
        %sub3A = arith.constant 1 : i32
        %sub3A_126 = arith.subi %sub3A, %rem3A_88 : i32
        %sub3A_127 = arith.constant 1 : i32
        %sub3A_128 = arith.subi %sub3A_127, %rem3A_88 : i32
        %dma_start3A_129 = arith.constant 0 : i32
        %dma_start3A_130 = arith.constant 0 : i32
        %dma_start3A_131 = tpu.memref_slice %arg11[%sub3A_126, %dma_start3A_129, %dma_start3A_130] : memref<2x128x32xf32, #tpu.memory_space<vmem>> -> memref<1x128x32xf32, #tpu.memory_space<vmem>>
        %dma_start3A_132 = tpu.memref_squeeze %dma_start3A_131 : memref<1x128x32xf32, #tpu.memory_space<vmem>> -> memref<128x32xf32, #tpu.memory_space<vmem>>
        %dma_start3A_133 = arith.constant 0 : i32
        %dma_start3A_134 = tpu.memref_slice %arg9[%add3A_125, %dma_start3A_133] : memref<160x128xi32, #tpu.memory_space<vmem>> -> memref<1x128xi32, #tpu.memory_space<vmem>>
        %dma_start3A_135 = tpu.memref_squeeze %dma_start3A_134 : memref<1x128xi32, #tpu.memory_space<vmem>> -> memref<128xi32, #tpu.memory_space<vmem>>
        %dma_start3A_136 = arith.constant 0 : i32
        %dma_start3A_137 = arith.constant 0 : i32
        %dma_start3A_138 = tpu.memref_slice %arg7[%dma_start3A_136, %dma_start3A_137] : memref<10240x32xf32, #tpu.memory_space<vmem_shared>> -> memref<10240x32xf32, #tpu.memory_space<vmem_shared>>
        %dma_start3A_139 = tpu.memref_slice %arg13[%sub3A_128] : memref<2x!tpu.dma_semaphore, #tpu.memory_space<semaphore_mem>> -> memref<1x!tpu.dma_semaphore, #tpu.memory_space<semaphore_mem>>
        %dma_start3A_140 = tpu.memref_squeeze %dma_start3A_139 : memref<1x!tpu.dma_semaphore, #tpu.memory_space<semaphore_mem>> -> memref<!tpu.dma_semaphore, #tpu.memory_space<semaphore_mem>>
        tpu.enqueue_indirect_dma source(%dma_start3A_138 : memref<10240x32xf32, #tpu.memory_space<vmem_shared>>) target(%dma_start3A_132 : memref<128x32xf32, #tpu.memory_space<vmem>>) offsets(%dma_start3A_135 : memref<128xi32, #tpu.memory_space<vmem>>) semaphore(%dma_start3A_140 : memref<!tpu.dma_semaphore, #tpu.memory_space<semaphore_mem>>)
      } else {
      }
      %dma_wait3A_99 = arith.constant 0 : i32
      %dma_wait3A_100 = arith.constant 0 : i32
      %dma_wait3A_101 = tpu.memref_slice %arg11[%rem3A_88, %dma_wait3A_99, %dma_wait3A_100] : memref<2x128x32xf32, #tpu.memory_space<vmem>> -> memref<1x128x32xf32, #tpu.memory_space<vmem>>
      %dma_wait3A_102 = tpu.memref_squeeze %dma_wait3A_101 : memref<1x128x32xf32, #tpu.memory_space<vmem>> -> memref<128x32xf32, #tpu.memory_space<vmem>>
      %dma_wait3A_103 = arith.constant 0 : i32
      %dma_wait3A_104 = tpu.memref_slice %arg9[%scan3A_85, %dma_wait3A_103] : memref<160x128xi32, #tpu.memory_space<vmem>> -> memref<1x128xi32, #tpu.memory_space<vmem>>
      %dma_wait3A_105 = tpu.memref_squeeze %dma_wait3A_104 : memref<1x128xi32, #tpu.memory_space<vmem>> -> memref<128xi32, #tpu.memory_space<vmem>>
      %dma_wait3A_106 = arith.constant 0 : i32
      %dma_wait3A_107 = arith.constant 0 : i32
      %dma_wait3A_108 = tpu.memref_slice %arg7[%dma_wait3A_106, %dma_wait3A_107] : memref<10240x32xf32, #tpu.memory_space<vmem_shared>> -> memref<10240x32xf32, #tpu.memory_space<vmem_shared>>
      %dma_wait3A_109 = tpu.memref_slice %arg13[%rem3A_88] : memref<2x!tpu.dma_semaphore, #tpu.memory_space<semaphore_mem>> -> memref<1x!tpu.dma_semaphore, #tpu.memory_space<semaphore_mem>>
      %dma_wait3A_110 = tpu.memref_squeeze %dma_wait3A_109 : memref<1x!tpu.dma_semaphore, #tpu.memory_space<semaphore_mem>> -> memref<!tpu.dma_semaphore, #tpu.memory_space<semaphore_mem>>
      tpu.wait_indirect_dma semaphore(%dma_wait3A_110 : memref<!tpu.dma_semaphore, #tpu.memory_space<semaphore_mem>>) src(%dma_wait3A_108 : memref<10240x32xf32, #tpu.memory_space<vmem_shared>>) dst(%dma_wait3A_102 : memref<128x32xf32, #tpu.memory_space<vmem>>)
      %dma_start3A_111 = arith.constant 0 : i32
      %dma_start3A_112 = arith.constant 0 : i32
      %dma_start3A_113 = tpu.memref_slice %arg11[%rem3A_88, %dma_start3A_111, %dma_start3A_112] : memref<2x128x32xf32, #tpu.memory_space<vmem>> -> memref<1x128x32xf32, #tpu.memory_space<vmem>>
      %dma_start3A_114 = tpu.memref_squeeze %dma_start3A_113 : memref<1x128x32xf32, #tpu.memory_space<vmem>> -> memref<128x32xf32, #tpu.memory_space<vmem>>
      %dma_start3A_115 = arith.constant 0 : i32
      %dma_start3A_116 = tpu.memref_slice %arg10[%scan3A_85, %dma_start3A_115] : memref<160x128xi32, #tpu.memory_space<vmem>> -> memref<1x128xi32, #tpu.memory_space<vmem>>
      %dma_start3A_117 = tpu.memref_squeeze %dma_start3A_116 : memref<1x128xi32, #tpu.memory_space<vmem>> -> memref<128xi32, #tpu.memory_space<vmem>>
      %dma_start3A_118 = arith.constant 0 : i32
      %dma_start3A_119 = arith.constant 0 : i32
      %dma_start3A_120 = tpu.memref_slice %arg6[%dma_start3A_118, %dma_start3A_119] : memref<10240x32xf32, #tpu.memory_space<vmem_shared>> -> memref<10240x32xf32, #tpu.memory_space<vmem_shared>>
      %dma_start3A_121 = tpu.memref_slice %arg14[%rem3A_88] : memref<2x!tpu.dma_semaphore, #tpu.memory_space<semaphore_mem>> -> memref<1x!tpu.dma_semaphore, #tpu.memory_space<semaphore_mem>>
      %dma_start3A_122 = tpu.memref_squeeze %dma_start3A_121 : memref<1x!tpu.dma_semaphore, #tpu.memory_space<semaphore_mem>> -> memref<!tpu.dma_semaphore, #tpu.memory_space<semaphore_mem>>
      tpu.enqueue_indirect_dma source(%dma_start3A_114 : memref<128x32xf32, #tpu.memory_space<vmem>>) target(%dma_start3A_120 : memref<10240x32xf32, #tpu.memory_space<vmem_shared>>) offsets(%dma_start3A_117 : memref<128xi32, #tpu.memory_space<vmem>>) semaphore(%dma_start3A_122 : memref<!tpu.dma_semaphore, #tpu.memory_space<semaphore_mem>>) {add = true}
      %scan3A_123 = arith.constant 0 : i32
      scf.yield %scan3A_123 : i32
    }
    %scan3A_65 = arith.constant 160 : i32
    %rem3A = arith.constant 159 : i32
    %rem3A_66 = arith.constant 2 : i32
    %rem3A_67 = arith.remsi %rem3A, %rem3A_66 : i32
    %dma_wait3A = arith.constant 159 : i32
    %dma_wait3A_68 = arith.constant 0 : i32
    %dma_wait3A_69 = arith.constant 0 : i32
    %dma_wait3A_70 = tpu.memref_slice %arg11[%rem3A_67, %dma_wait3A_68, %dma_wait3A_69] : memref<2x128x32xf32, #tpu.memory_space<vmem>> -> memref<1x128x32xf32, #tpu.memory_space<vmem>>
    %dma_wait3A_71 = tpu.memref_squeeze %dma_wait3A_70 : memref<1x128x32xf32, #tpu.memory_space<vmem>> -> memref<128x32xf32, #tpu.memory_space<vmem>>
    %dma_wait3A_72 = arith.constant 0 : i32
    %dma_wait3A_73 = tpu.memref_slice %arg10[%dma_wait3A, %dma_wait3A_72] : memref<160x128xi32, #tpu.memory_space<vmem>> -> memref<1x128xi32, #tpu.memory_space<vmem>>
    %dma_wait3A_74 = tpu.memref_squeeze %dma_wait3A_73 : memref<1x128xi32, #tpu.memory_space<vmem>> -> memref<128xi32, #tpu.memory_space<vmem>>
    %dma_wait3A_75 = arith.constant 0 : i32
    %dma_wait3A_76 = arith.constant 0 : i32
    %dma_wait3A_77 = tpu.memref_slice %arg6[%dma_wait3A_75, %dma_wait3A_76] : memref<10240x32xf32, #tpu.memory_space<vmem_shared>> -> memref<10240x32xf32, #tpu.memory_space<vmem_shared>>
    %dma_wait3A_78 = tpu.memref_slice %arg14[%rem3A_67] : memref<2x!tpu.dma_semaphore, #tpu.memory_space<semaphore_mem>> -> memref<1x!tpu.dma_semaphore, #tpu.memory_space<semaphore_mem>>
    %dma_wait3A_79 = tpu.memref_squeeze %dma_wait3A_78 : memref<1x!tpu.dma_semaphore, #tpu.memory_space<semaphore_mem>> -> memref<!tpu.dma_semaphore, #tpu.memory_space<semaphore_mem>>
    tpu.wait_indirect_dma semaphore(%dma_wait3A_79 : memref<!tpu.dma_semaphore, #tpu.memory_space<semaphore_mem>>) src(%dma_wait3A_71 : memref<128x32xf32, #tpu.memory_space<vmem>>) dst(%dma_wait3A_77 : memref<10240x32xf32, #tpu.memory_space<vmem_shared>>)
    %barrier3A_80 = arith.constant 0 : index
    tpu.barrier barrier_id(%barrier3A_80)
    %mul3A_81 = arith.constant 640 : i32
    %mul3A_82 = arith.muli %arg1, %mul3A_81 : i32
    %mul3A_83 = arith.constant 640 : i32
    %mul3A_84 = arith.muli %arg1, %mul3A_83 : i32
    "tpu.region"() ({
      %run_scoped3A = tpu.sem_alloc : memref<!tpu.dma_semaphore, #tpu.memory_space<semaphore_mem>>
      %dma_start3A_85 = arith.constant 0 : i32
      %dma_start3A_86 = tpu.memref_slice %arg5[%arg0, %mul3A_84, %dma_start3A_85] : memref<2x10240x32xf32, #tpu.memory_space<hbm>> -> memref<1x640x32xf32, #tpu.memory_space<hbm>>
      %dma_start3A_87 = tpu.memref_squeeze %dma_start3A_86 : memref<1x640x32xf32, #tpu.memory_space<hbm>> -> memref<640x32xf32, #tpu.memory_space<hbm>>
      %dma_start3A_88 = arith.constant 0 : i32
      %dma_start3A_89 = tpu.memref_slice %arg6[%mul3A_82, %dma_start3A_88] : memref<10240x32xf32, #tpu.memory_space<vmem_shared>> -> memref<640x32xf32, #tpu.memory_space<vmem_shared>>
      tpu.enqueue_dma source(%dma_start3A_89 : memref<640x32xf32, #tpu.memory_space<vmem_shared>>) target(%dma_start3A_87 : memref<640x32xf32, #tpu.memory_space<hbm>>) target_semaphore(%run_scoped3A : memref<!tpu.dma_semaphore, #tpu.memory_space<semaphore_mem>>)
      %dma_wait3A_90 = arith.constant 0 : i32
      %dma_wait3A_91 = tpu.memref_slice %arg5[%arg0, %mul3A_84, %dma_wait3A_90] : memref<2x10240x32xf32, #tpu.memory_space<hbm>> -> memref<1x640x32xf32, #tpu.memory_space<hbm>>
      %dma_wait3A_92 = tpu.memref_squeeze %dma_wait3A_91 : memref<1x640x32xf32, #tpu.memory_space<hbm>> -> memref<640x32xf32, #tpu.memory_space<hbm>>
      %dma_wait3A_93 = arith.constant 0 : i32
      %dma_wait3A_94 = tpu.memref_slice %arg6[%mul3A_82, %dma_wait3A_93] : memref<10240x32xf32, #tpu.memory_space<vmem_shared>> -> memref<640x32xf32, #tpu.memory_space<vmem_shared>>
      tpu.wait_dma2 semaphore(%run_scoped3A : memref<!tpu.dma_semaphore, #tpu.memory_space<semaphore_mem>>) src(%dma_wait3A_94 : memref<640x32xf32, #tpu.memory_space<vmem_shared>>) dst(%dma_wait3A_92 : memref<640x32xf32, #tpu.memory_space<hbm>>)
      tpu.yield
    }) : () -> ()
    return
  }
}

#map = affine_map<(d0, d1) -> (0, 0)>
#map1 = affine_map<(d0, d1) -> (0, 0, 0)>
module attributes {stable_mosaic.version = 14 : i64} {
  func.func @_edge_body(%arg0: i32, %arg1: i32, %arg2: memref<10240x32xf32, #tpu.memory_space<hbm>>, %arg3: memref<10240x32xf32, #tpu.memory_space<hbm>>, %arg4: memref<2560x128xf32, #tpu.memory_space<hbm>>, %arg5: memref<2x10240x32xf32, #tpu.memory_space<hbm>>, %arg6: memref<10240x32xf32, #tpu.memory_space<vmem_shared>>, %arg7: memref<10240x32xf32, #tpu.memory_space<vmem_shared>>, %arg8: memref<160x128xf32, #tpu.memory_space<vmem>>, %arg9: memref<160x128xi32, #tpu.memory_space<vmem>>, %arg10: memref<160x128xi32, #tpu.memory_space<vmem>>, %arg11: memref<2x128x32xf32, #tpu.memory_space<vmem>>, %arg12: memref<320x32xf32, #tpu.memory_space<vmem>>, %arg13: memref<2x!tpu.dma_semaphore, #tpu.memory_space<semaphore_mem>>, %arg14: memref<2x!tpu.dma_semaphore, #tpu.memory_space<semaphore_mem>>) attributes {dimension_semantics = [#tpu.dimension_semantics<core_parallel>, #tpu.dimension_semantics<subcore_parallel>], iteration_bounds = array<i64: 2, 16>, scalar_prefetch = 0 : i64, scratch_operands = 9 : i64, tpu.core_type = #tpu.core_type<sc_vector_subcore>, window_params = [{transform_indices = #map}, {transform_indices = #map}, {transform_indices = #map}, {transform_indices = #map1}]} {
    %broadcast_in_dim3A = arith.constant 0.000000e+00 : f32
    %broadcast_in_dim3A_0 = vector.broadcast %broadcast_in_dim3A : f32 to vector<16xf32>
    %scan3A = arith.constant 0 : i32
    %scan3A_1 = arith.constant 0 : i32
    %scan3A_2 = arith.constant 320 : i32
    %scan3A_3 = arith.addi %scan3A_1, %scan3A_2 : i32
    %scan3A_4 = arith.constant 1 : i32
    %scan3A_5 = scf.for %scan3A_85 = %scan3A_1 to %scan3A_3 step %scan3A_4 iter_args(%scan3A_86 = %scan3A) -> (i32)  : i32 {
      %swap3A = arith.index_cast %scan3A_85 : i32 to index
      %swap3A_87 = arith.constant 0 : index
      %swap3A_88 = tpu.vector_load %arg12[%swap3A, %swap3A_87] {strides = array<i32>} : memref<320x32xf32, #tpu.memory_space<vmem>>, vector<16xf32>,
      tpu.vector_store %arg12[%swap3A, %swap3A_87], %broadcast_in_dim3A_0 {strides = array<i32>} : memref<320x32xf32, #tpu.memory_space<vmem>>, vector<16xf32>,
      %swap3A_89 = arith.index_cast %scan3A_85 : i32 to index
      %swap3A_90 = arith.constant 16 : index
      %swap3A_91 = tpu.vector_load %arg12[%swap3A_89, %swap3A_90] {strides = array<i32>} : memref<320x32xf32, #tpu.memory_space<vmem>>, vector<16xf32>,
      tpu.vector_store %arg12[%swap3A_89, %swap3A_90], %broadcast_in_dim3A_0 {strides = array<i32>} : memref<320x32xf32, #tpu.memory_space<vmem>>, vector<16xf32>,
      %scan3A_92 = arith.constant 0 : i32
      scf.yield %scan3A_92 : i32
    }
    %scan3A_6 = arith.constant 320 : i32
    %mul3A = arith.constant 640 : i32
    %mul3A_7 = arith.muli %arg1, %mul3A : i32
    "tpu.region"() ({
      %run_scoped3A = tpu.sem_alloc : memref<!tpu.dma_semaphore, #tpu.memory_space<semaphore_mem>>
      %dma_start3A_85 = arith.constant 0 : i32
      %dma_start3A_86 = tpu.memref_slice %arg6[%mul3A_7, %dma_start3A_85] : memref<10240x32xf32, #tpu.memory_space<vmem_shared>> -> memref<320x32xf32, #tpu.memory_space<vmem_shared>>
      %dma_start3A_87 = arith.constant 0 : i32
      %dma_start3A_88 = tpu.memref_slice %arg6[%mul3A_7, %dma_start3A_87] : memref<10240x32xf32, #tpu.memory_space<vmem_shared>> -> memref<320x32xf32, #tpu.memory_space<vmem_shared>>
      tpu.enqueue_dma source(%arg12 : memref<320x32xf32, #tpu.memory_space<vmem>>) target(%dma_start3A_88 : memref<320x32xf32, #tpu.memory_space<vmem_shared>>) target_semaphore(%run_scoped3A : memref<!tpu.dma_semaphore, #tpu.memory_space<semaphore_mem>>)
      %dma_wait3A_89 = arith.constant 0 : i32
      %dma_wait3A_90 = tpu.memref_slice %arg6[%mul3A_7, %dma_wait3A_89] : memref<10240x32xf32, #tpu.memory_space<vmem_shared>> -> memref<320x32xf32, #tpu.memory_space<vmem_shared>>
      %dma_wait3A_91 = arith.constant 0 : i32
      %dma_wait3A_92 = tpu.memref_slice %arg6[%mul3A_7, %dma_wait3A_91] : memref<10240x32xf32, #tpu.memory_space<vmem_shared>> -> memref<320x32xf32, #tpu.memory_space<vmem_shared>>
      tpu.wait_dma2 semaphore(%run_scoped3A : memref<!tpu.dma_semaphore, #tpu.memory_space<semaphore_mem>>) src(%arg12 : memref<320x32xf32, #tpu.memory_space<vmem>>) dst(%dma_wait3A_92 : memref<320x32xf32, #tpu.memory_space<vmem_shared>>)
      tpu.yield
    }) : () -> ()
    %mul3A_8 = arith.constant 640 : i32
    %mul3A_9 = arith.muli %arg1, %mul3A_8 : i32
    %add3A = arith.constant 320 : i32
    %add3A_10 = arith.addi %mul3A_9, %add3A : i32
    "tpu.region"() ({
      %run_scoped3A = tpu.sem_alloc : memref<!tpu.dma_semaphore, #tpu.memory_space<semaphore_mem>>
      %dma_start3A_85 = arith.constant 0 : i32
      %dma_start3A_86 = tpu.memref_slice %arg6[%add3A_10, %dma_start3A_85] : memref<10240x32xf32, #tpu.memory_space<vmem_shared>> -> memref<320x32xf32, #tpu.memory_space<vmem_shared>>
      %dma_start3A_87 = arith.constant 0 : i32
      %dma_start3A_88 = tpu.memref_slice %arg6[%add3A_10, %dma_start3A_87] : memref<10240x32xf32, #tpu.memory_space<vmem_shared>> -> memref<320x32xf32, #tpu.memory_space<vmem_shared>>
      tpu.enqueue_dma source(%arg12 : memref<320x32xf32, #tpu.memory_space<vmem>>) target(%dma_start3A_88 : memref<320x32xf32, #tpu.memory_space<vmem_shared>>) target_semaphore(%run_scoped3A : memref<!tpu.dma_semaphore, #tpu.memory_space<semaphore_mem>>)
      %dma_wait3A_89 = arith.constant 0 : i32
      %dma_wait3A_90 = tpu.memref_slice %arg6[%add3A_10, %dma_wait3A_89] : memref<10240x32xf32, #tpu.memory_space<vmem_shared>> -> memref<320x32xf32, #tpu.memory_space<vmem_shared>>
      %dma_wait3A_91 = arith.constant 0 : i32
      %dma_wait3A_92 = tpu.memref_slice %arg6[%add3A_10, %dma_wait3A_91] : memref<10240x32xf32, #tpu.memory_space<vmem_shared>> -> memref<320x32xf32, #tpu.memory_space<vmem_shared>>
      tpu.wait_dma2 semaphore(%run_scoped3A : memref<!tpu.dma_semaphore, #tpu.memory_space<semaphore_mem>>) src(%arg12 : memref<320x32xf32, #tpu.memory_space<vmem>>) dst(%dma_wait3A_92 : memref<320x32xf32, #tpu.memory_space<vmem_shared>>)
      tpu.yield
    }) : () -> ()
    %mul3A_11 = arith.constant 640 : i32
    %mul3A_12 = arith.muli %arg1, %mul3A_11 : i32
    %add3A_13 = arith.constant 0 : i32
    %add3A_14 = arith.addi %mul3A_12, %add3A_13 : i32
    %eq3A = arith.constant 0 : i32
    %eq3A_15 = arith.cmpi eq, %arg0, %eq3A : i32
    %convert_element_type3A = arith.extui %eq3A_15 : i1 to i32
    %cond3A = arith.constant 0 : i32
    %cond3A_16 = arith.cmpi ne, %convert_element_type3A, %cond3A : i32
    scf.if %cond3A_16 {
      "tpu.region"() ({
        %run_scoped3A = tpu.sem_alloc : memref<!tpu.dma_semaphore, #tpu.memory_space<semaphore_mem>>
        %dma_start3A_85 = arith.constant 0 : i32
        %dma_start3A_86 = tpu.memref_slice %arg2[%add3A_14, %dma_start3A_85] : memref<10240x32xf32, #tpu.memory_space<hbm>> -> memref<320x32xf32, #tpu.memory_space<hbm>>
        %dma_start3A_87 = arith.constant 0 : i32
        %dma_start3A_88 = tpu.memref_slice %arg2[%add3A_14, %dma_start3A_87] : memref<10240x32xf32, #tpu.memory_space<hbm>> -> memref<320x32xf32, #tpu.memory_space<hbm>>
        tpu.enqueue_dma source(%dma_start3A_88 : memref<320x32xf32, #tpu.memory_space<hbm>>) target(%arg12 : memref<320x32xf32, #tpu.memory_space<vmem>>) target_semaphore(%run_scoped3A : memref<!tpu.dma_semaphore, #tpu.memory_space<semaphore_mem>>)
        %dma_wait3A_89 = arith.constant 0 : i32
        %dma_wait3A_90 = tpu.memref_slice %arg2[%add3A_14, %dma_wait3A_89] : memref<10240x32xf32, #tpu.memory_space<hbm>> -> memref<320x32xf32, #tpu.memory_space<hbm>>
        %dma_wait3A_91 = arith.constant 0 : i32
        %dma_wait3A_92 = tpu.memref_slice %arg2[%add3A_14, %dma_wait3A_91] : memref<10240x32xf32, #tpu.memory_space<hbm>> -> memref<320x32xf32, #tpu.memory_space<hbm>>
        tpu.wait_dma2 semaphore(%run_scoped3A : memref<!tpu.dma_semaphore, #tpu.memory_space<semaphore_mem>>) src(%dma_wait3A_92 : memref<320x32xf32, #tpu.memory_space<hbm>>) dst(%arg12 : memref<320x32xf32, #tpu.memory_space<vmem>>)
        tpu.yield
      }) : () -> ()
    } else {
    }
    %eq3A_17 = arith.constant 1 : i32
    %eq3A_18 = arith.cmpi eq, %arg0, %eq3A_17 : i32
    %convert_element_type3A_19 = arith.extui %eq3A_18 : i1 to i32
    %cond3A_20 = arith.constant 0 : i32
    %cond3A_21 = arith.cmpi ne, %convert_element_type3A_19, %cond3A_20 : i32
    scf.if %cond3A_21 {
      "tpu.region"() ({
        %run_scoped3A = tpu.sem_alloc : memref<!tpu.dma_semaphore, #tpu.memory_space<semaphore_mem>>
        %dma_start3A_85 = arith.constant 0 : i32
        %dma_start3A_86 = tpu.memref_slice %arg3[%add3A_14, %dma_start3A_85] : memref<10240x32xf32, #tpu.memory_space<hbm>> -> memref<320x32xf32, #tpu.memory_space<hbm>>
        %dma_start3A_87 = arith.constant 0 : i32
        %dma_start3A_88 = tpu.memref_slice %arg3[%add3A_14, %dma_start3A_87] : memref<10240x32xf32, #tpu.memory_space<hbm>> -> memref<320x32xf32, #tpu.memory_space<hbm>>
        tpu.enqueue_dma source(%dma_start3A_88 : memref<320x32xf32, #tpu.memory_space<hbm>>) target(%arg12 : memref<320x32xf32, #tpu.memory_space<vmem>>) target_semaphore(%run_scoped3A : memref<!tpu.dma_semaphore, #tpu.memory_space<semaphore_mem>>)
        %dma_wait3A_89 = arith.constant 0 : i32
        %dma_wait3A_90 = tpu.memref_slice %arg3[%add3A_14, %dma_wait3A_89] : memref<10240x32xf32, #tpu.memory_space<hbm>> -> memref<320x32xf32, #tpu.memory_space<hbm>>
        %dma_wait3A_91 = arith.constant 0 : i32
        %dma_wait3A_92 = tpu.memref_slice %arg3[%add3A_14, %dma_wait3A_91] : memref<10240x32xf32, #tpu.memory_space<hbm>> -> memref<320x32xf32, #tpu.memory_space<hbm>>
        tpu.wait_dma2 semaphore(%run_scoped3A : memref<!tpu.dma_semaphore, #tpu.memory_space<semaphore_mem>>) src(%dma_wait3A_92 : memref<320x32xf32, #tpu.memory_space<hbm>>) dst(%arg12 : memref<320x32xf32, #tpu.memory_space<vmem>>)
        tpu.yield
      }) : () -> ()
    } else {
    }
    "tpu.region"() ({
      %run_scoped3A = tpu.sem_alloc : memref<!tpu.dma_semaphore, #tpu.memory_space<semaphore_mem>>
      %dma_start3A_85 = arith.constant 0 : i32
      %dma_start3A_86 = tpu.memref_slice %arg7[%add3A_14, %dma_start3A_85] : memref<10240x32xf32, #tpu.memory_space<vmem_shared>> -> memref<320x32xf32, #tpu.memory_space<vmem_shared>>
      %dma_start3A_87 = arith.constant 0 : i32
      %dma_start3A_88 = tpu.memref_slice %arg7[%add3A_14, %dma_start3A_87] : memref<10240x32xf32, #tpu.memory_space<vmem_shared>> -> memref<320x32xf32, #tpu.memory_space<vmem_shared>>
      tpu.enqueue_dma source(%arg12 : memref<320x32xf32, #tpu.memory_space<vmem>>) target(%dma_start3A_88 : memref<320x32xf32, #tpu.memory_space<vmem_shared>>) target_semaphore(%run_scoped3A : memref<!tpu.dma_semaphore, #tpu.memory_space<semaphore_mem>>)
      %dma_wait3A_89 = arith.constant 0 : i32
      %dma_wait3A_90 = tpu.memref_slice %arg7[%add3A_14, %dma_wait3A_89] : memref<10240x32xf32, #tpu.memory_space<vmem_shared>> -> memref<320x32xf32, #tpu.memory_space<vmem_shared>>
      %dma_wait3A_91 = arith.constant 0 : i32
      %dma_wait3A_92 = tpu.memref_slice %arg7[%add3A_14, %dma_wait3A_91] : memref<10240x32xf32, #tpu.memory_space<vmem_shared>> -> memref<320x32xf32, #tpu.memory_space<vmem_shared>>
      tpu.wait_dma2 semaphore(%run_scoped3A : memref<!tpu.dma_semaphore, #tpu.memory_space<semaphore_mem>>) src(%arg12 : memref<320x32xf32, #tpu.memory_space<vmem>>) dst(%dma_wait3A_92 : memref<320x32xf32, #tpu.memory_space<vmem_shared>>)
      tpu.yield
    }) : () -> ()
    %mul3A_22 = arith.constant 640 : i32
    %mul3A_23 = arith.muli %arg1, %mul3A_22 : i32
    %add3A_24 = arith.constant 320 : i32
    %add3A_25 = arith.addi %mul3A_23, %add3A_24 : i32
    %eq3A_26 = arith.constant 0 : i32
    %eq3A_27 = arith.cmpi eq, %arg0, %eq3A_26 : i32
    %convert_element_type3A_28 = arith.extui %eq3A_27 : i1 to i32
    %cond3A_29 = arith.constant 0 : i32
    %cond3A_30 = arith.cmpi ne, %convert_element_type3A_28, %cond3A_29 : i32
    scf.if %cond3A_30 {
      "tpu.region"() ({
        %run_scoped3A = tpu.sem_alloc : memref<!tpu.dma_semaphore, #tpu.memory_space<semaphore_mem>>
        %dma_start3A_85 = arith.constant 0 : i32
        %dma_start3A_86 = tpu.memref_slice %arg2[%add3A_25, %dma_start3A_85] : memref<10240x32xf32, #tpu.memory_space<hbm>> -> memref<320x32xf32, #tpu.memory_space<hbm>>
        %dma_start3A_87 = arith.constant 0 : i32
        %dma_start3A_88 = tpu.memref_slice %arg2[%add3A_25, %dma_start3A_87] : memref<10240x32xf32, #tpu.memory_space<hbm>> -> memref<320x32xf32, #tpu.memory_space<hbm>>
        tpu.enqueue_dma source(%dma_start3A_88 : memref<320x32xf32, #tpu.memory_space<hbm>>) target(%arg12 : memref<320x32xf32, #tpu.memory_space<vmem>>) target_semaphore(%run_scoped3A : memref<!tpu.dma_semaphore, #tpu.memory_space<semaphore_mem>>)
        %dma_wait3A_89 = arith.constant 0 : i32
        %dma_wait3A_90 = tpu.memref_slice %arg2[%add3A_25, %dma_wait3A_89] : memref<10240x32xf32, #tpu.memory_space<hbm>> -> memref<320x32xf32, #tpu.memory_space<hbm>>
        %dma_wait3A_91 = arith.constant 0 : i32
        %dma_wait3A_92 = tpu.memref_slice %arg2[%add3A_25, %dma_wait3A_91] : memref<10240x32xf32, #tpu.memory_space<hbm>> -> memref<320x32xf32, #tpu.memory_space<hbm>>
        tpu.wait_dma2 semaphore(%run_scoped3A : memref<!tpu.dma_semaphore, #tpu.memory_space<semaphore_mem>>) src(%dma_wait3A_92 : memref<320x32xf32, #tpu.memory_space<hbm>>) dst(%arg12 : memref<320x32xf32, #tpu.memory_space<vmem>>)
        tpu.yield
      }) : () -> ()
    } else {
    }
    %eq3A_31 = arith.constant 1 : i32
    %eq3A_32 = arith.cmpi eq, %arg0, %eq3A_31 : i32
    %convert_element_type3A_33 = arith.extui %eq3A_32 : i1 to i32
    %cond3A_34 = arith.constant 0 : i32
    %cond3A_35 = arith.cmpi ne, %convert_element_type3A_33, %cond3A_34 : i32
    scf.if %cond3A_35 {
      "tpu.region"() ({
        %run_scoped3A = tpu.sem_alloc : memref<!tpu.dma_semaphore, #tpu.memory_space<semaphore_mem>>
        %dma_start3A_85 = arith.constant 0 : i32
        %dma_start3A_86 = tpu.memref_slice %arg3[%add3A_25, %dma_start3A_85] : memref<10240x32xf32, #tpu.memory_space<hbm>> -> memref<320x32xf32, #tpu.memory_space<hbm>>
        %dma_start3A_87 = arith.constant 0 : i32
        %dma_start3A_88 = tpu.memref_slice %arg3[%add3A_25, %dma_start3A_87] : memref<10240x32xf32, #tpu.memory_space<hbm>> -> memref<320x32xf32, #tpu.memory_space<hbm>>
        tpu.enqueue_dma source(%dma_start3A_88 : memref<320x32xf32, #tpu.memory_space<hbm>>) target(%arg12 : memref<320x32xf32, #tpu.memory_space<vmem>>) target_semaphore(%run_scoped3A : memref<!tpu.dma_semaphore, #tpu.memory_space<semaphore_mem>>)
        %dma_wait3A_89 = arith.constant 0 : i32
        %dma_wait3A_90 = tpu.memref_slice %arg3[%add3A_25, %dma_wait3A_89] : memref<10240x32xf32, #tpu.memory_space<hbm>> -> memref<320x32xf32, #tpu.memory_space<hbm>>
        %dma_wait3A_91 = arith.constant 0 : i32
        %dma_wait3A_92 = tpu.memref_slice %arg3[%add3A_25, %dma_wait3A_91] : memref<10240x32xf32, #tpu.memory_space<hbm>> -> memref<320x32xf32, #tpu.memory_space<hbm>>
        tpu.wait_dma2 semaphore(%run_scoped3A : memref<!tpu.dma_semaphore, #tpu.memory_space<semaphore_mem>>) src(%dma_wait3A_92 : memref<320x32xf32, #tpu.memory_space<hbm>>) dst(%arg12 : memref<320x32xf32, #tpu.memory_space<vmem>>)
        tpu.yield
      }) : () -> ()
    } else {
    }
    "tpu.region"() ({
      %run_scoped3A = tpu.sem_alloc : memref<!tpu.dma_semaphore, #tpu.memory_space<semaphore_mem>>
      %dma_start3A_85 = arith.constant 0 : i32
      %dma_start3A_86 = tpu.memref_slice %arg7[%add3A_25, %dma_start3A_85] : memref<10240x32xf32, #tpu.memory_space<vmem_shared>> -> memref<320x32xf32, #tpu.memory_space<vmem_shared>>
      %dma_start3A_87 = arith.constant 0 : i32
      %dma_start3A_88 = tpu.memref_slice %arg7[%add3A_25, %dma_start3A_87] : memref<10240x32xf32, #tpu.memory_space<vmem_shared>> -> memref<320x32xf32, #tpu.memory_space<vmem_shared>>
      tpu.enqueue_dma source(%arg12 : memref<320x32xf32, #tpu.memory_space<vmem>>) target(%dma_start3A_88 : memref<320x32xf32, #tpu.memory_space<vmem_shared>>) target_semaphore(%run_scoped3A : memref<!tpu.dma_semaphore, #tpu.memory_space<semaphore_mem>>)
      %dma_wait3A_89 = arith.constant 0 : i32
      %dma_wait3A_90 = tpu.memref_slice %arg7[%add3A_25, %dma_wait3A_89] : memref<10240x32xf32, #tpu.memory_space<vmem_shared>> -> memref<320x32xf32, #tpu.memory_space<vmem_shared>>
      %dma_wait3A_91 = arith.constant 0 : i32
      %dma_wait3A_92 = tpu.memref_slice %arg7[%add3A_25, %dma_wait3A_91] : memref<10240x32xf32, #tpu.memory_space<vmem_shared>> -> memref<320x32xf32, #tpu.memory_space<vmem_shared>>
      tpu.wait_dma2 semaphore(%run_scoped3A : memref<!tpu.dma_semaphore, #tpu.memory_space<semaphore_mem>>) src(%arg12 : memref<320x32xf32, #tpu.memory_space<vmem>>) dst(%dma_wait3A_92 : memref<320x32xf32, #tpu.memory_space<vmem_shared>>)
      tpu.yield
    }) : () -> ()
    %mul3A_36 = arith.constant 160 : i32
    %mul3A_37 = arith.muli %arg1, %mul3A_36 : i32
    "tpu.region"() ({
      %run_scoped3A = tpu.sem_alloc : memref<!tpu.dma_semaphore, #tpu.memory_space<semaphore_mem>>
      %dma_start3A_85 = arith.constant 0 : i32
      %dma_start3A_86 = tpu.memref_slice %arg4[%mul3A_37, %dma_start3A_85] : memref<2560x128xf32, #tpu.memory_space<hbm>> -> memref<160x128xf32, #tpu.memory_space<hbm>>
      %dma_start3A_87 = arith.constant 0 : i32
      %dma_start3A_88 = tpu.memref_slice %arg4[%mul3A_37, %dma_start3A_87] : memref<2560x128xf32, #tpu.memory_space<hbm>> -> memref<160x128xf32, #tpu.memory_space<hbm>>
      tpu.enqueue_dma source(%dma_start3A_88 : memref<160x128xf32, #tpu.memory_space<hbm>>) target(%arg8 : memref<160x128xf32, #tpu.memory_space<vmem>>) target_semaphore(%run_scoped3A : memref<!tpu.dma_semaphore, #tpu.memory_space<semaphore_mem>>)
      %dma_wait3A_89 = arith.constant 0 : i32
      %dma_wait3A_90 = tpu.memref_slice %arg4[%mul3A_37, %dma_wait3A_89] : memref<2560x128xf32, #tpu.memory_space<hbm>> -> memref<160x128xf32, #tpu.memory_space<hbm>>
      %dma_wait3A_91 = arith.constant 0 : i32
      %dma_wait3A_92 = tpu.memref_slice %arg4[%mul3A_37, %dma_wait3A_91] : memref<2560x128xf32, #tpu.memory_space<hbm>> -> memref<160x128xf32, #tpu.memory_space<hbm>>
      tpu.wait_dma2 semaphore(%run_scoped3A : memref<!tpu.dma_semaphore, #tpu.memory_space<semaphore_mem>>) src(%dma_wait3A_92 : memref<160x128xf32, #tpu.memory_space<hbm>>) dst(%arg8 : memref<160x128xf32, #tpu.memory_space<vmem>>)
      tpu.yield
    }) : () -> ()
    %scan3A_38 = arith.constant 0 : i32
    %scan3A_39 = arith.constant 0 : i32
    %scan3A_40 = arith.constant 160 : i32
    %scan3A_41 = arith.addi %scan3A_39, %scan3A_40 : i32
    %scan3A_42 = arith.constant 1 : i32
    %scan3A_43 = scf.for %scan3A_85 = %scan3A_39 to %scan3A_41 step %scan3A_42 iter_args(%scan3A_86 = %scan3A_38) -> (i32)  : i32 {
      %get3A = arith.index_cast %scan3A_85 : i32 to index
      %get3A_87 = arith.constant 0 : index
      %get3A_88 = tpu.vector_load %arg8[%get3A, %get3A_87] {strides = array<i32>} : memref<160x128xf32, #tpu.memory_space<vmem>>, vector<16xf32>,
      %bitcast3A = vector.bitcast %get3A_88 : vector<16xf32> to vector<16xi32>
      %and3A = arith.constant 65535 : i32
      %and3A_89 = vector.broadcast %and3A : i32 to vector<16xi32>
      %and3A_90 = arith.andi %bitcast3A, %and3A_89 : vector<16xi32>
      %swap3A = arith.index_cast %scan3A_85 : i32 to index
      %swap3A_91 = arith.constant 0 : index
      %swap3A_92 = tpu.vector_load %arg9[%swap3A, %swap3A_91] {strides = array<i32>} : memref<160x128xi32, #tpu.memory_space<vmem>>, vector<16xi32>,
      tpu.vector_store %arg9[%swap3A, %swap3A_91], %and3A_90 {strides = array<i32>} : memref<160x128xi32, #tpu.memory_space<vmem>>, vector<16xi32>,
      %shift_right_logical3A = arith.constant 16 : i32
      %shift_right_logical3A_93 = vector.broadcast %shift_right_logical3A : i32 to vector<16xi32>
      %shift_right_logical3A_94 = arith.shrui %bitcast3A, %shift_right_logical3A_93 : vector<16xi32>
      %swap3A_95 = arith.index_cast %scan3A_85 : i32 to index
      %swap3A_96 = arith.constant 0 : index
      %swap3A_97 = tpu.vector_load %arg10[%swap3A_95, %swap3A_96] {strides = array<i32>} : memref<160x128xi32, #tpu.memory_space<vmem>>, vector<16xi32>,
      tpu.vector_store %arg10[%swap3A_95, %swap3A_96], %shift_right_logical3A_94 {strides = array<i32>} : memref<160x128xi32, #tpu.memory_space<vmem>>, vector<16xi32>,
      %get3A_98 = arith.index_cast %scan3A_85 : i32 to index
      %get3A_99 = arith.constant 16 : index
      %get3A_100 = tpu.vector_load %arg8[%get3A_98, %get3A_99] {strides = array<i32>} : memref<160x128xf32, #tpu.memory_space<vmem>>, vector<16xf32>,
      %bitcast3A_101 = vector.bitcast %get3A_100 : vector<16xf32> to vector<16xi32>
      %and3A_102 = arith.constant 65535 : i32
      %and3A_103 = vector.broadcast %and3A_102 : i32 to vector<16xi32>
      %and3A_104 = arith.andi %bitcast3A_101, %and3A_103 : vector<16xi32>
      %swap3A_105 = arith.index_cast %scan3A_85 : i32 to index
      %swap3A_106 = arith.constant 16 : index
      %swap3A_107 = tpu.vector_load %arg9[%swap3A_105, %swap3A_106] {strides = array<i32>} : memref<160x128xi32, #tpu.memory_space<vmem>>, vector<16xi32>,
      tpu.vector_store %arg9[%swap3A_105, %swap3A_106], %and3A_104 {strides = array<i32>} : memref<160x128xi32, #tpu.memory_space<vmem>>, vector<16xi32>,
      %shift_right_logical3A_108 = arith.constant 16 : i32
      %shift_right_logical3A_109 = vector.broadcast %shift_right_logical3A_108 : i32 to vector<16xi32>
      %shift_right_logical3A_110 = arith.shrui %bitcast3A_101, %shift_right_logical3A_109 : vector<16xi32>
      %swap3A_111 = arith.index_cast %scan3A_85 : i32 to index
      %swap3A_112 = arith.constant 16 : index
      %swap3A_113 = tpu.vector_load %arg10[%swap3A_111, %swap3A_112] {strides = array<i32>} : memref<160x128xi32, #tpu.memory_space<vmem>>, vector<16xi32>,
      tpu.vector_store %arg10[%swap3A_111, %swap3A_112], %shift_right_logical3A_110 {strides = array<i32>} : memref<160x128xi32, #tpu.memory_space<vmem>>, vector<16xi32>,
      %get3A_114 = arith.index_cast %scan3A_85 : i32 to index
      %get3A_115 = arith.constant 32 : index
      %get3A_116 = tpu.vector_load %arg8[%get3A_114, %get3A_115] {strides = array<i32>} : memref<160x128xf32, #tpu.memory_space<vmem>>, vector<16xf32>,
      %bitcast3A_117 = vector.bitcast %get3A_116 : vector<16xf32> to vector<16xi32>
      %and3A_118 = arith.constant 65535 : i32
      %and3A_119 = vector.broadcast %and3A_118 : i32 to vector<16xi32>
      %and3A_120 = arith.andi %bitcast3A_117, %and3A_119 : vector<16xi32>
      %swap3A_121 = arith.index_cast %scan3A_85 : i32 to index
      %swap3A_122 = arith.constant 32 : index
      %swap3A_123 = tpu.vector_load %arg9[%swap3A_121, %swap3A_122] {strides = array<i32>} : memref<160x128xi32, #tpu.memory_space<vmem>>, vector<16xi32>,
      tpu.vector_store %arg9[%swap3A_121, %swap3A_122], %and3A_120 {strides = array<i32>} : memref<160x128xi32, #tpu.memory_space<vmem>>, vector<16xi32>,
      %shift_right_logical3A_124 = arith.constant 16 : i32
      %shift_right_logical3A_125 = vector.broadcast %shift_right_logical3A_124 : i32 to vector<16xi32>
      %shift_right_logical3A_126 = arith.shrui %bitcast3A_117, %shift_right_logical3A_125 : vector<16xi32>
      %swap3A_127 = arith.index_cast %scan3A_85 : i32 to index
      %swap3A_128 = arith.constant 32 : index
      %swap3A_129 = tpu.vector_load %arg10[%swap3A_127, %swap3A_128] {strides = array<i32>} : memref<160x128xi32, #tpu.memory_space<vmem>>, vector<16xi32>,
      tpu.vector_store %arg10[%swap3A_127, %swap3A_128], %shift_right_logical3A_126 {strides = array<i32>} : memref<160x128xi32, #tpu.memory_space<vmem>>, vector<16xi32>,
      %get3A_130 = arith.index_cast %scan3A_85 : i32 to index
      %get3A_131 = arith.constant 48 : index
      %get3A_132 = tpu.vector_load %arg8[%get3A_130, %get3A_131] {strides = array<i32>} : memref<160x128xf32, #tpu.memory_space<vmem>>, vector<16xf32>,
      %bitcast3A_133 = vector.bitcast %get3A_132 : vector<16xf32> to vector<16xi32>
      %and3A_134 = arith.constant 65535 : i32
      %and3A_135 = vector.broadcast %and3A_134 : i32 to vector<16xi32>
      %and3A_136 = arith.andi %bitcast3A_133, %and3A_135 : vector<16xi32>
      %swap3A_137 = arith.index_cast %scan3A_85 : i32 to index
      %swap3A_138 = arith.constant 48 : index
      %swap3A_139 = tpu.vector_load %arg9[%swap3A_137, %swap3A_138] {strides = array<i32>} : memref<160x128xi32, #tpu.memory_space<vmem>>, vector<16xi32>,
      tpu.vector_store %arg9[%swap3A_137, %swap3A_138], %and3A_136 {strides = array<i32>} : memref<160x128xi32, #tpu.memory_space<vmem>>, vector<16xi32>,
      %shift_right_logical3A_140 = arith.constant 16 : i32
      %shift_right_logical3A_141 = vector.broadcast %shift_right_logical3A_140 : i32 to vector<16xi32>
      %shift_right_logical3A_142 = arith.shrui %bitcast3A_133, %shift_right_logical3A_141 : vector<16xi32>
      %swap3A_143 = arith.index_cast %scan3A_85 : i32 to index
      %swap3A_144 = arith.constant 48 : index
      %swap3A_145 = tpu.vector_load %arg10[%swap3A_143, %swap3A_144] {strides = array<i32>} : memref<160x128xi32, #tpu.memory_space<vmem>>, vector<16xi32>,
      tpu.vector_store %arg10[%swap3A_143, %swap3A_144], %shift_right_logical3A_142 {strides = array<i32>} : memref<160x128xi32, #tpu.memory_space<vmem>>, vector<16xi32>,
      %get3A_146 = arith.index_cast %scan3A_85 : i32 to index
      %get3A_147 = arith.constant 64 : index
      %get3A_148 = tpu.vector_load %arg8[%get3A_146, %get3A_147] {strides = array<i32>} : memref<160x128xf32, #tpu.memory_space<vmem>>, vector<16xf32>,
      %bitcast3A_149 = vector.bitcast %get3A_148 : vector<16xf32> to vector<16xi32>
      %and3A_150 = arith.constant 65535 : i32
      %and3A_151 = vector.broadcast %and3A_150 : i32 to vector<16xi32>
      %and3A_152 = arith.andi %bitcast3A_149, %and3A_151 : vector<16xi32>
      %swap3A_153 = arith.index_cast %scan3A_85 : i32 to index
      %swap3A_154 = arith.constant 64 : index
      %swap3A_155 = tpu.vector_load %arg9[%swap3A_153, %swap3A_154] {strides = array<i32>} : memref<160x128xi32, #tpu.memory_space<vmem>>, vector<16xi32>,
      tpu.vector_store %arg9[%swap3A_153, %swap3A_154], %and3A_152 {strides = array<i32>} : memref<160x128xi32, #tpu.memory_space<vmem>>, vector<16xi32>,
      %shift_right_logical3A_156 = arith.constant 16 : i32
      %shift_right_logical3A_157 = vector.broadcast %shift_right_logical3A_156 : i32 to vector<16xi32>
      %shift_right_logical3A_158 = arith.shrui %bitcast3A_149, %shift_right_logical3A_157 : vector<16xi32>
      %swap3A_159 = arith.index_cast %scan3A_85 : i32 to index
      %swap3A_160 = arith.constant 64 : index
      %swap3A_161 = tpu.vector_load %arg10[%swap3A_159, %swap3A_160] {strides = array<i32>} : memref<160x128xi32, #tpu.memory_space<vmem>>, vector<16xi32>,
      tpu.vector_store %arg10[%swap3A_159, %swap3A_160], %shift_right_logical3A_158 {strides = array<i32>} : memref<160x128xi32, #tpu.memory_space<vmem>>, vector<16xi32>,
      %get3A_162 = arith.index_cast %scan3A_85 : i32 to index
      %get3A_163 = arith.constant 80 : index
      %get3A_164 = tpu.vector_load %arg8[%get3A_162, %get3A_163] {strides = array<i32>} : memref<160x128xf32, #tpu.memory_space<vmem>>, vector<16xf32>,
      %bitcast3A_165 = vector.bitcast %get3A_164 : vector<16xf32> to vector<16xi32>
      %and3A_166 = arith.constant 65535 : i32
      %and3A_167 = vector.broadcast %and3A_166 : i32 to vector<16xi32>
      %and3A_168 = arith.andi %bitcast3A_165, %and3A_167 : vector<16xi32>
      %swap3A_169 = arith.index_cast %scan3A_85 : i32 to index
      %swap3A_170 = arith.constant 80 : index
      %swap3A_171 = tpu.vector_load %arg9[%swap3A_169, %swap3A_170] {strides = array<i32>} : memref<160x128xi32, #tpu.memory_space<vmem>>, vector<16xi32>,
      tpu.vector_store %arg9[%swap3A_169, %swap3A_170], %and3A_168 {strides = array<i32>} : memref<160x128xi32, #tpu.memory_space<vmem>>, vector<16xi32>,
      %shift_right_logical3A_172 = arith.constant 16 : i32
      %shift_right_logical3A_173 = vector.broadcast %shift_right_logical3A_172 : i32 to vector<16xi32>
      %shift_right_logical3A_174 = arith.shrui %bitcast3A_165, %shift_right_logical3A_173 : vector<16xi32>
      %swap3A_175 = arith.index_cast %scan3A_85 : i32 to index
      %swap3A_176 = arith.constant 80 : index
      %swap3A_177 = tpu.vector_load %arg10[%swap3A_175, %swap3A_176] {strides = array<i32>} : memref<160x128xi32, #tpu.memory_space<vmem>>, vector<16xi32>,
      tpu.vector_store %arg10[%swap3A_175, %swap3A_176], %shift_right_logical3A_174 {strides = array<i32>} : memref<160x128xi32, #tpu.memory_space<vmem>>, vector<16xi32>,
      %get3A_178 = arith.index_cast %scan3A_85 : i32 to index
      %get3A_179 = arith.constant 96 : index
      %get3A_180 = tpu.vector_load %arg8[%get3A_178, %get3A_179] {strides = array<i32>} : memref<160x128xf32, #tpu.memory_space<vmem>>, vector<16xf32>,
      %bitcast3A_181 = vector.bitcast %get3A_180 : vector<16xf32> to vector<16xi32>
      %and3A_182 = arith.constant 65535 : i32
      %and3A_183 = vector.broadcast %and3A_182 : i32 to vector<16xi32>
      %and3A_184 = arith.andi %bitcast3A_181, %and3A_183 : vector<16xi32>
      %swap3A_185 = arith.index_cast %scan3A_85 : i32 to index
      %swap3A_186 = arith.constant 96 : index
      %swap3A_187 = tpu.vector_load %arg9[%swap3A_185, %swap3A_186] {strides = array<i32>} : memref<160x128xi32, #tpu.memory_space<vmem>>, vector<16xi32>,
      tpu.vector_store %arg9[%swap3A_185, %swap3A_186], %and3A_184 {strides = array<i32>} : memref<160x128xi32, #tpu.memory_space<vmem>>, vector<16xi32>,
      %shift_right_logical3A_188 = arith.constant 16 : i32
      %shift_right_logical3A_189 = vector.broadcast %shift_right_logical3A_188 : i32 to vector<16xi32>
      %shift_right_logical3A_190 = arith.shrui %bitcast3A_181, %shift_right_logical3A_189 : vector<16xi32>
      %swap3A_191 = arith.index_cast %scan3A_85 : i32 to index
      %swap3A_192 = arith.constant 96 : index
      %swap3A_193 = tpu.vector_load %arg10[%swap3A_191, %swap3A_192] {strides = array<i32>} : memref<160x128xi32, #tpu.memory_space<vmem>>, vector<16xi32>,
      tpu.vector_store %arg10[%swap3A_191, %swap3A_192], %shift_right_logical3A_190 {strides = array<i32>} : memref<160x128xi32, #tpu.memory_space<vmem>>, vector<16xi32>,
      %get3A_194 = arith.index_cast %scan3A_85 : i32 to index
      %get3A_195 = arith.constant 112 : index
      %get3A_196 = tpu.vector_load %arg8[%get3A_194, %get3A_195] {strides = array<i32>} : memref<160x128xf32, #tpu.memory_space<vmem>>, vector<16xf32>,
      %bitcast3A_197 = vector.bitcast %get3A_196 : vector<16xf32> to vector<16xi32>
      %and3A_198 = arith.constant 65535 : i32
      %and3A_199 = vector.broadcast %and3A_198 : i32 to vector<16xi32>
      %and3A_200 = arith.andi %bitcast3A_197, %and3A_199 : vector<16xi32>
      %swap3A_201 = arith.index_cast %scan3A_85 : i32 to index
      %swap3A_202 = arith.constant 112 : index
      %swap3A_203 = tpu.vector_load %arg9[%swap3A_201, %swap3A_202] {strides = array<i32>} : memref<160x128xi32, #tpu.memory_space<vmem>>, vector<16xi32>,
      tpu.vector_store %arg9[%swap3A_201, %swap3A_202], %and3A_200 {strides = array<i32>} : memref<160x128xi32, #tpu.memory_space<vmem>>, vector<16xi32>,
      %shift_right_logical3A_204 = arith.constant 16 : i32
      %shift_right_logical3A_205 = vector.broadcast %shift_right_logical3A_204 : i32 to vector<16xi32>
      %shift_right_logical3A_206 = arith.shrui %bitcast3A_197, %shift_right_logical3A_205 : vector<16xi32>
      %swap3A_207 = arith.index_cast %scan3A_85 : i32 to index
      %swap3A_208 = arith.constant 112 : index
      %swap3A_209 = tpu.vector_load %arg10[%swap3A_207, %swap3A_208] {strides = array<i32>} : memref<160x128xi32, #tpu.memory_space<vmem>>, vector<16xi32>,
      tpu.vector_store %arg10[%swap3A_207, %swap3A_208], %shift_right_logical3A_206 {strides = array<i32>} : memref<160x128xi32, #tpu.memory_space<vmem>>, vector<16xi32>,
      %scan3A_210 = arith.constant 0 : i32
      scf.yield %scan3A_210 : i32
    }
    %scan3A_44 = arith.constant 160 : i32
    %barrier3A = arith.constant 0 : index
    tpu.barrier barrier_id(%barrier3A)
    %dma_start3A = arith.constant 0 : i32
    %dma_start3A_45 = arith.constant 0 : i32
    %dma_start3A_46 = arith.constant 0 : i32
    %dma_start3A_47 = arith.constant 0 : i32
    %dma_start3A_48 = arith.constant 0 : i32
    %dma_start3A_49 = tpu.memref_slice %arg11[%dma_start3A_45, %dma_start3A_47, %dma_start3A_48] : memref<2x128x32xf32, #tpu.memory_space<vmem>> -> memref<1x128x32xf32, #tpu.memory_space<vmem>>
    %dma_start3A_50 = tpu.memref_squeeze %dma_start3A_49 : memref<1x128x32xf32, #tpu.memory_space<vmem>> -> memref<128x32xf32, #tpu.memory_space<vmem>>
    %dma_start3A_51 = arith.constant 0 : i32
    %dma_start3A_52 = tpu.memref_slice %arg9[%dma_start3A, %dma_start3A_51] : memref<160x128xi32, #tpu.memory_space<vmem>> -> memref<1x128xi32, #tpu.memory_space<vmem>>
    %dma_start3A_53 = tpu.memref_squeeze %dma_start3A_52 : memref<1x128xi32, #tpu.memory_space<vmem>> -> memref<128xi32, #tpu.memory_space<vmem>>
    %dma_start3A_54 = arith.constant 0 : i32
    %dma_start3A_55 = arith.constant 0 : i32
    %dma_start3A_56 = tpu.memref_slice %arg7[%dma_start3A_54, %dma_start3A_55] : memref<10240x32xf32, #tpu.memory_space<vmem_shared>> -> memref<10240x32xf32, #tpu.memory_space<vmem_shared>>
    %dma_start3A_57 = tpu.memref_slice %arg13[%dma_start3A_46] : memref<2x!tpu.dma_semaphore, #tpu.memory_space<semaphore_mem>> -> memref<1x!tpu.dma_semaphore, #tpu.memory_space<semaphore_mem>>
    %dma_start3A_58 = tpu.memref_squeeze %dma_start3A_57 : memref<1x!tpu.dma_semaphore, #tpu.memory_space<semaphore_mem>> -> memref<!tpu.dma_semaphore, #tpu.memory_space<semaphore_mem>>
    tpu.enqueue_indirect_dma source(%dma_start3A_56 : memref<10240x32xf32, #tpu.memory_space<vmem_shared>>) target(%dma_start3A_50 : memref<128x32xf32, #tpu.memory_space<vmem>>) offsets(%dma_start3A_53 : memref<128xi32, #tpu.memory_space<vmem>>) semaphore(%dma_start3A_58 : memref<!tpu.dma_semaphore, #tpu.memory_space<semaphore_mem>>)
    %scan3A_59 = arith.constant 0 : i32
    %scan3A_60 = arith.constant 0 : i32
    %scan3A_61 = arith.constant 160 : i32
    %scan3A_62 = arith.addi %scan3A_60, %scan3A_61 : i32
    %scan3A_63 = arith.constant 1 : i32
    %scan3A_64 = scf.for %scan3A_85 = %scan3A_60 to %scan3A_62 step %scan3A_63 iter_args(%scan3A_86 = %scan3A_59) -> (i32)  : i32 {
      %rem3A_87 = arith.constant 2 : i32
      %rem3A_88 = arith.remsi %scan3A_85, %rem3A_87 : i32
      %ge3A = arith.constant 1 : i32
      %ge3A_89 = arith.cmpi sge, %scan3A_85, %ge3A : i32
      %convert_element_type3A_90 = arith.extui %ge3A_89 : i1 to i32
      %cond3A_91 = arith.constant 0 : i32
      %cond3A_92 = arith.cmpi ne, %convert_element_type3A_90, %cond3A_91 : i32
      scf.if %cond3A_92 {
        %sub3A = arith.constant 1 : i32
        %sub3A_124 = arith.subi %sub3A, %rem3A_88 : i32
        %sub3A_125 = arith.constant 1 : i32
        %sub3A_126 = arith.subi %scan3A_85, %sub3A_125 : i32
        %sub3A_127 = arith.constant 1 : i32
        %sub3A_128 = arith.subi %sub3A_127, %rem3A_88 : i32
        %dma_wait3A_129 = arith.constant 0 : i32
        %dma_wait3A_130 = arith.constant 0 : i32
        %dma_wait3A_131 = tpu.memref_slice %arg11[%sub3A_124, %dma_wait3A_129, %dma_wait3A_130] : memref<2x128x32xf32, #tpu.memory_space<vmem>> -> memref<1x128x32xf32, #tpu.memory_space<vmem>>
        %dma_wait3A_132 = tpu.memref_squeeze %dma_wait3A_131 : memref<1x128x32xf32, #tpu.memory_space<vmem>> -> memref<128x32xf32, #tpu.memory_space<vmem>>
        %dma_wait3A_133 = arith.constant 0 : i32
        %dma_wait3A_134 = tpu.memref_slice %arg10[%sub3A_126, %dma_wait3A_133] : memref<160x128xi32, #tpu.memory_space<vmem>> -> memref<1x128xi32, #tpu.memory_space<vmem>>
        %dma_wait3A_135 = tpu.memref_squeeze %dma_wait3A_134 : memref<1x128xi32, #tpu.memory_space<vmem>> -> memref<128xi32, #tpu.memory_space<vmem>>
        %dma_wait3A_136 = arith.constant 0 : i32
        %dma_wait3A_137 = arith.constant 0 : i32
        %dma_wait3A_138 = tpu.memref_slice %arg6[%dma_wait3A_136, %dma_wait3A_137] : memref<10240x32xf32, #tpu.memory_space<vmem_shared>> -> memref<10240x32xf32, #tpu.memory_space<vmem_shared>>
        %dma_wait3A_139 = tpu.memref_slice %arg14[%sub3A_128] : memref<2x!tpu.dma_semaphore, #tpu.memory_space<semaphore_mem>> -> memref<1x!tpu.dma_semaphore, #tpu.memory_space<semaphore_mem>>
        %dma_wait3A_140 = tpu.memref_squeeze %dma_wait3A_139 : memref<1x!tpu.dma_semaphore, #tpu.memory_space<semaphore_mem>> -> memref<!tpu.dma_semaphore, #tpu.memory_space<semaphore_mem>>
        tpu.wait_indirect_dma semaphore(%dma_wait3A_140 : memref<!tpu.dma_semaphore, #tpu.memory_space<semaphore_mem>>) src(%dma_wait3A_132 : memref<128x32xf32, #tpu.memory_space<vmem>>) dst(%dma_wait3A_138 : memref<10240x32xf32, #tpu.memory_space<vmem_shared>>)
      } else {
      }
      %add3A_93 = arith.constant 1 : i32
      %add3A_94 = arith.addi %scan3A_85, %add3A_93 : i32
      %lt3A = arith.constant 160 : i32
      %lt3A_95 = arith.cmpi slt, %add3A_94, %lt3A : i32
      %convert_element_type3A_96 = arith.extui %lt3A_95 : i1 to i32
      %cond3A_97 = arith.constant 0 : i32
      %cond3A_98 = arith.cmpi ne, %convert_element_type3A_96, %cond3A_97 : i32
      scf.if %cond3A_98 {
        %add3A_124 = arith.constant 1 : i32
        %add3A_125 = arith.addi %scan3A_85, %add3A_124 : i32
        %sub3A = arith.constant 1 : i32
        %sub3A_126 = arith.subi %sub3A, %rem3A_88 : i32
        %sub3A_127 = arith.constant 1 : i32
        %sub3A_128 = arith.subi %sub3A_127, %rem3A_88 : i32
        %dma_start3A_129 = arith.constant 0 : i32
        %dma_start3A_130 = arith.constant 0 : i32
        %dma_start3A_131 = tpu.memref_slice %arg11[%sub3A_126, %dma_start3A_129, %dma_start3A_130] : memref<2x128x32xf32, #tpu.memory_space<vmem>> -> memref<1x128x32xf32, #tpu.memory_space<vmem>>
        %dma_start3A_132 = tpu.memref_squeeze %dma_start3A_131 : memref<1x128x32xf32, #tpu.memory_space<vmem>> -> memref<128x32xf32, #tpu.memory_space<vmem>>
        %dma_start3A_133 = arith.constant 0 : i32
        %dma_start3A_134 = tpu.memref_slice %arg9[%add3A_125, %dma_start3A_133] : memref<160x128xi32, #tpu.memory_space<vmem>> -> memref<1x128xi32, #tpu.memory_space<vmem>>
        %dma_start3A_135 = tpu.memref_squeeze %dma_start3A_134 : memref<1x128xi32, #tpu.memory_space<vmem>> -> memref<128xi32, #tpu.memory_space<vmem>>
        %dma_start3A_136 = arith.constant 0 : i32
        %dma_start3A_137 = arith.constant 0 : i32
        %dma_start3A_138 = tpu.memref_slice %arg7[%dma_start3A_136, %dma_start3A_137] : memref<10240x32xf32, #tpu.memory_space<vmem_shared>> -> memref<10240x32xf32, #tpu.memory_space<vmem_shared>>
        %dma_start3A_139 = tpu.memref_slice %arg13[%sub3A_128] : memref<2x!tpu.dma_semaphore, #tpu.memory_space<semaphore_mem>> -> memref<1x!tpu.dma_semaphore, #tpu.memory_space<semaphore_mem>>
        %dma_start3A_140 = tpu.memref_squeeze %dma_start3A_139 : memref<1x!tpu.dma_semaphore, #tpu.memory_space<semaphore_mem>> -> memref<!tpu.dma_semaphore, #tpu.memory_space<semaphore_mem>>
        tpu.enqueue_indirect_dma source(%dma_start3A_138 : memref<10240x32xf32, #tpu.memory_space<vmem_shared>>) target(%dma_start3A_132 : memref<128x32xf32, #tpu.memory_space<vmem>>) offsets(%dma_start3A_135 : memref<128xi32, #tpu.memory_space<vmem>>) semaphore(%dma_start3A_140 : memref<!tpu.dma_semaphore, #tpu.memory_space<semaphore_mem>>)
      } else {
      }
      %dma_wait3A_99 = arith.constant 0 : i32
      %dma_wait3A_100 = arith.constant 0 : i32
      %dma_wait3A_101 = tpu.memref_slice %arg11[%rem3A_88, %dma_wait3A_99, %dma_wait3A_100] : memref<2x128x32xf32, #tpu.memory_space<vmem>> -> memref<1x128x32xf32, #tpu.memory_space<vmem>>
      %dma_wait3A_102 = tpu.memref_squeeze %dma_wait3A_101 : memref<1x128x32xf32, #tpu.memory_space<vmem>> -> memref<128x32xf32, #tpu.memory_space<vmem>>
      %dma_wait3A_103 = arith.constant 0 : i32
      %dma_wait3A_104 = tpu.memref_slice %arg9[%scan3A_85, %dma_wait3A_103] : memref<160x128xi32, #tpu.memory_space<vmem>> -> memref<1x128xi32, #tpu.memory_space<vmem>>
      %dma_wait3A_105 = tpu.memref_squeeze %dma_wait3A_104 : memref<1x128xi32, #tpu.memory_space<vmem>> -> memref<128xi32, #tpu.memory_space<vmem>>
      %dma_wait3A_106 = arith.constant 0 : i32
      %dma_wait3A_107 = arith.constant 0 : i32
      %dma_wait3A_108 = tpu.memref_slice %arg7[%dma_wait3A_106, %dma_wait3A_107] : memref<10240x32xf32, #tpu.memory_space<vmem_shared>> -> memref<10240x32xf32, #tpu.memory_space<vmem_shared>>
      %dma_wait3A_109 = tpu.memref_slice %arg13[%rem3A_88] : memref<2x!tpu.dma_semaphore, #tpu.memory_space<semaphore_mem>> -> memref<1x!tpu.dma_semaphore, #tpu.memory_space<semaphore_mem>>
      %dma_wait3A_110 = tpu.memref_squeeze %dma_wait3A_109 : memref<1x!tpu.dma_semaphore, #tpu.memory_space<semaphore_mem>> -> memref<!tpu.dma_semaphore, #tpu.memory_space<semaphore_mem>>
      tpu.wait_indirect_dma semaphore(%dma_wait3A_110 : memref<!tpu.dma_semaphore, #tpu.memory_space<semaphore_mem>>) src(%dma_wait3A_108 : memref<10240x32xf32, #tpu.memory_space<vmem_shared>>) dst(%dma_wait3A_102 : memref<128x32xf32, #tpu.memory_space<vmem>>)
      %dma_start3A_111 = arith.constant 0 : i32
      %dma_start3A_112 = arith.constant 0 : i32
      %dma_start3A_113 = tpu.memref_slice %arg11[%rem3A_88, %dma_start3A_111, %dma_start3A_112] : memref<2x128x32xf32, #tpu.memory_space<vmem>> -> memref<1x128x32xf32, #tpu.memory_space<vmem>>
      %dma_start3A_114 = tpu.memref_squeeze %dma_start3A_113 : memref<1x128x32xf32, #tpu.memory_space<vmem>> -> memref<128x32xf32, #tpu.memory_space<vmem>>
      %dma_start3A_115 = arith.constant 0 : i32
      %dma_start3A_116 = tpu.memref_slice %arg10[%scan3A_85, %dma_start3A_115] : memref<160x128xi32, #tpu.memory_space<vmem>> -> memref<1x128xi32, #tpu.memory_space<vmem>>
      %dma_start3A_117 = tpu.memref_squeeze %dma_start3A_116 : memref<1x128xi32, #tpu.memory_space<vmem>> -> memref<128xi32, #tpu.memory_space<vmem>>
      %dma_start3A_118 = arith.constant 0 : i32
      %dma_start3A_119 = arith.constant 0 : i32
      %dma_start3A_120 = tpu.memref_slice %arg6[%dma_start3A_118, %dma_start3A_119] : memref<10240x32xf32, #tpu.memory_space<vmem_shared>> -> memref<10240x32xf32, #tpu.memory_space<vmem_shared>>
      %dma_start3A_121 = tpu.memref_slice %arg14[%rem3A_88] : memref<2x!tpu.dma_semaphore, #tpu.memory_space<semaphore_mem>> -> memref<1x!tpu.dma_semaphore, #tpu.memory_space<semaphore_mem>>
      %dma_start3A_122 = tpu.memref_squeeze %dma_start3A_121 : memref<1x!tpu.dma_semaphore, #tpu.memory_space<semaphore_mem>> -> memref<!tpu.dma_semaphore, #tpu.memory_space<semaphore_mem>>
      tpu.enqueue_indirect_dma source(%dma_start3A_114 : memref<128x32xf32, #tpu.memory_space<vmem>>) target(%dma_start3A_120 : memref<10240x32xf32, #tpu.memory_space<vmem_shared>>) offsets(%dma_start3A_117 : memref<128xi32, #tpu.memory_space<vmem>>) semaphore(%dma_start3A_122 : memref<!tpu.dma_semaphore, #tpu.memory_space<semaphore_mem>>) {add = true}
      %scan3A_123 = arith.constant 0 : i32
      scf.yield %scan3A_123 : i32
    }
    %scan3A_65 = arith.constant 160 : i32
    %rem3A = arith.constant 159 : i32
    %rem3A_66 = arith.constant 2 : i32
    %rem3A_67 = arith.remsi %rem3A, %rem3A_66 : i32
    %dma_wait3A = arith.constant 159 : i32
    %dma_wait3A_68 = arith.constant 0 : i32
    %dma_wait3A_69 = arith.constant 0 : i32
    %dma_wait3A_70 = tpu.memref_slice %arg11[%rem3A_67, %dma_wait3A_68, %dma_wait3A_69] : memref<2x128x32xf32, #tpu.memory_space<vmem>> -> memref<1x128x32xf32, #tpu.memory_space<vmem>>
    %dma_wait3A_71 = tpu.memref_squeeze %dma_wait3A_70 : memref<1x128x32xf32, #tpu.memory_space<vmem>> -> memref<128x32xf32, #tpu.memory_space<vmem>>
    %dma_wait3A_72 = arith.constant 0 : i32
    %dma_wait3A_73 = tpu.memref_slice %arg10[%dma_wait3A, %dma_wait3A_72] : memref<160x128xi32, #tpu.memory_space<vmem>> -> memref<1x128xi32, #tpu.memory_space<vmem>>
    %dma_wait3A_74 = tpu.memref_squeeze %dma_wait3A_73 : memref<1x128xi32, #tpu.memory_space<vmem>> -> memref<128xi32, #tpu.memory_space<vmem>>
    %dma_wait3A_75 = arith.constant 0 : i32
    %dma_wait3A_76 = arith.constant 0 : i32
    %dma_wait3A_77 = tpu.memref_slice %arg6[%dma_wait3A_75, %dma_wait3A_76] : memref<10240x32xf32, #tpu.memory_space<vmem_shared>> -> memref<10240x32xf32, #tpu.memory_space<vmem_shared>>
    %dma_wait3A_78 = tpu.memref_slice %arg14[%rem3A_67] : memref<2x!tpu.dma_semaphore, #tpu.memory_space<semaphore_mem>> -> memref<1x!tpu.dma_semaphore, #tpu.memory_space<semaphore_mem>>
    %dma_wait3A_79 = tpu.memref_squeeze %dma_wait3A_78 : memref<1x!tpu.dma_semaphore, #tpu.memory_space<semaphore_mem>> -> memref<!tpu.dma_semaphore, #tpu.memory_space<semaphore_mem>>
    tpu.wait_indirect_dma semaphore(%dma_wait3A_79 : memref<!tpu.dma_semaphore, #tpu.memory_space<semaphore_mem>>) src(%dma_wait3A_71 : memref<128x32xf32, #tpu.memory_space<vmem>>) dst(%dma_wait3A_77 : memref<10240x32xf32, #tpu.memory_space<vmem_shared>>)
    %barrier3A_80 = arith.constant 0 : index
    tpu.barrier barrier_id(%barrier3A_80)
    %mul3A_81 = arith.constant 640 : i32
    %mul3A_82 = arith.muli %arg1, %mul3A_81 : i32
    %mul3A_83 = arith.constant 640 : i32
    %mul3A_84 = arith.muli %arg1, %mul3A_83 : i32
    "tpu.region"() ({
      %run_scoped3A = tpu.sem_alloc : memref<!tpu.dma_semaphore, #tpu.memory_space<semaphore_mem>>
      %dma_start3A_85 = arith.constant 0 : i32
      %dma_start3A_86 = tpu.memref_slice %arg5[%arg0, %mul3A_84, %dma_start3A_85] : memref<2x10240x32xf32, #tpu.memory_space<hbm>> -> memref<1x640x32xf32, #tpu.memory_space<hbm>>
      %dma_start3A_87 = tpu.memref_squeeze %dma_start3A_86 : memref<1x640x32xf32, #tpu.memory_space<hbm>> -> memref<640x32xf32, #tpu.memory_space<hbm>>
      %dma_start3A_88 = arith.constant 0 : i32
      %dma_start3A_89 = tpu.memref_slice %arg6[%mul3A_82, %dma_start3A_88] : memref<10240x32xf32, #tpu.memory_space<vmem_shared>> -> memref<640x32xf32, #tpu.memory_space<vmem_shared>>
      tpu.enqueue_dma source(%dma_start3A_89 : memref<640x32xf32, #tpu.memory_space<vmem_shared>>) target(%dma_start3A_87 : memref<640x32xf32, #tpu.memory_space<hbm>>) target_semaphore(%run_scoped3A : memref<!tpu.dma_semaphore, #tpu.memory_space<semaphore_mem>>)
      %dma_wait3A_90 = arith.constant 0 : i32
      %dma_wait3A_91 = tpu.memref_slice %arg5[%arg0, %mul3A_84, %dma_wait3A_90] : memref<2x10240x32xf32, #tpu.memory_space<hbm>> -> memref<1x640x32xf32, #tpu.memory_space<hbm>>
      %dma_wait3A_92 = tpu.memref_squeeze %dma_wait3A_91 : memref<1x640x32xf32, #tpu.memory_space<hbm>> -> memref<640x32xf32, #tpu.memory_space<hbm>>
      %dma_wait3A_93 = arith.constant 0 : i32
      %dma_wait3A_94 = tpu.memref_slice %arg6[%mul3A_82, %dma_wait3A_93] : memref<10240x32xf32, #tpu.memory_space<vmem_shared>> -> memref<640x32xf32, #tpu.memory_space<vmem_shared>>
      tpu.wait_dma2 semaphore(%run_scoped3A : memref<!tpu.dma_semaphore, #tpu.memory_space<semaphore_mem>>) src(%dma_wait3A_94 : memref<640x32xf32, #tpu.memory_space<vmem_shared>>) dst(%dma_wait3A_92 : memref<640x32xf32, #tpu.memory_space<hbm>>)
      tpu.yield
    }) : () -> ()
    return
  }
}

#map = affine_map<(d0, d1) -> (0, 0)>
#map1 = affine_map<(d0, d1) -> (0, 0, 0)>
module attributes {stable_mosaic.version = 14 : i64} {
  func.func @_edge_body(%arg0: i32, %arg1: i32, %arg2: memref<10240x32xf32, #tpu.memory_space<hbm>>, %arg3: memref<10240x32xf32, #tpu.memory_space<hbm>>, %arg4: memref<2560x128xf32, #tpu.memory_space<hbm>>, %arg5: memref<2x10240x32xf32, #tpu.memory_space<hbm>>, %arg6: memref<10240x32xf32, #tpu.memory_space<vmem_shared>>, %arg7: memref<10240x32xf32, #tpu.memory_space<vmem_shared>>, %arg8: memref<160x128xf32, #tpu.memory_space<vmem>>, %arg9: memref<160x128xi32, #tpu.memory_space<vmem>>, %arg10: memref<160x128xi32, #tpu.memory_space<vmem>>, %arg11: memref<2x128x32xf32, #tpu.memory_space<vmem>>, %arg12: memref<320x32xf32, #tpu.memory_space<vmem>>, %arg13: memref<2x!tpu.dma_semaphore, #tpu.memory_space<semaphore_mem>>, %arg14: memref<2x!tpu.dma_semaphore, #tpu.memory_space<semaphore_mem>>) attributes {dimension_semantics = [#tpu.dimension_semantics<core_parallel>, #tpu.dimension_semantics<subcore_parallel>], iteration_bounds = array<i64: 2, 16>, scalar_prefetch = 0 : i64, scratch_operands = 9 : i64, tpu.core_type = #tpu.core_type<sc_vector_subcore>, window_params = [{transform_indices = #map}, {transform_indices = #map}, {transform_indices = #map}, {transform_indices = #map1}]} {
    %broadcast_in_dim3A = arith.constant 0.000000e+00 : f32
    %broadcast_in_dim3A_0 = vector.broadcast %broadcast_in_dim3A : f32 to vector<16xf32>
    %scan3A = arith.constant 0 : i32
    %scan3A_1 = arith.constant 0 : i32
    %scan3A_2 = arith.constant 320 : i32
    %scan3A_3 = arith.addi %scan3A_1, %scan3A_2 : i32
    %scan3A_4 = arith.constant 1 : i32
    %scan3A_5 = scf.for %scan3A_85 = %scan3A_1 to %scan3A_3 step %scan3A_4 iter_args(%scan3A_86 = %scan3A) -> (i32)  : i32 {
      %swap3A = arith.index_cast %scan3A_85 : i32 to index
      %swap3A_87 = arith.constant 0 : index
      %swap3A_88 = tpu.vector_load %arg12[%swap3A, %swap3A_87] {strides = array<i32>} : memref<320x32xf32, #tpu.memory_space<vmem>>, vector<16xf32>,
      tpu.vector_store %arg12[%swap3A, %swap3A_87], %broadcast_in_dim3A_0 {strides = array<i32>} : memref<320x32xf32, #tpu.memory_space<vmem>>, vector<16xf32>,
      %swap3A_89 = arith.index_cast %scan3A_85 : i32 to index
      %swap3A_90 = arith.constant 16 : index
      %swap3A_91 = tpu.vector_load %arg12[%swap3A_89, %swap3A_90] {strides = array<i32>} : memref<320x32xf32, #tpu.memory_space<vmem>>, vector<16xf32>,
      tpu.vector_store %arg12[%swap3A_89, %swap3A_90], %broadcast_in_dim3A_0 {strides = array<i32>} : memref<320x32xf32, #tpu.memory_space<vmem>>, vector<16xf32>,
      %scan3A_92 = arith.constant 0 : i32
      scf.yield %scan3A_92 : i32
    }
    %scan3A_6 = arith.constant 320 : i32
    %mul3A = arith.constant 640 : i32
    %mul3A_7 = arith.muli %arg1, %mul3A : i32
    "tpu.region"() ({
      %run_scoped3A = tpu.sem_alloc : memref<!tpu.dma_semaphore, #tpu.memory_space<semaphore_mem>>
      %dma_start3A_85 = arith.constant 0 : i32
      %dma_start3A_86 = tpu.memref_slice %arg6[%mul3A_7, %dma_start3A_85] : memref<10240x32xf32, #tpu.memory_space<vmem_shared>> -> memref<320x32xf32, #tpu.memory_space<vmem_shared>>
      %dma_start3A_87 = arith.constant 0 : i32
      %dma_start3A_88 = tpu.memref_slice %arg6[%mul3A_7, %dma_start3A_87] : memref<10240x32xf32, #tpu.memory_space<vmem_shared>> -> memref<320x32xf32, #tpu.memory_space<vmem_shared>>
      tpu.enqueue_dma source(%arg12 : memref<320x32xf32, #tpu.memory_space<vmem>>) target(%dma_start3A_88 : memref<320x32xf32, #tpu.memory_space<vmem_shared>>) target_semaphore(%run_scoped3A : memref<!tpu.dma_semaphore, #tpu.memory_space<semaphore_mem>>)
      %dma_wait3A_89 = arith.constant 0 : i32
      %dma_wait3A_90 = tpu.memref_slice %arg6[%mul3A_7, %dma_wait3A_89] : memref<10240x32xf32, #tpu.memory_space<vmem_shared>> -> memref<320x32xf32, #tpu.memory_space<vmem_shared>>
      %dma_wait3A_91 = arith.constant 0 : i32
      %dma_wait3A_92 = tpu.memref_slice %arg6[%mul3A_7, %dma_wait3A_91] : memref<10240x32xf32, #tpu.memory_space<vmem_shared>> -> memref<320x32xf32, #tpu.memory_space<vmem_shared>>
      tpu.wait_dma2 semaphore(%run_scoped3A : memref<!tpu.dma_semaphore, #tpu.memory_space<semaphore_mem>>) src(%arg12 : memref<320x32xf32, #tpu.memory_space<vmem>>) dst(%dma_wait3A_92 : memref<320x32xf32, #tpu.memory_space<vmem_shared>>)
      tpu.yield
    }) : () -> ()
    %mul3A_8 = arith.constant 640 : i32
    %mul3A_9 = arith.muli %arg1, %mul3A_8 : i32
    %add3A = arith.constant 320 : i32
    %add3A_10 = arith.addi %mul3A_9, %add3A : i32
    "tpu.region"() ({
      %run_scoped3A = tpu.sem_alloc : memref<!tpu.dma_semaphore, #tpu.memory_space<semaphore_mem>>
      %dma_start3A_85 = arith.constant 0 : i32
      %dma_start3A_86 = tpu.memref_slice %arg6[%add3A_10, %dma_start3A_85] : memref<10240x32xf32, #tpu.memory_space<vmem_shared>> -> memref<320x32xf32, #tpu.memory_space<vmem_shared>>
      %dma_start3A_87 = arith.constant 0 : i32
      %dma_start3A_88 = tpu.memref_slice %arg6[%add3A_10, %dma_start3A_87] : memref<10240x32xf32, #tpu.memory_space<vmem_shared>> -> memref<320x32xf32, #tpu.memory_space<vmem_shared>>
      tpu.enqueue_dma source(%arg12 : memref<320x32xf32, #tpu.memory_space<vmem>>) target(%dma_start3A_88 : memref<320x32xf32, #tpu.memory_space<vmem_shared>>) target_semaphore(%run_scoped3A : memref<!tpu.dma_semaphore, #tpu.memory_space<semaphore_mem>>)
      %dma_wait3A_89 = arith.constant 0 : i32
      %dma_wait3A_90 = tpu.memref_slice %arg6[%add3A_10, %dma_wait3A_89] : memref<10240x32xf32, #tpu.memory_space<vmem_shared>> -> memref<320x32xf32, #tpu.memory_space<vmem_shared>>
      %dma_wait3A_91 = arith.constant 0 : i32
      %dma_wait3A_92 = tpu.memref_slice %arg6[%add3A_10, %dma_wait3A_91] : memref<10240x32xf32, #tpu.memory_space<vmem_shared>> -> memref<320x32xf32, #tpu.memory_space<vmem_shared>>
      tpu.wait_dma2 semaphore(%run_scoped3A : memref<!tpu.dma_semaphore, #tpu.memory_space<semaphore_mem>>) src(%arg12 : memref<320x32xf32, #tpu.memory_space<vmem>>) dst(%dma_wait3A_92 : memref<320x32xf32, #tpu.memory_space<vmem_shared>>)
      tpu.yield
    }) : () -> ()
    %mul3A_11 = arith.constant 640 : i32
    %mul3A_12 = arith.muli %arg1, %mul3A_11 : i32
    %add3A_13 = arith.constant 0 : i32
    %add3A_14 = arith.addi %mul3A_12, %add3A_13 : i32
    %eq3A = arith.constant 0 : i32
    %eq3A_15 = arith.cmpi eq, %arg0, %eq3A : i32
    %convert_element_type3A = arith.extui %eq3A_15 : i1 to i32
    %cond3A = arith.constant 0 : i32
    %cond3A_16 = arith.cmpi ne, %convert_element_type3A, %cond3A : i32
    scf.if %cond3A_16 {
      "tpu.region"() ({
        %run_scoped3A = tpu.sem_alloc : memref<!tpu.dma_semaphore, #tpu.memory_space<semaphore_mem>>
        %dma_start3A_85 = arith.constant 0 : i32
        %dma_start3A_86 = tpu.memref_slice %arg2[%add3A_14, %dma_start3A_85] : memref<10240x32xf32, #tpu.memory_space<hbm>> -> memref<320x32xf32, #tpu.memory_space<hbm>>
        %dma_start3A_87 = arith.constant 0 : i32
        %dma_start3A_88 = tpu.memref_slice %arg2[%add3A_14, %dma_start3A_87] : memref<10240x32xf32, #tpu.memory_space<hbm>> -> memref<320x32xf32, #tpu.memory_space<hbm>>
        tpu.enqueue_dma source(%dma_start3A_88 : memref<320x32xf32, #tpu.memory_space<hbm>>) target(%arg12 : memref<320x32xf32, #tpu.memory_space<vmem>>) target_semaphore(%run_scoped3A : memref<!tpu.dma_semaphore, #tpu.memory_space<semaphore_mem>>)
        %dma_wait3A_89 = arith.constant 0 : i32
        %dma_wait3A_90 = tpu.memref_slice %arg2[%add3A_14, %dma_wait3A_89] : memref<10240x32xf32, #tpu.memory_space<hbm>> -> memref<320x32xf32, #tpu.memory_space<hbm>>
        %dma_wait3A_91 = arith.constant 0 : i32
        %dma_wait3A_92 = tpu.memref_slice %arg2[%add3A_14, %dma_wait3A_91] : memref<10240x32xf32, #tpu.memory_space<hbm>> -> memref<320x32xf32, #tpu.memory_space<hbm>>
        tpu.wait_dma2 semaphore(%run_scoped3A : memref<!tpu.dma_semaphore, #tpu.memory_space<semaphore_mem>>) src(%dma_wait3A_92 : memref<320x32xf32, #tpu.memory_space<hbm>>) dst(%arg12 : memref<320x32xf32, #tpu.memory_space<vmem>>)
        tpu.yield
      }) : () -> ()
    } else {
    }
    %eq3A_17 = arith.constant 1 : i32
    %eq3A_18 = arith.cmpi eq, %arg0, %eq3A_17 : i32
    %convert_element_type3A_19 = arith.extui %eq3A_18 : i1 to i32
    %cond3A_20 = arith.constant 0 : i32
    %cond3A_21 = arith.cmpi ne, %convert_element_type3A_19, %cond3A_20 : i32
    scf.if %cond3A_21 {
      "tpu.region"() ({
        %run_scoped3A = tpu.sem_alloc : memref<!tpu.dma_semaphore, #tpu.memory_space<semaphore_mem>>
        %dma_start3A_85 = arith.constant 0 : i32
        %dma_start3A_86 = tpu.memref_slice %arg3[%add3A_14, %dma_start3A_85] : memref<10240x32xf32, #tpu.memory_space<hbm>> -> memref<320x32xf32, #tpu.memory_space<hbm>>
        %dma_start3A_87 = arith.constant 0 : i32
        %dma_start3A_88 = tpu.memref_slice %arg3[%add3A_14, %dma_start3A_87] : memref<10240x32xf32, #tpu.memory_space<hbm>> -> memref<320x32xf32, #tpu.memory_space<hbm>>
        tpu.enqueue_dma source(%dma_start3A_88 : memref<320x32xf32, #tpu.memory_space<hbm>>) target(%arg12 : memref<320x32xf32, #tpu.memory_space<vmem>>) target_semaphore(%run_scoped3A : memref<!tpu.dma_semaphore, #tpu.memory_space<semaphore_mem>>)
        %dma_wait3A_89 = arith.constant 0 : i32
        %dma_wait3A_90 = tpu.memref_slice %arg3[%add3A_14, %dma_wait3A_89] : memref<10240x32xf32, #tpu.memory_space<hbm>> -> memref<320x32xf32, #tpu.memory_space<hbm>>
        %dma_wait3A_91 = arith.constant 0 : i32
        %dma_wait3A_92 = tpu.memref_slice %arg3[%add3A_14, %dma_wait3A_91] : memref<10240x32xf32, #tpu.memory_space<hbm>> -> memref<320x32xf32, #tpu.memory_space<hbm>>
        tpu.wait_dma2 semaphore(%run_scoped3A : memref<!tpu.dma_semaphore, #tpu.memory_space<semaphore_mem>>) src(%dma_wait3A_92 : memref<320x32xf32, #tpu.memory_space<hbm>>) dst(%arg12 : memref<320x32xf32, #tpu.memory_space<vmem>>)
        tpu.yield
      }) : () -> ()
    } else {
    }
    "tpu.region"() ({
      %run_scoped3A = tpu.sem_alloc : memref<!tpu.dma_semaphore, #tpu.memory_space<semaphore_mem>>
      %dma_start3A_85 = arith.constant 0 : i32
      %dma_start3A_86 = tpu.memref_slice %arg7[%add3A_14, %dma_start3A_85] : memref<10240x32xf32, #tpu.memory_space<vmem_shared>> -> memref<320x32xf32, #tpu.memory_space<vmem_shared>>
      %dma_start3A_87 = arith.constant 0 : i32
      %dma_start3A_88 = tpu.memref_slice %arg7[%add3A_14, %dma_start3A_87] : memref<10240x32xf32, #tpu.memory_space<vmem_shared>> -> memref<320x32xf32, #tpu.memory_space<vmem_shared>>
      tpu.enqueue_dma source(%arg12 : memref<320x32xf32, #tpu.memory_space<vmem>>) target(%dma_start3A_88 : memref<320x32xf32, #tpu.memory_space<vmem_shared>>) target_semaphore(%run_scoped3A : memref<!tpu.dma_semaphore, #tpu.memory_space<semaphore_mem>>)
      %dma_wait3A_89 = arith.constant 0 : i32
      %dma_wait3A_90 = tpu.memref_slice %arg7[%add3A_14, %dma_wait3A_89] : memref<10240x32xf32, #tpu.memory_space<vmem_shared>> -> memref<320x32xf32, #tpu.memory_space<vmem_shared>>
      %dma_wait3A_91 = arith.constant 0 : i32
      %dma_wait3A_92 = tpu.memref_slice %arg7[%add3A_14, %dma_wait3A_91] : memref<10240x32xf32, #tpu.memory_space<vmem_shared>> -> memref<320x32xf32, #tpu.memory_space<vmem_shared>>
      tpu.wait_dma2 semaphore(%run_scoped3A : memref<!tpu.dma_semaphore, #tpu.memory_space<semaphore_mem>>) src(%arg12 : memref<320x32xf32, #tpu.memory_space<vmem>>) dst(%dma_wait3A_92 : memref<320x32xf32, #tpu.memory_space<vmem_shared>>)
      tpu.yield
    }) : () -> ()
    %mul3A_22 = arith.constant 640 : i32
    %mul3A_23 = arith.muli %arg1, %mul3A_22 : i32
    %add3A_24 = arith.constant 320 : i32
    %add3A_25 = arith.addi %mul3A_23, %add3A_24 : i32
    %eq3A_26 = arith.constant 0 : i32
    %eq3A_27 = arith.cmpi eq, %arg0, %eq3A_26 : i32
    %convert_element_type3A_28 = arith.extui %eq3A_27 : i1 to i32
    %cond3A_29 = arith.constant 0 : i32
    %cond3A_30 = arith.cmpi ne, %convert_element_type3A_28, %cond3A_29 : i32
    scf.if %cond3A_30 {
      "tpu.region"() ({
        %run_scoped3A = tpu.sem_alloc : memref<!tpu.dma_semaphore, #tpu.memory_space<semaphore_mem>>
        %dma_start3A_85 = arith.constant 0 : i32
        %dma_start3A_86 = tpu.memref_slice %arg2[%add3A_25, %dma_start3A_85] : memref<10240x32xf32, #tpu.memory_space<hbm>> -> memref<320x32xf32, #tpu.memory_space<hbm>>
        %dma_start3A_87 = arith.constant 0 : i32
        %dma_start3A_88 = tpu.memref_slice %arg2[%add3A_25, %dma_start3A_87] : memref<10240x32xf32, #tpu.memory_space<hbm>> -> memref<320x32xf32, #tpu.memory_space<hbm>>
        tpu.enqueue_dma source(%dma_start3A_88 : memref<320x32xf32, #tpu.memory_space<hbm>>) target(%arg12 : memref<320x32xf32, #tpu.memory_space<vmem>>) target_semaphore(%run_scoped3A : memref<!tpu.dma_semaphore, #tpu.memory_space<semaphore_mem>>)
        %dma_wait3A_89 = arith.constant 0 : i32
        %dma_wait3A_90 = tpu.memref_slice %arg2[%add3A_25, %dma_wait3A_89] : memref<10240x32xf32, #tpu.memory_space<hbm>> -> memref<320x32xf32, #tpu.memory_space<hbm>>
        %dma_wait3A_91 = arith.constant 0 : i32
        %dma_wait3A_92 = tpu.memref_slice %arg2[%add3A_25, %dma_wait3A_91] : memref<10240x32xf32, #tpu.memory_space<hbm>> -> memref<320x32xf32, #tpu.memory_space<hbm>>
        tpu.wait_dma2 semaphore(%run_scoped3A : memref<!tpu.dma_semaphore, #tpu.memory_space<semaphore_mem>>) src(%dma_wait3A_92 : memref<320x32xf32, #tpu.memory_space<hbm>>) dst(%arg12 : memref<320x32xf32, #tpu.memory_space<vmem>>)
        tpu.yield
      }) : () -> ()
    } else {
    }
    %eq3A_31 = arith.constant 1 : i32
    %eq3A_32 = arith.cmpi eq, %arg0, %eq3A_31 : i32
    %convert_element_type3A_33 = arith.extui %eq3A_32 : i1 to i32
    %cond3A_34 = arith.constant 0 : i32
    %cond3A_35 = arith.cmpi ne, %convert_element_type3A_33, %cond3A_34 : i32
    scf.if %cond3A_35 {
      "tpu.region"() ({
        %run_scoped3A = tpu.sem_alloc : memref<!tpu.dma_semaphore, #tpu.memory_space<semaphore_mem>>
        %dma_start3A_85 = arith.constant 0 : i32
        %dma_start3A_86 = tpu.memref_slice %arg3[%add3A_25, %dma_start3A_85] : memref<10240x32xf32, #tpu.memory_space<hbm>> -> memref<320x32xf32, #tpu.memory_space<hbm>>
        %dma_start3A_87 = arith.constant 0 : i32
        %dma_start3A_88 = tpu.memref_slice %arg3[%add3A_25, %dma_start3A_87] : memref<10240x32xf32, #tpu.memory_space<hbm>> -> memref<320x32xf32, #tpu.memory_space<hbm>>
        tpu.enqueue_dma source(%dma_start3A_88 : memref<320x32xf32, #tpu.memory_space<hbm>>) target(%arg12 : memref<320x32xf32, #tpu.memory_space<vmem>>) target_semaphore(%run_scoped3A : memref<!tpu.dma_semaphore, #tpu.memory_space<semaphore_mem>>)
        %dma_wait3A_89 = arith.constant 0 : i32
        %dma_wait3A_90 = tpu.memref_slice %arg3[%add3A_25, %dma_wait3A_89] : memref<10240x32xf32, #tpu.memory_space<hbm>> -> memref<320x32xf32, #tpu.memory_space<hbm>>
        %dma_wait3A_91 = arith.constant 0 : i32
        %dma_wait3A_92 = tpu.memref_slice %arg3[%add3A_25, %dma_wait3A_91] : memref<10240x32xf32, #tpu.memory_space<hbm>> -> memref<320x32xf32, #tpu.memory_space<hbm>>
        tpu.wait_dma2 semaphore(%run_scoped3A : memref<!tpu.dma_semaphore, #tpu.memory_space<semaphore_mem>>) src(%dma_wait3A_92 : memref<320x32xf32, #tpu.memory_space<hbm>>) dst(%arg12 : memref<320x32xf32, #tpu.memory_space<vmem>>)
        tpu.yield
      }) : () -> ()
    } else {
    }
    "tpu.region"() ({
      %run_scoped3A = tpu.sem_alloc : memref<!tpu.dma_semaphore, #tpu.memory_space<semaphore_mem>>
      %dma_start3A_85 = arith.constant 0 : i32
      %dma_start3A_86 = tpu.memref_slice %arg7[%add3A_25, %dma_start3A_85] : memref<10240x32xf32, #tpu.memory_space<vmem_shared>> -> memref<320x32xf32, #tpu.memory_space<vmem_shared>>
      %dma_start3A_87 = arith.constant 0 : i32
      %dma_start3A_88 = tpu.memref_slice %arg7[%add3A_25, %dma_start3A_87] : memref<10240x32xf32, #tpu.memory_space<vmem_shared>> -> memref<320x32xf32, #tpu.memory_space<vmem_shared>>
      tpu.enqueue_dma source(%arg12 : memref<320x32xf32, #tpu.memory_space<vmem>>) target(%dma_start3A_88 : memref<320x32xf32, #tpu.memory_space<vmem_shared>>) target_semaphore(%run_scoped3A : memref<!tpu.dma_semaphore, #tpu.memory_space<semaphore_mem>>)
      %dma_wait3A_89 = arith.constant 0 : i32
      %dma_wait3A_90 = tpu.memref_slice %arg7[%add3A_25, %dma_wait3A_89] : memref<10240x32xf32, #tpu.memory_space<vmem_shared>> -> memref<320x32xf32, #tpu.memory_space<vmem_shared>>
      %dma_wait3A_91 = arith.constant 0 : i32
      %dma_wait3A_92 = tpu.memref_slice %arg7[%add3A_25, %dma_wait3A_91] : memref<10240x32xf32, #tpu.memory_space<vmem_shared>> -> memref<320x32xf32, #tpu.memory_space<vmem_shared>>
      tpu.wait_dma2 semaphore(%run_scoped3A : memref<!tpu.dma_semaphore, #tpu.memory_space<semaphore_mem>>) src(%arg12 : memref<320x32xf32, #tpu.memory_space<vmem>>) dst(%dma_wait3A_92 : memref<320x32xf32, #tpu.memory_space<vmem_shared>>)
      tpu.yield
    }) : () -> ()
    %mul3A_36 = arith.constant 160 : i32
    %mul3A_37 = arith.muli %arg1, %mul3A_36 : i32
    "tpu.region"() ({
      %run_scoped3A = tpu.sem_alloc : memref<!tpu.dma_semaphore, #tpu.memory_space<semaphore_mem>>
      %dma_start3A_85 = arith.constant 0 : i32
      %dma_start3A_86 = tpu.memref_slice %arg4[%mul3A_37, %dma_start3A_85] : memref<2560x128xf32, #tpu.memory_space<hbm>> -> memref<160x128xf32, #tpu.memory_space<hbm>>
      %dma_start3A_87 = arith.constant 0 : i32
      %dma_start3A_88 = tpu.memref_slice %arg4[%mul3A_37, %dma_start3A_87] : memref<2560x128xf32, #tpu.memory_space<hbm>> -> memref<160x128xf32, #tpu.memory_space<hbm>>
      tpu.enqueue_dma source(%dma_start3A_88 : memref<160x128xf32, #tpu.memory_space<hbm>>) target(%arg8 : memref<160x128xf32, #tpu.memory_space<vmem>>) target_semaphore(%run_scoped3A : memref<!tpu.dma_semaphore, #tpu.memory_space<semaphore_mem>>)
      %dma_wait3A_89 = arith.constant 0 : i32
      %dma_wait3A_90 = tpu.memref_slice %arg4[%mul3A_37, %dma_wait3A_89] : memref<2560x128xf32, #tpu.memory_space<hbm>> -> memref<160x128xf32, #tpu.memory_space<hbm>>
      %dma_wait3A_91 = arith.constant 0 : i32
      %dma_wait3A_92 = tpu.memref_slice %arg4[%mul3A_37, %dma_wait3A_91] : memref<2560x128xf32, #tpu.memory_space<hbm>> -> memref<160x128xf32, #tpu.memory_space<hbm>>
      tpu.wait_dma2 semaphore(%run_scoped3A : memref<!tpu.dma_semaphore, #tpu.memory_space<semaphore_mem>>) src(%dma_wait3A_92 : memref<160x128xf32, #tpu.memory_space<hbm>>) dst(%arg8 : memref<160x128xf32, #tpu.memory_space<vmem>>)
      tpu.yield
    }) : () -> ()
    %scan3A_38 = arith.constant 0 : i32
    %scan3A_39 = arith.constant 0 : i32
    %scan3A_40 = arith.constant 160 : i32
    %scan3A_41 = arith.addi %scan3A_39, %scan3A_40 : i32
    %scan3A_42 = arith.constant 1 : i32
    %scan3A_43 = scf.for %scan3A_85 = %scan3A_39 to %scan3A_41 step %scan3A_42 iter_args(%scan3A_86 = %scan3A_38) -> (i32)  : i32 {
      %get3A = arith.index_cast %scan3A_85 : i32 to index
      %get3A_87 = arith.constant 0 : index
      %get3A_88 = tpu.vector_load %arg8[%get3A, %get3A_87] {strides = array<i32>} : memref<160x128xf32, #tpu.memory_space<vmem>>, vector<16xf32>,
      %bitcast3A = vector.bitcast %get3A_88 : vector<16xf32> to vector<16xi32>
      %and3A = arith.constant 65535 : i32
      %and3A_89 = vector.broadcast %and3A : i32 to vector<16xi32>
      %and3A_90 = arith.andi %bitcast3A, %and3A_89 : vector<16xi32>
      %swap3A = arith.index_cast %scan3A_85 : i32 to index
      %swap3A_91 = arith.constant 0 : index
      %swap3A_92 = tpu.vector_load %arg9[%swap3A, %swap3A_91] {strides = array<i32>} : memref<160x128xi32, #tpu.memory_space<vmem>>, vector<16xi32>,
      tpu.vector_store %arg9[%swap3A, %swap3A_91], %and3A_90 {strides = array<i32>} : memref<160x128xi32, #tpu.memory_space<vmem>>, vector<16xi32>,
      %shift_right_logical3A = arith.constant 16 : i32
      %shift_right_logical3A_93 = vector.broadcast %shift_right_logical3A : i32 to vector<16xi32>
      %shift_right_logical3A_94 = arith.shrui %bitcast3A, %shift_right_logical3A_93 : vector<16xi32>
      %swap3A_95 = arith.index_cast %scan3A_85 : i32 to index
      %swap3A_96 = arith.constant 0 : index
      %swap3A_97 = tpu.vector_load %arg10[%swap3A_95, %swap3A_96] {strides = array<i32>} : memref<160x128xi32, #tpu.memory_space<vmem>>, vector<16xi32>,
      tpu.vector_store %arg10[%swap3A_95, %swap3A_96], %shift_right_logical3A_94 {strides = array<i32>} : memref<160x128xi32, #tpu.memory_space<vmem>>, vector<16xi32>,
      %get3A_98 = arith.index_cast %scan3A_85 : i32 to index
      %get3A_99 = arith.constant 16 : index
      %get3A_100 = tpu.vector_load %arg8[%get3A_98, %get3A_99] {strides = array<i32>} : memref<160x128xf32, #tpu.memory_space<vmem>>, vector<16xf32>,
      %bitcast3A_101 = vector.bitcast %get3A_100 : vector<16xf32> to vector<16xi32>
      %and3A_102 = arith.constant 65535 : i32
      %and3A_103 = vector.broadcast %and3A_102 : i32 to vector<16xi32>
      %and3A_104 = arith.andi %bitcast3A_101, %and3A_103 : vector<16xi32>
      %swap3A_105 = arith.index_cast %scan3A_85 : i32 to index
      %swap3A_106 = arith.constant 16 : index
      %swap3A_107 = tpu.vector_load %arg9[%swap3A_105, %swap3A_106] {strides = array<i32>} : memref<160x128xi32, #tpu.memory_space<vmem>>, vector<16xi32>,
      tpu.vector_store %arg9[%swap3A_105, %swap3A_106], %and3A_104 {strides = array<i32>} : memref<160x128xi32, #tpu.memory_space<vmem>>, vector<16xi32>,
      %shift_right_logical3A_108 = arith.constant 16 : i32
      %shift_right_logical3A_109 = vector.broadcast %shift_right_logical3A_108 : i32 to vector<16xi32>
      %shift_right_logical3A_110 = arith.shrui %bitcast3A_101, %shift_right_logical3A_109 : vector<16xi32>
      %swap3A_111 = arith.index_cast %scan3A_85 : i32 to index
      %swap3A_112 = arith.constant 16 : index
      %swap3A_113 = tpu.vector_load %arg10[%swap3A_111, %swap3A_112] {strides = array<i32>} : memref<160x128xi32, #tpu.memory_space<vmem>>, vector<16xi32>,
      tpu.vector_store %arg10[%swap3A_111, %swap3A_112], %shift_right_logical3A_110 {strides = array<i32>} : memref<160x128xi32, #tpu.memory_space<vmem>>, vector<16xi32>,
      %get3A_114 = arith.index_cast %scan3A_85 : i32 to index
      %get3A_115 = arith.constant 32 : index
      %get3A_116 = tpu.vector_load %arg8[%get3A_114, %get3A_115] {strides = array<i32>} : memref<160x128xf32, #tpu.memory_space<vmem>>, vector<16xf32>,
      %bitcast3A_117 = vector.bitcast %get3A_116 : vector<16xf32> to vector<16xi32>
      %and3A_118 = arith.constant 65535 : i32
      %and3A_119 = vector.broadcast %and3A_118 : i32 to vector<16xi32>
      %and3A_120 = arith.andi %bitcast3A_117, %and3A_119 : vector<16xi32>
      %swap3A_121 = arith.index_cast %scan3A_85 : i32 to index
      %swap3A_122 = arith.constant 32 : index
      %swap3A_123 = tpu.vector_load %arg9[%swap3A_121, %swap3A_122] {strides = array<i32>} : memref<160x128xi32, #tpu.memory_space<vmem>>, vector<16xi32>,
      tpu.vector_store %arg9[%swap3A_121, %swap3A_122], %and3A_120 {strides = array<i32>} : memref<160x128xi32, #tpu.memory_space<vmem>>, vector<16xi32>,
      %shift_right_logical3A_124 = arith.constant 16 : i32
      %shift_right_logical3A_125 = vector.broadcast %shift_right_logical3A_124 : i32 to vector<16xi32>
      %shift_right_logical3A_126 = arith.shrui %bitcast3A_117, %shift_right_logical3A_125 : vector<16xi32>
      %swap3A_127 = arith.index_cast %scan3A_85 : i32 to index
      %swap3A_128 = arith.constant 32 : index
      %swap3A_129 = tpu.vector_load %arg10[%swap3A_127, %swap3A_128] {strides = array<i32>} : memref<160x128xi32, #tpu.memory_space<vmem>>, vector<16xi32>,
      tpu.vector_store %arg10[%swap3A_127, %swap3A_128], %shift_right_logical3A_126 {strides = array<i32>} : memref<160x128xi32, #tpu.memory_space<vmem>>, vector<16xi32>,
      %get3A_130 = arith.index_cast %scan3A_85 : i32 to index
      %get3A_131 = arith.constant 48 : index
      %get3A_132 = tpu.vector_load %arg8[%get3A_130, %get3A_131] {strides = array<i32>} : memref<160x128xf32, #tpu.memory_space<vmem>>, vector<16xf32>,
      %bitcast3A_133 = vector.bitcast %get3A_132 : vector<16xf32> to vector<16xi32>
      %and3A_134 = arith.constant 65535 : i32
      %and3A_135 = vector.broadcast %and3A_134 : i32 to vector<16xi32>
      %and3A_136 = arith.andi %bitcast3A_133, %and3A_135 : vector<16xi32>
      %swap3A_137 = arith.index_cast %scan3A_85 : i32 to index
      %swap3A_138 = arith.constant 48 : index
      %swap3A_139 = tpu.vector_load %arg9[%swap3A_137, %swap3A_138] {strides = array<i32>} : memref<160x128xi32, #tpu.memory_space<vmem>>, vector<16xi32>,
      tpu.vector_store %arg9[%swap3A_137, %swap3A_138], %and3A_136 {strides = array<i32>} : memref<160x128xi32, #tpu.memory_space<vmem>>, vector<16xi32>,
      %shift_right_logical3A_140 = arith.constant 16 : i32
      %shift_right_logical3A_141 = vector.broadcast %shift_right_logical3A_140 : i32 to vector<16xi32>
      %shift_right_logical3A_142 = arith.shrui %bitcast3A_133, %shift_right_logical3A_141 : vector<16xi32>
      %swap3A_143 = arith.index_cast %scan3A_85 : i32 to index
      %swap3A_144 = arith.constant 48 : index
      %swap3A_145 = tpu.vector_load %arg10[%swap3A_143, %swap3A_144] {strides = array<i32>} : memref<160x128xi32, #tpu.memory_space<vmem>>, vector<16xi32>,
      tpu.vector_store %arg10[%swap3A_143, %swap3A_144], %shift_right_logical3A_142 {strides = array<i32>} : memref<160x128xi32, #tpu.memory_space<vmem>>, vector<16xi32>,
      %get3A_146 = arith.index_cast %scan3A_85 : i32 to index
      %get3A_147 = arith.constant 64 : index
      %get3A_148 = tpu.vector_load %arg8[%get3A_146, %get3A_147] {strides = array<i32>} : memref<160x128xf32, #tpu.memory_space<vmem>>, vector<16xf32>,
      %bitcast3A_149 = vector.bitcast %get3A_148 : vector<16xf32> to vector<16xi32>
      %and3A_150 = arith.constant 65535 : i32
      %and3A_151 = vector.broadcast %and3A_150 : i32 to vector<16xi32>
      %and3A_152 = arith.andi %bitcast3A_149, %and3A_151 : vector<16xi32>
      %swap3A_153 = arith.index_cast %scan3A_85 : i32 to index
      %swap3A_154 = arith.constant 64 : index
      %swap3A_155 = tpu.vector_load %arg9[%swap3A_153, %swap3A_154] {strides = array<i32>} : memref<160x128xi32, #tpu.memory_space<vmem>>, vector<16xi32>,
      tpu.vector_store %arg9[%swap3A_153, %swap3A_154], %and3A_152 {strides = array<i32>} : memref<160x128xi32, #tpu.memory_space<vmem>>, vector<16xi32>,
      %shift_right_logical3A_156 = arith.constant 16 : i32
      %shift_right_logical3A_157 = vector.broadcast %shift_right_logical3A_156 : i32 to vector<16xi32>
      %shift_right_logical3A_158 = arith.shrui %bitcast3A_149, %shift_right_logical3A_157 : vector<16xi32>
      %swap3A_159 = arith.index_cast %scan3A_85 : i32 to index
      %swap3A_160 = arith.constant 64 : index
      %swap3A_161 = tpu.vector_load %arg10[%swap3A_159, %swap3A_160] {strides = array<i32>} : memref<160x128xi32, #tpu.memory_space<vmem>>, vector<16xi32>,
      tpu.vector_store %arg10[%swap3A_159, %swap3A_160], %shift_right_logical3A_158 {strides = array<i32>} : memref<160x128xi32, #tpu.memory_space<vmem>>, vector<16xi32>,
      %get3A_162 = arith.index_cast %scan3A_85 : i32 to index
      %get3A_163 = arith.constant 80 : index
      %get3A_164 = tpu.vector_load %arg8[%get3A_162, %get3A_163] {strides = array<i32>} : memref<160x128xf32, #tpu.memory_space<vmem>>, vector<16xf32>,
      %bitcast3A_165 = vector.bitcast %get3A_164 : vector<16xf32> to vector<16xi32>
      %and3A_166 = arith.constant 65535 : i32
      %and3A_167 = vector.broadcast %and3A_166 : i32 to vector<16xi32>
      %and3A_168 = arith.andi %bitcast3A_165, %and3A_167 : vector<16xi32>
      %swap3A_169 = arith.index_cast %scan3A_85 : i32 to index
      %swap3A_170 = arith.constant 80 : index
      %swap3A_171 = tpu.vector_load %arg9[%swap3A_169, %swap3A_170] {strides = array<i32>} : memref<160x128xi32, #tpu.memory_space<vmem>>, vector<16xi32>,
      tpu.vector_store %arg9[%swap3A_169, %swap3A_170], %and3A_168 {strides = array<i32>} : memref<160x128xi32, #tpu.memory_space<vmem>>, vector<16xi32>,
      %shift_right_logical3A_172 = arith.constant 16 : i32
      %shift_right_logical3A_173 = vector.broadcast %shift_right_logical3A_172 : i32 to vector<16xi32>
      %shift_right_logical3A_174 = arith.shrui %bitcast3A_165, %shift_right_logical3A_173 : vector<16xi32>
      %swap3A_175 = arith.index_cast %scan3A_85 : i32 to index
      %swap3A_176 = arith.constant 80 : index
      %swap3A_177 = tpu.vector_load %arg10[%swap3A_175, %swap3A_176] {strides = array<i32>} : memref<160x128xi32, #tpu.memory_space<vmem>>, vector<16xi32>,
      tpu.vector_store %arg10[%swap3A_175, %swap3A_176], %shift_right_logical3A_174 {strides = array<i32>} : memref<160x128xi32, #tpu.memory_space<vmem>>, vector<16xi32>,
      %get3A_178 = arith.index_cast %scan3A_85 : i32 to index
      %get3A_179 = arith.constant 96 : index
      %get3A_180 = tpu.vector_load %arg8[%get3A_178, %get3A_179] {strides = array<i32>} : memref<160x128xf32, #tpu.memory_space<vmem>>, vector<16xf32>,
      %bitcast3A_181 = vector.bitcast %get3A_180 : vector<16xf32> to vector<16xi32>
      %and3A_182 = arith.constant 65535 : i32
      %and3A_183 = vector.broadcast %and3A_182 : i32 to vector<16xi32>
      %and3A_184 = arith.andi %bitcast3A_181, %and3A_183 : vector<16xi32>
      %swap3A_185 = arith.index_cast %scan3A_85 : i32 to index
      %swap3A_186 = arith.constant 96 : index
      %swap3A_187 = tpu.vector_load %arg9[%swap3A_185, %swap3A_186] {strides = array<i32>} : memref<160x128xi32, #tpu.memory_space<vmem>>, vector<16xi32>,
      tpu.vector_store %arg9[%swap3A_185, %swap3A_186], %and3A_184 {strides = array<i32>} : memref<160x128xi32, #tpu.memory_space<vmem>>, vector<16xi32>,
      %shift_right_logical3A_188 = arith.constant 16 : i32
      %shift_right_logical3A_189 = vector.broadcast %shift_right_logical3A_188 : i32 to vector<16xi32>
      %shift_right_logical3A_190 = arith.shrui %bitcast3A_181, %shift_right_logical3A_189 : vector<16xi32>
      %swap3A_191 = arith.index_cast %scan3A_85 : i32 to index
      %swap3A_192 = arith.constant 96 : index
      %swap3A_193 = tpu.vector_load %arg10[%swap3A_191, %swap3A_192] {strides = array<i32>} : memref<160x128xi32, #tpu.memory_space<vmem>>, vector<16xi32>,
      tpu.vector_store %arg10[%swap3A_191, %swap3A_192], %shift_right_logical3A_190 {strides = array<i32>} : memref<160x128xi32, #tpu.memory_space<vmem>>, vector<16xi32>,
      %get3A_194 = arith.index_cast %scan3A_85 : i32 to index
      %get3A_195 = arith.constant 112 : index
      %get3A_196 = tpu.vector_load %arg8[%get3A_194, %get3A_195] {strides = array<i32>} : memref<160x128xf32, #tpu.memory_space<vmem>>, vector<16xf32>,
      %bitcast3A_197 = vector.bitcast %get3A_196 : vector<16xf32> to vector<16xi32>
      %and3A_198 = arith.constant 65535 : i32
      %and3A_199 = vector.broadcast %and3A_198 : i32 to vector<16xi32>
      %and3A_200 = arith.andi %bitcast3A_197, %and3A_199 : vector<16xi32>
      %swap3A_201 = arith.index_cast %scan3A_85 : i32 to index
      %swap3A_202 = arith.constant 112 : index
      %swap3A_203 = tpu.vector_load %arg9[%swap3A_201, %swap3A_202] {strides = array<i32>} : memref<160x128xi32, #tpu.memory_space<vmem>>, vector<16xi32>,
      tpu.vector_store %arg9[%swap3A_201, %swap3A_202], %and3A_200 {strides = array<i32>} : memref<160x128xi32, #tpu.memory_space<vmem>>, vector<16xi32>,
      %shift_right_logical3A_204 = arith.constant 16 : i32
      %shift_right_logical3A_205 = vector.broadcast %shift_right_logical3A_204 : i32 to vector<16xi32>
      %shift_right_logical3A_206 = arith.shrui %bitcast3A_197, %shift_right_logical3A_205 : vector<16xi32>
      %swap3A_207 = arith.index_cast %scan3A_85 : i32 to index
      %swap3A_208 = arith.constant 112 : index
      %swap3A_209 = tpu.vector_load %arg10[%swap3A_207, %swap3A_208] {strides = array<i32>} : memref<160x128xi32, #tpu.memory_space<vmem>>, vector<16xi32>,
      tpu.vector_store %arg10[%swap3A_207, %swap3A_208], %shift_right_logical3A_206 {strides = array<i32>} : memref<160x128xi32, #tpu.memory_space<vmem>>, vector<16xi32>,
      %scan3A_210 = arith.constant 0 : i32
      scf.yield %scan3A_210 : i32
    }
    %scan3A_44 = arith.constant 160 : i32
    %barrier3A = arith.constant 0 : index
    tpu.barrier barrier_id(%barrier3A)
    %dma_start3A = arith.constant 0 : i32
    %dma_start3A_45 = arith.constant 0 : i32
    %dma_start3A_46 = arith.constant 0 : i32
    %dma_start3A_47 = arith.constant 0 : i32
    %dma_start3A_48 = arith.constant 0 : i32
    %dma_start3A_49 = tpu.memref_slice %arg11[%dma_start3A_45, %dma_start3A_47, %dma_start3A_48] : memref<2x128x32xf32, #tpu.memory_space<vmem>> -> memref<1x128x32xf32, #tpu.memory_space<vmem>>
    %dma_start3A_50 = tpu.memref_squeeze %dma_start3A_49 : memref<1x128x32xf32, #tpu.memory_space<vmem>> -> memref<128x32xf32, #tpu.memory_space<vmem>>
    %dma_start3A_51 = arith.constant 0 : i32
    %dma_start3A_52 = tpu.memref_slice %arg9[%dma_start3A, %dma_start3A_51] : memref<160x128xi32, #tpu.memory_space<vmem>> -> memref<1x128xi32, #tpu.memory_space<vmem>>
    %dma_start3A_53 = tpu.memref_squeeze %dma_start3A_52 : memref<1x128xi32, #tpu.memory_space<vmem>> -> memref<128xi32, #tpu.memory_space<vmem>>
    %dma_start3A_54 = arith.constant 0 : i32
    %dma_start3A_55 = arith.constant 0 : i32
    %dma_start3A_56 = tpu.memref_slice %arg7[%dma_start3A_54, %dma_start3A_55] : memref<10240x32xf32, #tpu.memory_space<vmem_shared>> -> memref<10240x32xf32, #tpu.memory_space<vmem_shared>>
    %dma_start3A_57 = tpu.memref_slice %arg13[%dma_start3A_46] : memref<2x!tpu.dma_semaphore, #tpu.memory_space<semaphore_mem>> -> memref<1x!tpu.dma_semaphore, #tpu.memory_space<semaphore_mem>>
    %dma_start3A_58 = tpu.memref_squeeze %dma_start3A_57 : memref<1x!tpu.dma_semaphore, #tpu.memory_space<semaphore_mem>> -> memref<!tpu.dma_semaphore, #tpu.memory_space<semaphore_mem>>
    tpu.enqueue_indirect_dma source(%dma_start3A_56 : memref<10240x32xf32, #tpu.memory_space<vmem_shared>>) target(%dma_start3A_50 : memref<128x32xf32, #tpu.memory_space<vmem>>) offsets(%dma_start3A_53 : memref<128xi32, #tpu.memory_space<vmem>>) semaphore(%dma_start3A_58 : memref<!tpu.dma_semaphore, #tpu.memory_space<semaphore_mem>>)
    %scan3A_59 = arith.constant 0 : i32
    %scan3A_60 = arith.constant 0 : i32
    %scan3A_61 = arith.constant 160 : i32
    %scan3A_62 = arith.addi %scan3A_60, %scan3A_61 : i32
    %scan3A_63 = arith.constant 1 : i32
    %scan3A_64 = scf.for %scan3A_85 = %scan3A_60 to %scan3A_62 step %scan3A_63 iter_args(%scan3A_86 = %scan3A_59) -> (i32)  : i32 {
      %rem3A_87 = arith.constant 2 : i32
      %rem3A_88 = arith.remsi %scan3A_85, %rem3A_87 : i32
      %ge3A = arith.constant 1 : i32
      %ge3A_89 = arith.cmpi sge, %scan3A_85, %ge3A : i32
      %convert_element_type3A_90 = arith.extui %ge3A_89 : i1 to i32
      %cond3A_91 = arith.constant 0 : i32
      %cond3A_92 = arith.cmpi ne, %convert_element_type3A_90, %cond3A_91 : i32
      scf.if %cond3A_92 {
        %sub3A = arith.constant 1 : i32
        %sub3A_124 = arith.subi %sub3A, %rem3A_88 : i32
        %sub3A_125 = arith.constant 1 : i32
        %sub3A_126 = arith.subi %scan3A_85, %sub3A_125 : i32
        %sub3A_127 = arith.constant 1 : i32
        %sub3A_128 = arith.subi %sub3A_127, %rem3A_88 : i32
        %dma_wait3A_129 = arith.constant 0 : i32
        %dma_wait3A_130 = arith.constant 0 : i32
        %dma_wait3A_131 = tpu.memref_slice %arg11[%sub3A_124, %dma_wait3A_129, %dma_wait3A_130] : memref<2x128x32xf32, #tpu.memory_space<vmem>> -> memref<1x128x32xf32, #tpu.memory_space<vmem>>
        %dma_wait3A_132 = tpu.memref_squeeze %dma_wait3A_131 : memref<1x128x32xf32, #tpu.memory_space<vmem>> -> memref<128x32xf32, #tpu.memory_space<vmem>>
        %dma_wait3A_133 = arith.constant 0 : i32
        %dma_wait3A_134 = tpu.memref_slice %arg10[%sub3A_126, %dma_wait3A_133] : memref<160x128xi32, #tpu.memory_space<vmem>> -> memref<1x128xi32, #tpu.memory_space<vmem>>
        %dma_wait3A_135 = tpu.memref_squeeze %dma_wait3A_134 : memref<1x128xi32, #tpu.memory_space<vmem>> -> memref<128xi32, #tpu.memory_space<vmem>>
        %dma_wait3A_136 = arith.constant 0 : i32
        %dma_wait3A_137 = arith.constant 0 : i32
        %dma_wait3A_138 = tpu.memref_slice %arg6[%dma_wait3A_136, %dma_wait3A_137] : memref<10240x32xf32, #tpu.memory_space<vmem_shared>> -> memref<10240x32xf32, #tpu.memory_space<vmem_shared>>
        %dma_wait3A_139 = tpu.memref_slice %arg14[%sub3A_128] : memref<2x!tpu.dma_semaphore, #tpu.memory_space<semaphore_mem>> -> memref<1x!tpu.dma_semaphore, #tpu.memory_space<semaphore_mem>>
        %dma_wait3A_140 = tpu.memref_squeeze %dma_wait3A_139 : memref<1x!tpu.dma_semaphore, #tpu.memory_space<semaphore_mem>> -> memref<!tpu.dma_semaphore, #tpu.memory_space<semaphore_mem>>
        tpu.wait_indirect_dma semaphore(%dma_wait3A_140 : memref<!tpu.dma_semaphore, #tpu.memory_space<semaphore_mem>>) src(%dma_wait3A_132 : memref<128x32xf32, #tpu.memory_space<vmem>>) dst(%dma_wait3A_138 : memref<10240x32xf32, #tpu.memory_space<vmem_shared>>)
      } else {
      }
      %add3A_93 = arith.constant 1 : i32
      %add3A_94 = arith.addi %scan3A_85, %add3A_93 : i32
      %lt3A = arith.constant 160 : i32
      %lt3A_95 = arith.cmpi slt, %add3A_94, %lt3A : i32
      %convert_element_type3A_96 = arith.extui %lt3A_95 : i1 to i32
      %cond3A_97 = arith.constant 0 : i32
      %cond3A_98 = arith.cmpi ne, %convert_element_type3A_96, %cond3A_97 : i32
      scf.if %cond3A_98 {
        %add3A_124 = arith.constant 1 : i32
        %add3A_125 = arith.addi %scan3A_85, %add3A_124 : i32
        %sub3A = arith.constant 1 : i32
        %sub3A_126 = arith.subi %sub3A, %rem3A_88 : i32
        %sub3A_127 = arith.constant 1 : i32
        %sub3A_128 = arith.subi %sub3A_127, %rem3A_88 : i32
        %dma_start3A_129 = arith.constant 0 : i32
        %dma_start3A_130 = arith.constant 0 : i32
        %dma_start3A_131 = tpu.memref_slice %arg11[%sub3A_126, %dma_start3A_129, %dma_start3A_130] : memref<2x128x32xf32, #tpu.memory_space<vmem>> -> memref<1x128x32xf32, #tpu.memory_space<vmem>>
        %dma_start3A_132 = tpu.memref_squeeze %dma_start3A_131 : memref<1x128x32xf32, #tpu.memory_space<vmem>> -> memref<128x32xf32, #tpu.memory_space<vmem>>
        %dma_start3A_133 = arith.constant 0 : i32
        %dma_start3A_134 = tpu.memref_slice %arg9[%add3A_125, %dma_start3A_133] : memref<160x128xi32, #tpu.memory_space<vmem>> -> memref<1x128xi32, #tpu.memory_space<vmem>>
        %dma_start3A_135 = tpu.memref_squeeze %dma_start3A_134 : memref<1x128xi32, #tpu.memory_space<vmem>> -> memref<128xi32, #tpu.memory_space<vmem>>
        %dma_start3A_136 = arith.constant 0 : i32
        %dma_start3A_137 = arith.constant 0 : i32
        %dma_start3A_138 = tpu.memref_slice %arg7[%dma_start3A_136, %dma_start3A_137] : memref<10240x32xf32, #tpu.memory_space<vmem_shared>> -> memref<10240x32xf32, #tpu.memory_space<vmem_shared>>
        %dma_start3A_139 = tpu.memref_slice %arg13[%sub3A_128] : memref<2x!tpu.dma_semaphore, #tpu.memory_space<semaphore_mem>> -> memref<1x!tpu.dma_semaphore, #tpu.memory_space<semaphore_mem>>
        %dma_start3A_140 = tpu.memref_squeeze %dma_start3A_139 : memref<1x!tpu.dma_semaphore, #tpu.memory_space<semaphore_mem>> -> memref<!tpu.dma_semaphore, #tpu.memory_space<semaphore_mem>>
        tpu.enqueue_indirect_dma source(%dma_start3A_138 : memref<10240x32xf32, #tpu.memory_space<vmem_shared>>) target(%dma_start3A_132 : memref<128x32xf32, #tpu.memory_space<vmem>>) offsets(%dma_start3A_135 : memref<128xi32, #tpu.memory_space<vmem>>) semaphore(%dma_start3A_140 : memref<!tpu.dma_semaphore, #tpu.memory_space<semaphore_mem>>)
      } else {
      }
      %dma_wait3A_99 = arith.constant 0 : i32
      %dma_wait3A_100 = arith.constant 0 : i32
      %dma_wait3A_101 = tpu.memref_slice %arg11[%rem3A_88, %dma_wait3A_99, %dma_wait3A_100] : memref<2x128x32xf32, #tpu.memory_space<vmem>> -> memref<1x128x32xf32, #tpu.memory_space<vmem>>
      %dma_wait3A_102 = tpu.memref_squeeze %dma_wait3A_101 : memref<1x128x32xf32, #tpu.memory_space<vmem>> -> memref<128x32xf32, #tpu.memory_space<vmem>>
      %dma_wait3A_103 = arith.constant 0 : i32
      %dma_wait3A_104 = tpu.memref_slice %arg9[%scan3A_85, %dma_wait3A_103] : memref<160x128xi32, #tpu.memory_space<vmem>> -> memref<1x128xi32, #tpu.memory_space<vmem>>
      %dma_wait3A_105 = tpu.memref_squeeze %dma_wait3A_104 : memref<1x128xi32, #tpu.memory_space<vmem>> -> memref<128xi32, #tpu.memory_space<vmem>>
      %dma_wait3A_106 = arith.constant 0 : i32
      %dma_wait3A_107 = arith.constant 0 : i32
      %dma_wait3A_108 = tpu.memref_slice %arg7[%dma_wait3A_106, %dma_wait3A_107] : memref<10240x32xf32, #tpu.memory_space<vmem_shared>> -> memref<10240x32xf32, #tpu.memory_space<vmem_shared>>
      %dma_wait3A_109 = tpu.memref_slice %arg13[%rem3A_88] : memref<2x!tpu.dma_semaphore, #tpu.memory_space<semaphore_mem>> -> memref<1x!tpu.dma_semaphore, #tpu.memory_space<semaphore_mem>>
      %dma_wait3A_110 = tpu.memref_squeeze %dma_wait3A_109 : memref<1x!tpu.dma_semaphore, #tpu.memory_space<semaphore_mem>> -> memref<!tpu.dma_semaphore, #tpu.memory_space<semaphore_mem>>
      tpu.wait_indirect_dma semaphore(%dma_wait3A_110 : memref<!tpu.dma_semaphore, #tpu.memory_space<semaphore_mem>>) src(%dma_wait3A_108 : memref<10240x32xf32, #tpu.memory_space<vmem_shared>>) dst(%dma_wait3A_102 : memref<128x32xf32, #tpu.memory_space<vmem>>)
      %dma_start3A_111 = arith.constant 0 : i32
      %dma_start3A_112 = arith.constant 0 : i32
      %dma_start3A_113 = tpu.memref_slice %arg11[%rem3A_88, %dma_start3A_111, %dma_start3A_112] : memref<2x128x32xf32, #tpu.memory_space<vmem>> -> memref<1x128x32xf32, #tpu.memory_space<vmem>>
      %dma_start3A_114 = tpu.memref_squeeze %dma_start3A_113 : memref<1x128x32xf32, #tpu.memory_space<vmem>> -> memref<128x32xf32, #tpu.memory_space<vmem>>
      %dma_start3A_115 = arith.constant 0 : i32
      %dma_start3A_116 = tpu.memref_slice %arg10[%scan3A_85, %dma_start3A_115] : memref<160x128xi32, #tpu.memory_space<vmem>> -> memref<1x128xi32, #tpu.memory_space<vmem>>
      %dma_start3A_117 = tpu.memref_squeeze %dma_start3A_116 : memref<1x128xi32, #tpu.memory_space<vmem>> -> memref<128xi32, #tpu.memory_space<vmem>>
      %dma_start3A_118 = arith.constant 0 : i32
      %dma_start3A_119 = arith.constant 0 : i32
      %dma_start3A_120 = tpu.memref_slice %arg6[%dma_start3A_118, %dma_start3A_119] : memref<10240x32xf32, #tpu.memory_space<vmem_shared>> -> memref<10240x32xf32, #tpu.memory_space<vmem_shared>>
      %dma_start3A_121 = tpu.memref_slice %arg14[%rem3A_88] : memref<2x!tpu.dma_semaphore, #tpu.memory_space<semaphore_mem>> -> memref<1x!tpu.dma_semaphore, #tpu.memory_space<semaphore_mem>>
      %dma_start3A_122 = tpu.memref_squeeze %dma_start3A_121 : memref<1x!tpu.dma_semaphore, #tpu.memory_space<semaphore_mem>> -> memref<!tpu.dma_semaphore, #tpu.memory_space<semaphore_mem>>
      tpu.enqueue_indirect_dma source(%dma_start3A_114 : memref<128x32xf32, #tpu.memory_space<vmem>>) target(%dma_start3A_120 : memref<10240x32xf32, #tpu.memory_space<vmem_shared>>) offsets(%dma_start3A_117 : memref<128xi32, #tpu.memory_space<vmem>>) semaphore(%dma_start3A_122 : memref<!tpu.dma_semaphore, #tpu.memory_space<semaphore_mem>>) {add = true}
      %scan3A_123 = arith.constant 0 : i32
      scf.yield %scan3A_123 : i32
    }
    %scan3A_65 = arith.constant 160 : i32
    %rem3A = arith.constant 159 : i32
    %rem3A_66 = arith.constant 2 : i32
    %rem3A_67 = arith.remsi %rem3A, %rem3A_66 : i32
    %dma_wait3A = arith.constant 159 : i32
    %dma_wait3A_68 = arith.constant 0 : i32
    %dma_wait3A_69 = arith.constant 0 : i32
    %dma_wait3A_70 = tpu.memref_slice %arg11[%rem3A_67, %dma_wait3A_68, %dma_wait3A_69] : memref<2x128x32xf32, #tpu.memory_space<vmem>> -> memref<1x128x32xf32, #tpu.memory_space<vmem>>
    %dma_wait3A_71 = tpu.memref_squeeze %dma_wait3A_70 : memref<1x128x32xf32, #tpu.memory_space<vmem>> -> memref<128x32xf32, #tpu.memory_space<vmem>>
    %dma_wait3A_72 = arith.constant 0 : i32
    %dma_wait3A_73 = tpu.memref_slice %arg10[%dma_wait3A, %dma_wait3A_72] : memref<160x128xi32, #tpu.memory_space<vmem>> -> memref<1x128xi32, #tpu.memory_space<vmem>>
    %dma_wait3A_74 = tpu.memref_squeeze %dma_wait3A_73 : memref<1x128xi32, #tpu.memory_space<vmem>> -> memref<128xi32, #tpu.memory_space<vmem>>
    %dma_wait3A_75 = arith.constant 0 : i32
    %dma_wait3A_76 = arith.constant 0 : i32
    %dma_wait3A_77 = tpu.memref_slice %arg6[%dma_wait3A_75, %dma_wait3A_76] : memref<10240x32xf32, #tpu.memory_space<vmem_shared>> -> memref<10240x32xf32, #tpu.memory_space<vmem_shared>>
    %dma_wait3A_78 = tpu.memref_slice %arg14[%rem3A_67] : memref<2x!tpu.dma_semaphore, #tpu.memory_space<semaphore_mem>> -> memref<1x!tpu.dma_semaphore, #tpu.memory_space<semaphore_mem>>
    %dma_wait3A_79 = tpu.memref_squeeze %dma_wait3A_78 : memref<1x!tpu.dma_semaphore, #tpu.memory_space<semaphore_mem>> -> memref<!tpu.dma_semaphore, #tpu.memory_space<semaphore_mem>>
    tpu.wait_indirect_dma semaphore(%dma_wait3A_79 : memref<!tpu.dma_semaphore, #tpu.memory_space<semaphore_mem>>) src(%dma_wait3A_71 : memref<128x32xf32, #tpu.memory_space<vmem>>) dst(%dma_wait3A_77 : memref<10240x32xf32, #tpu.memory_space<vmem_shared>>)
    %barrier3A_80 = arith.constant 0 : index
    tpu.barrier barrier_id(%barrier3A_80)
    %mul3A_81 = arith.constant 640 : i32
    %mul3A_82 = arith.muli %arg1, %mul3A_81 : i32
    %mul3A_83 = arith.constant 640 : i32
    %mul3A_84 = arith.muli %arg1, %mul3A_83 : i32
    "tpu.region"() ({
      %run_scoped3A = tpu.sem_alloc : memref<!tpu.dma_semaphore, #tpu.memory_space<semaphore_mem>>
      %dma_start3A_85 = arith.constant 0 : i32
      %dma_start3A_86 = tpu.memref_slice %arg5[%arg0, %mul3A_84, %dma_start3A_85] : memref<2x10240x32xf32, #tpu.memory_space<hbm>> -> memref<1x640x32xf32, #tpu.memory_space<hbm>>
      %dma_start3A_87 = tpu.memref_squeeze %dma_start3A_86 : memref<1x640x32xf32, #tpu.memory_space<hbm>> -> memref<640x32xf32, #tpu.memory_space<hbm>>
      %dma_start3A_88 = arith.constant 0 : i32
      %dma_start3A_89 = tpu.memref_slice %arg6[%mul3A_82, %dma_start3A_88] : memref<10240x32xf32, #tpu.memory_space<vmem_shared>> -> memref<640x32xf32, #tpu.memory_space<vmem_shared>>
      tpu.enqueue_dma source(%dma_start3A_89 : memref<640x32xf32, #tpu.memory_space<vmem_shared>>) target(%dma_start3A_87 : memref<640x32xf32, #tpu.memory_space<hbm>>) target_semaphore(%run_scoped3A : memref<!tpu.dma_semaphore, #tpu.memory_space<semaphore_mem>>)
      %dma_wait3A_90 = arith.constant 0 : i32
      %dma_wait3A_91 = tpu.memref_slice %arg5[%arg0, %mul3A_84, %dma_wait3A_90] : memref<2x10240x32xf32, #tpu.memory_space<hbm>> -> memref<1x640x32xf32, #tpu.memory_space<hbm>>
      %dma_wait3A_92 = tpu.memref_squeeze %dma_wait3A_91 : memref<1x640x32xf32, #tpu.memory_space<hbm>> -> memref<640x32xf32, #tpu.memory_space<hbm>>
      %dma_wait3A_93 = arith.constant 0 : i32
      %dma_wait3A_94 = tpu.memref_slice %arg6[%mul3A_82, %dma_wait3A_93] : memref<10240x32xf32, #tpu.memory_space<vmem_shared>> -> memref<640x32xf32, #tpu.memory_space<vmem_shared>>
      tpu.wait_dma2 semaphore(%run_scoped3A : memref<!tpu.dma_semaphore, #tpu.memory_space<semaphore_mem>>) src(%dma_wait3A_94 : memref<640x32xf32, #tpu.memory_space<vmem_shared>>) dst(%dma_wait3A_92 : memref<640x32xf32, #tpu.memory_space<hbm>>)
      tpu.yield
    }) : () -> ()
    return
  }
}

module attributes {stable_mosaic.version = 14 : i64} {
  func.func @_mm0_body(%arg0: i32, %arg1: memref<1024x128xf32, #tpu.memory_space<vmem>>, %arg2: memref<128x64xf32, #tpu.memory_space<vmem>>, %arg3: memref<1024x1xf32, #tpu.memory_space<vmem>>, %arg4: memref<1024x64xf32, #tpu.memory_space<vmem>>) attributes {dimension_semantics = [#tpu.dimension_semantics<arbitrary>], iteration_bounds = array<i64: 10>, scalar_prefetch = 0 : i64, scratch_operands = 0 : i64, tpu.core_type = #tpu.core_type<tc>, window_params = [{transform_indices = @transform_0, window_bounds = array<i64: 1024, 128>}, {pipeline_mode = #tpu.pipeline_mode<synchronous>, transform_indices = @transform_1, window_bounds = array<i64: 128, 64>}, {transform_indices = @transform_2, window_bounds = array<i64: 1024, 1>}, {transform_indices = @transform_3, window_bounds = array<i64: 1024, 64>}]} {
    %get3A = arith.constant 0 : index
    %get3A_0 = arith.constant 0 : index
    %get3A_1 = vector.load %arg3[%get3A, %get3A_0] : memref<1024x1xf32, #tpu.memory_space<vmem>>, vector<1024x1xf32>
    %add3A = arith.constant 1.000000e+00 : f32
    %add3A_2 = vector.broadcast %add3A : f32 to vector<1024x1xf32>
    %add3A_3 = arith.addf %get3A_1, %add3A_2 : vector<1024x1xf32>
    %rsqrt3A = math.rsqrt %add3A_3 : vector<1024x1xf32>
    %get3A_4 = arith.constant 0 : index
    %get3A_5 = arith.constant 0 : index
    %get3A_6 = vector.load %arg1[%get3A_4, %get3A_5] : memref<1024x128xf32, #tpu.memory_space<vmem>>, vector<1024x128xf32>
    %get3A_7 = arith.constant 0 : index
    %get3A_8 = arith.constant 0 : index
    %get3A_9 = vector.load %arg2[%get3A_7, %get3A_8] : memref<128x64xf32, #tpu.memory_space<vmem>>, vector<128x64xf32>
    %dot_general3A = arith.constant dense<0.000000e+00> : vector<1024x64xf32>
    %dot_general3A_10 = tpu.matmul %get3A_6, %get3A_9, %dot_general3A {dimension_numbers = #tpu.dot_dimension_numbers<[1], [0], [0], [1], [0, 0, 1, 1], [], []>, transpose_lhs_hint = false} : vector<1024x128xf32>, vector<128x64xf32>, vector<1024x64xf32> -> vector<1024x64xf32>
    %mul3A = vector.broadcast %rsqrt3A : vector<1024x1xf32> to vector<1024x64xf32>
    %mul3A_11 = arith.mulf %dot_general3A_10, %mul3A : vector<1024x64xf32>
    %swap3A = arith.constant 0 : index
    %swap3A_12 = arith.constant 0 : index
    %swap3A_13 = vector.load %arg4[%swap3A, %swap3A_12] : memref<1024x64xf32, #tpu.memory_space<vmem>>, vector<1024x64xf32>
    tpu.vector_store %arg4[%swap3A, %swap3A_12], %mul3A_11 {strides = array<i32>} : memref<1024x64xf32, #tpu.memory_space<vmem>>, vector<1024x64xf32>,
    return
  }
  func.func @transform_0(%arg0: i32) -> (i32, i32) {
    %c0_i32 = arith.constant 0 : i32
    %c0_i32_0 = arith.constant 0 : i32
    return %arg0, %c0_i32 : i32, i32
  }
  func.func @transform_1(%arg0: i32) -> (i32, i32) {
    %c0_i32 = arith.constant 0 : i32
    %c0_i32_0 = arith.constant 0 : i32
    %c0_i32_1 = arith.constant 0 : i32
    return %c0_i32, %c0_i32_0 : i32, i32
  }
  func.func @transform_2(%arg0: i32) -> (i32, i32) {
    %c0_i32 = arith.constant 0 : i32
    %c0_i32_0 = arith.constant 0 : i32
    return %arg0, %c0_i32 : i32, i32
  }
  func.func @transform_3(%arg0: i32) -> (i32, i32) {
    %c0_i32 = arith.constant 0 : i32
    %c0_i32_0 = arith.constant 0 : i32
    return %arg0, %c0_i32 : i32, i32
  }
}

module attributes {stable_mosaic.version = 14 : i64} {
  func.func @_mid_body(%arg0: i32, %arg1: memref<1024x32xf32, #tpu.memory_space<vmem>>, %arg2: memref<1024x32xf32, #tpu.memory_space<vmem>>, %arg3: memref<1024x64xf32, #tpu.memory_space<vmem>>, %arg4: memref<1024x1xf32, #tpu.memory_space<vmem>>, %arg5: memref<1x64xf32, #tpu.memory_space<vmem>>, %arg6: memref<64x64xf32, #tpu.memory_space<vmem>>, %arg7: memref<1024x64xf32, #tpu.memory_space<vmem>>) attributes {dimension_semantics = [#tpu.dimension_semantics<arbitrary>], iteration_bounds = array<i64: 10>, scalar_prefetch = 0 : i64, scratch_operands = 0 : i64, tpu.core_type = #tpu.core_type<tc>, window_params = [{transform_indices = @transform_0, window_bounds = array<i64: 1024, 32>}, {transform_indices = @transform_1, window_bounds = array<i64: 1024, 32>}, {transform_indices = @transform_2, window_bounds = array<i64: 1024, 64>}, {transform_indices = @transform_3, window_bounds = array<i64: 1024, 1>}, {pipeline_mode = #tpu.pipeline_mode<synchronous>, transform_indices = @transform_4, window_bounds = array<i64: 1, 64>}, {pipeline_mode = #tpu.pipeline_mode<synchronous>, transform_indices = @transform_5, window_bounds = array<i64: 64, 64>}, {transform_indices = @transform_6, window_bounds = array<i64: 1024, 64>}]} {
    %get3A = arith.constant 0 : index
    %get3A_0 = arith.constant 0 : index
    %get3A_1 = vector.load %arg4[%get3A, %get3A_0] : memref<1024x1xf32, #tpu.memory_space<vmem>>, vector<1024x1xf32>
    %add3A = arith.constant 1.000000e+00 : f32
    %add3A_2 = vector.broadcast %add3A : f32 to vector<1024x1xf32>
    %add3A_3 = arith.addf %get3A_1, %add3A_2 : vector<1024x1xf32>
    %rsqrt3A = math.rsqrt %add3A_3 : vector<1024x1xf32>
    %get3A_4 = arith.constant 0 : index
    %get3A_5 = arith.constant 0 : index
    %get3A_6 = vector.load %arg1[%get3A_4, %get3A_5] : memref<1024x32xf32, #tpu.memory_space<vmem>>, vector<1024x32xf32>
    %get3A_7 = arith.constant 0 : index
    %get3A_8 = arith.constant 0 : index
    %get3A_9 = vector.load %arg2[%get3A_7, %get3A_8] : memref<1024x32xf32, #tpu.memory_space<vmem>>, vector<1024x32xf32>
    %concatenate3A = tpu.concatenate %get3A_6, %get3A_9 in 1 : vector<1024x32xf32>, vector<1024x32xf32> -> vector<1024x64xf32>
    %get3A_10 = arith.constant 0 : index
    %get3A_11 = arith.constant 0 : index
    %get3A_12 = vector.load %arg3[%get3A_10, %get3A_11] : memref<1024x64xf32, #tpu.memory_space<vmem>>, vector<1024x64xf32>
    %add3A_13 = arith.addf %concatenate3A, %get3A_12 : vector<1024x64xf32>
    %mul3A = vector.broadcast %rsqrt3A : vector<1024x1xf32> to vector<1024x64xf32>
    %mul3A_14 = arith.mulf %mul3A, %add3A_13 : vector<1024x64xf32>
    %get3A_15 = arith.constant 0 : index
    %get3A_16 = arith.constant 0 : index
    %get3A_17 = vector.load %arg5[%get3A_15, %get3A_16] : memref<1x64xf32, #tpu.memory_space<vmem>>, vector<1x64xf32>
    %add3A_18 = vector.broadcast %get3A_17 : vector<1x64xf32> to vector<1024x64xf32>
    %add3A_19 = arith.addf %mul3A_14, %add3A_18 : vector<1024x64xf32>
    %max3A = arith.constant 0.000000e+00 : f32
    %max3A_20 = vector.broadcast %max3A : f32 to vector<1024x64xf32>
    %max3A_21 = arith.maximumf %add3A_19, %max3A_20 : vector<1024x64xf32>
    %get3A_22 = arith.constant 0 : index
    %get3A_23 = arith.constant 0 : index
    %get3A_24 = vector.load %arg6[%get3A_22, %get3A_23] : memref<64x64xf32, #tpu.memory_space<vmem>>, vector<64x64xf32>
    %dot_general3A = arith.constant dense<0.000000e+00> : vector<1024x64xf32>
    %dot_general3A_25 = tpu.matmul %max3A_21, %get3A_24, %dot_general3A {dimension_numbers = #tpu.dot_dimension_numbers<[1], [0], [0], [1], [0, 0, 1, 1], [], []>, transpose_lhs_hint = false} : vector<1024x64xf32>, vector<64x64xf32>, vector<1024x64xf32> -> vector<1024x64xf32>
    %mul3A_26 = vector.broadcast %rsqrt3A : vector<1024x1xf32> to vector<1024x64xf32>
    %mul3A_27 = arith.mulf %dot_general3A_25, %mul3A_26 : vector<1024x64xf32>
    %swap3A = arith.constant 0 : index
    %swap3A_28 = arith.constant 0 : index
    %swap3A_29 = vector.load %arg7[%swap3A, %swap3A_28] : memref<1024x64xf32, #tpu.memory_space<vmem>>, vector<1024x64xf32>
    tpu.vector_store %arg7[%swap3A, %swap3A_28], %mul3A_27 {strides = array<i32>} : memref<1024x64xf32, #tpu.memory_space<vmem>>, vector<1024x64xf32>,
    return
  }
  func.func @transform_0(%arg0: i32) -> (i32, i32) {
    %c0_i32 = arith.constant 0 : i32
    %c0_i32_0 = arith.constant 0 : i32
    return %arg0, %c0_i32 : i32, i32
  }
  func.func @transform_1(%arg0: i32) -> (i32, i32) {
    %c0_i32 = arith.constant 0 : i32
    %c0_i32_0 = arith.constant 0 : i32
    return %arg0, %c0_i32 : i32, i32
  }
  func.func @transform_2(%arg0: i32) -> (i32, i32) {
    %c0_i32 = arith.constant 0 : i32
    %c0_i32_0 = arith.constant 0 : i32
    return %arg0, %c0_i32 : i32, i32
  }
  func.func @transform_3(%arg0: i32) -> (i32, i32) {
    %c0_i32 = arith.constant 0 : i32
    %c0_i32_0 = arith.constant 0 : i32
    return %arg0, %c0_i32 : i32, i32
  }
  func.func @transform_4(%arg0: i32) -> (i32, i32) {
    %c0_i32 = arith.constant 0 : i32
    %c0_i32_0 = arith.constant 0 : i32
    %c0_i32_1 = arith.constant 0 : i32
    return %c0_i32, %c0_i32_0 : i32, i32
  }
  func.func @transform_5(%arg0: i32) -> (i32, i32) {
    %c0_i32 = arith.constant 0 : i32
    %c0_i32_0 = arith.constant 0 : i32
    %c0_i32_1 = arith.constant 0 : i32
    return %c0_i32, %c0_i32_0 : i32, i32
  }
  func.func @transform_6(%arg0: i32) -> (i32, i32) {
    %c0_i32 = arith.constant 0 : i32
    %c0_i32_0 = arith.constant 0 : i32
    return %arg0, %c0_i32 : i32, i32
  }
}

module attributes {stable_mosaic.version = 14 : i64} {
  func.func @_fin_body(%arg0: i32, %arg1: memref<1024x32xf32, #tpu.memory_space<vmem>>, %arg2: memref<1024x32xf32, #tpu.memory_space<vmem>>, %arg3: memref<1024x64xf32, #tpu.memory_space<vmem>>, %arg4: memref<1024x1xf32, #tpu.memory_space<vmem>>, %arg5: memref<1x64xf32, #tpu.memory_space<vmem>>, %arg6: memref<1024x64xf32, #tpu.memory_space<vmem>>) attributes {dimension_semantics = [#tpu.dimension_semantics<arbitrary>], iteration_bounds = array<i64: 10>, scalar_prefetch = 0 : i64, scratch_operands = 0 : i64, tpu.core_type = #tpu.core_type<tc>, window_params = [{transform_indices = @transform_0, window_bounds = array<i64: 1024, 32>}, {transform_indices = @transform_1, window_bounds = array<i64: 1024, 32>}, {transform_indices = @transform_2, window_bounds = array<i64: 1024, 64>}, {transform_indices = @transform_3, window_bounds = array<i64: 1024, 1>}, {pipeline_mode = #tpu.pipeline_mode<synchronous>, transform_indices = @transform_4, window_bounds = array<i64: 1, 64>}, {transform_indices = @transform_5, window_bounds = array<i64: 1024, 64>}]} {
    %get3A = arith.constant 0 : index
    %get3A_0 = arith.constant 0 : index
    %get3A_1 = vector.load %arg4[%get3A, %get3A_0] : memref<1024x1xf32, #tpu.memory_space<vmem>>, vector<1024x1xf32>
    %add3A = arith.constant 1.000000e+00 : f32
    %add3A_2 = vector.broadcast %add3A : f32 to vector<1024x1xf32>
    %add3A_3 = arith.addf %get3A_1, %add3A_2 : vector<1024x1xf32>
    %rsqrt3A = math.rsqrt %add3A_3 : vector<1024x1xf32>
    %get3A_4 = arith.constant 0 : index
    %get3A_5 = arith.constant 0 : index
    %get3A_6 = vector.load %arg1[%get3A_4, %get3A_5] : memref<1024x32xf32, #tpu.memory_space<vmem>>, vector<1024x32xf32>
    %get3A_7 = arith.constant 0 : index
    %get3A_8 = arith.constant 0 : index
    %get3A_9 = vector.load %arg2[%get3A_7, %get3A_8] : memref<1024x32xf32, #tpu.memory_space<vmem>>, vector<1024x32xf32>
    %concatenate3A = tpu.concatenate %get3A_6, %get3A_9 in 1 : vector<1024x32xf32>, vector<1024x32xf32> -> vector<1024x64xf32>
    %mul3A = vector.broadcast %rsqrt3A : vector<1024x1xf32> to vector<1024x64xf32>
    %mul3A_10 = arith.mulf %mul3A, %concatenate3A : vector<1024x64xf32>
    %get3A_11 = arith.constant 0 : index
    %get3A_12 = arith.constant 0 : index
    %get3A_13 = vector.load %arg3[%get3A_11, %get3A_12] : memref<1024x64xf32, #tpu.memory_space<vmem>>, vector<1024x64xf32>
    %mul3A_14 = vector.broadcast %rsqrt3A : vector<1024x1xf32> to vector<1024x64xf32>
    %mul3A_15 = arith.mulf %get3A_13, %mul3A_14 : vector<1024x64xf32>
    %add3A_16 = arith.addf %mul3A_10, %mul3A_15 : vector<1024x64xf32>
    %get3A_17 = arith.constant 0 : index
    %get3A_18 = arith.constant 0 : index
    %get3A_19 = vector.load %arg5[%get3A_17, %get3A_18] : memref<1x64xf32, #tpu.memory_space<vmem>>, vector<1x64xf32>
    %add3A_20 = vector.broadcast %get3A_19 : vector<1x64xf32> to vector<1024x64xf32>
    %add3A_21 = arith.addf %add3A_16, %add3A_20 : vector<1024x64xf32>
    %swap3A = arith.constant 0 : index
    %swap3A_22 = arith.constant 0 : index
    %swap3A_23 = vector.load %arg6[%swap3A, %swap3A_22] : memref<1024x64xf32, #tpu.memory_space<vmem>>, vector<1024x64xf32>
    tpu.vector_store %arg6[%swap3A, %swap3A_22], %add3A_21 {strides = array<i32>} : memref<1024x64xf32, #tpu.memory_space<vmem>>, vector<1024x64xf32>,
    return
  }
  func.func @transform_0(%arg0: i32) -> (i32, i32) {
    %c0_i32 = arith.constant 0 : i32
    %c0_i32_0 = arith.constant 0 : i32
    return %arg0, %c0_i32 : i32, i32
  }
  func.func @transform_1(%arg0: i32) -> (i32, i32) {
    %c0_i32 = arith.constant 0 : i32
    %c0_i32_0 = arith.constant 0 : i32
    return %arg0, %c0_i32 : i32, i32
  }
  func.func @transform_2(%arg0: i32) -> (i32, i32) {
    %c0_i32 = arith.constant 0 : i32
    %c0_i32_0 = arith.constant 0 : i32
    return %arg0, %c0_i32 : i32, i32
  }
  func.func @transform_3(%arg0: i32) -> (i32, i32) {
    %c0_i32 = arith.constant 0 : i32
    %c0_i32_0 = arith.constant 0 : i32
    return %arg0, %c0_i32 : i32, i32
  }
  func.func @transform_4(%arg0: i32) -> (i32, i32) {
    %c0_i32 = arith.constant 0 : i32
    %c0_i32_0 = arith.constant 0 : i32
    %c0_i32_1 = arith.constant 0 : i32
    return %c0_i32, %c0_i32_0 : i32, i32
  }
  func.func @transform_5(%arg0: i32) -> (i32, i32) {
    %c0_i32 = arith.constant 0 : i32
    %c0_i32_0 = arith.constant 0 : i32
    return %arg0, %c0_i32 : i32, i32
  }
}

</mosaic_0001>

<sc_bundles>
// kernel: kernel.11.cloned.1.call-start
scs
__scs_entry_jumppad:
0x0: {  	(pc) =	sbr.rel $0x88, $3  }
0x1: {  	(tag) =	ssettag $0x0;
	lr =	simm.s32 $0x1  }
0x2: {  	[smem:$0x3F9B] =	sst lr;
	_ =	strace $0xD0000000  }
0x3: {  	_ = 	snop  }
0x4: {  	_ = 	snop  }
0x5: {  	_ = 	snop  }
0x6: {  	_ = 	snop  }
0x7: {  	_ = 	snop  }
__scs_overlays_trampoline_lowered:
0x8: {  	[smem:$0x3FAA] =	sst s0  }
0x9: {  	[smem:$0x3FAB] =	sst s1  }
0xa: {  	[smem:$0x3FAC] =	sst s2  }
0xb: {  	[smem:$0x3FAD] =	sst s3  }
0xc: {  	[smem:$0x3FAE] =	sst s4  }
0xd: {  	[smem:$0x3FAF] =	sst s5  }
0xe: {  	[smem:$0x3FB0] =	sst s6  }
0xf: {  	[smem:$0x3FB1] =	sst s7  }
0x10: {  	[smem:$0x3FB2] =	sst s8  }
0x11: {  	[smem:$0x3FB3] =	sst s9;
	s0 =	simm.s32 @!p0 $0x0  }
0x12: {  	s1 =	sld [smem:$0x3F99];
	s0 =	simm.s32 @p0 $0x1  }
0x13: {  	[smem:$0x3FB4] =	sst s0;
	s0 =	simm.s32 @!p1 $0x0  }
0x14: {  	s2 =	sld [smem:$0x3F98];
	s0 =	simm.s32 @p1 $0x1  }
0x15: {  	[smem:$0x3FB5] =	sst s0;
	s0 =	simm.s32 @!p2 $0x0  }
0x16: {  	s3 =	sld [smem:$0x3FDB];
	s0 =	simm.s32 @p2 $0x1  }
0x17: {  	s4 =	simm.s32 $0x1BF5;
	[smem:$0x3FB7] =	sst s0  }
0x18: {  	s0 =	sld [smem:$0x3F9A];
	_ =	swait.ge [sflag:s4], $0x0  }
0x19: {  	s7 =	sld [smem:$0x3F9B]  }
0x1a: {  	s8 =	sadd.s32 $0xFFFFE003, lr  }
0x1b: {  	s9 =	sadd.s32 $0xFFFFFEF7, lr;
	s5 =	simm.s32 $0xFFFFFFFF;
	p2 =	slt.u32 s8, $0xFFFFF086  }
0x1c: {  	p1 =	slt.u32 s9, $0xF7A;
	s5 =	simm.s32 @!p2 $0x0  }
0x1d: {  	s5 =	simm.s32 @p1 $0x1;
	p0 =	seq.s32 s7, s2  }
0x1e: {  	s7 =	smul.u32 @!p0 $0xF7A, s2;
	p2 =	seq.s32 @!p0 s5, $0x0  }
0x1f: {  	s9 =	smul.u32 $0xF7A, s1;
	s8 =	simm.s32 @!p0 $0x1BF5;
	p2 =	por !p2, p0  }
0x20: {  	[sflag:s8] =	ssyncset.s32 @!p0 $0xFFFFF086;
	s6 =	sadd.s32 @!p0 s3, s7;
	s7 =	simm.s32 @!p0 $0x108  }
0x21: {  	s3 =	sadd.s32 s3, s9;
	s6 =	sadd.s32 @!p0 $0x88, s6;
	s7 =	simm.s32 @p2 $0x1082  }
0x22: {  	[simem:s7], [sflag:s8] =	dma.local @!p0 [hbm:s6], $0xF7A  }
0x23: {  	s9 =	sor.u32 $0xD0000000, s2;
	s6 =	simm.s32 $0x108;
	_ =	swait.ge @!p0 [sflag:s8], $0x0  }
0x24: {  	s3 =	sadd.s32 $0x88, s3;
	s6 =	simm.s32 @!p1 $0x1082;
	[sflag:s4] =	ssyncset.s32 $0xFFFFF086  }
0x25: {  	[simem:s6], [sflag:s4] =	dma.local [hbm:s3], $0xF7A  }
0x26: {  	[smem:$0x3F9B] =	sst s1;
	(tag) =	ssettag s2;
	_ =	strace s9  }
0x27: {  	s1 =	sld [smem:$0x3FAB]  }
0x28: {  	s2 =	sld [smem:$0x3FAC]  }
0x29: {  	s4 =	sld [smem:$0x3FAE]  }
0x2a: {  	p0 =	seq.s32 s5, $0x0;
	s5 =	sld [smem:$0x3FAF]  }
0x2b: {  	s6 =	sld [smem:$0x3FB0]  }
0x2c: {  	s7 =	sld [smem:$0x3FB1]  }
0x2d: {  	s3 =	simm.s32 $0x108;
	s8 =	sld [smem:$0x3FB2]  }
0x2e: {  	s3 =	simm.s32 @!p0 $0x1082;
	s9 =	sld [smem:$0x3FB3]  }
0x2f: {  	lr =	sadd.s32 s0, s3;
	s0 =	sld [smem:$0x3FAA]  }
0x30: {  	s3 =	sld [smem:$0x3FAD]  }
0x31: {  	[smem:$0x3FB6] =	sst s10  }
0x32: {  	s10 =	sld [smem:$0x3FB4];
	_ =	sdelay $0x3  }
0x33: {  	p0 =	seq.s32 s10, $0x1;
	s10 =	sld [smem:$0x3FB6];
	_ =	sdelay $0x3  }
0x34: {  	[smem:$0x3FB6] =	sst s10  }
0x35: {  	s10 =	sld [smem:$0x3FB5];
	_ =	sdelay $0x3  }
0x36: {  	p1 =	seq.s32 s10, $0x1;
	s10 =	sld [smem:$0x3FB6];
	_ =	sdelay $0x3  }
0x37: {  	[smem:$0x3FB6] =	sst s10  }
0x38: {  	s10 =	sld [smem:$0x3FB7]  }
0x39: {  	_ = 	snop;
	(pc) =	sbr.ind lr, $3  }
0x3a: {  	_ = 	snop  }
0x3b: {  	_ = 	snop  }
0x3c: {  	p2 =	seq.s32 s10, $0x1;
	s10 =	sld [smem:$0x3FB6]  }
0x3d: {  	_ =	shalt  }
0x3e: {  	_ =	shalt  }
0x3f: {  	_ =	shalt  }
0x40: {  	_ =	shalt  }
0x41: {  	_ =	shalt  }
0x42: {  	_ =	shalt  }
0x43: {  	_ =	shalt  }
0x44: {  	_ =	shalt  }
0x45: {  	_ =	shalt  }
0x46: {  	_ =	shalt  }
0x47: {  	_ =	shalt  }
0x48: {  	_ =	shalt  }
0x49: {  	_ =	shalt  }
0x4a: {  	_ =	shalt  }
0x4b: {  	_ =	shalt  }
0x4c: {  	_ =	shalt  }
0x4d: {  	_ =	shalt  }
0x4e: {  	_ =	shalt  }
0x4f: {  	_ =	shalt  }
0x50: {  	_ =	shalt  }
0x51: {  	_ =	shalt  }
0x52: {  	_ =	shalt  }
0x53: {  	_ =	shalt  }
0x54: {  	_ =	shalt  }
0x55: {  	_ =	shalt  }
0x56: {  	_ =	shalt  }
0x57: {  	_ =	shalt  }
0x58: {  	_ =	shalt  }
0x59: {  	_ =	shalt  }
0x5a: {  	_ =	shalt  }
0x5b: {  	_ =	shalt  }
0x5c: {  	_ =	shalt  }
0x5d: {  	_ =	shalt  }
0x5e: {  	_ =	shalt  }
0x5f: {  	_ =	shalt  }
0x60: {  	_ =	shalt  }
0x61: {  	_ =	shalt  }
0x62: {  	_ =	shalt  }
0x63: {  	_ =	shalt  }
0x64: {  	_ =	shalt  }
0x65: {  	_ =	shalt  }
0x66: {  	_ =	shalt  }
0x67: {  	_ =	shalt  }
0x68: {  	_ =	shalt  }
0x69: {  	_ =	shalt  }
0x6a: {  	_ =	shalt  }
0x6b: {  	_ =	shalt  }
0x6c: {  	_ =	shalt  }
0x6d: {  	_ =	shalt  }
0x6e: {  	_ =	shalt  }
0x6f: {  	_ =	shalt  }
0x70: {  	_ =	shalt  }
0x71: {  	_ =	shalt  }
0x72: {  	_ =	shalt  }
0x73: {  	_ =	shalt  }
0x74: {  	_ =	shalt  }
0x75: {  	_ =	shalt  }
0x76: {  	_ =	shalt  }
0x77: {  	_ =	shalt  }
0x78: {  	_ =	shalt  }
0x79: {  	_ =	shalt  }
0x7a: {  	_ =	shalt  }
0x7b: {  	_ =	shalt  }
0x7c: {  	_ =	shalt  }
0x7d: {  	_ =	shalt  }
0x7e: {  	_ =	shalt  }
0x7f: {  	_ =	shalt  }
0x80: {  	_ =	shalt  }
0x81: {  	_ =	shalt  }
0x82: {  	_ =	shalt  }
0x83: {  	_ =	shalt  }
0x84: {  	_ =	shalt  }
0x85: {  	_ =	shalt  }
0x86: {  	_ =	shalt  }
0x87: {  	_ =	shalt  }
.Lfunc_end0:
.L_simem_size_0:
called_computation.1_lowered:
.L_overlay_start_0:
0x88: {  	s2 =	sld [smem:$0x3FD9]  }
0x89: {  	s3 =	sld [smem:$0x3FFE];
	_ =	sdelay $0x1  }
0x8a: {  	s1 =	srdreg.scid  }
0x8b: {  	s0 =	sand.u32 $0x1, s1  }
0x8c: {  	s17 =	sshll.u32 s0, $0xA;
	s2 =	sadd.s32 s3, s2  }
0x8d: {  	s2 =	sadd.s32 s2, s17  }
0x8e: {  	[smem:$0x3FC2] =	sst s2  }
0x8f: {  	_ = 	snop  }
0x90: {  	s2 =	sld [smem:$0x3FD0];
	(tm) =	ssettm $0x1  }
0x91: {  	s18 =	sld [smem:$0x3FFB];
	_ =	sdelay $0x3  }
0x92: {  	_ =	strace s18  }
0x93: {  	s3 =	sld [smem:$0x3FFC];
	_ =	sdelay $0x3  }
0x94: {  	_ =	strace s3  }
0x95: {  	s3 =	sld [smem:$0x3FFD];
	_ =	sdelay $0x3  }
0x96: {  	_ =	strace s3  }
0x97: {  	_ =	strace $0x8FFFFFFF  }
0x98: {  	s19 =	sld [smem:$0x3FDB];
	_ =	sdelay $0x1  }
0x99: {  	s4 =	simm.s32 $_scs_section_size  }
0x9a: {  	s5 =	simm.s32 $_size__tile_overlayer_lowered;
	s6 =	simm.s32 $_tile_overlayer_lowered  }
0x9b: {  	s22 =	simm.s32 $0x1BFF;
	s21 =	sshll.u32 s6, $0x1;
	s3 =	sadd.s32 s4, s19  }
0x9c: {  	s7 =	simm.s32 $0x0;
	s20 =	sshll.u32 s5, $0x1;
	s5 =	sadd.s32 s21, s3  }
0x9d: {  	[timem:s7], [sflag:s22] =	dma.local [hbm:s5], s20  }
0x9e: {  	_ =	swait.ge [sflag:s22], s20  }
0x9f: {  	s4 =	ssub.s32 $0x0, s20;
	[sflag:s22] =	ssyncset.done $0x0  }
0xa0: {  	[sflag:s22] =	ssyncadd.s32 s4;
	_ =	sdelay $0x1  }
0xa1: {  	s23 =	simm.s32 $0x1B8B  }
0xa2: {  	_ =	swait.ge [sflag:s23], $0x1  }
0xa3: {  	[sflag:s23] =	ssyncset.done $0x0  }
0xa4: {  	s25 =	simm.s32 $0x1B8E;
	s24 =	sld [smem:$0x3FFE];
	[sflag:s23] =	ssyncadd.s32 $0xFFFFFFFF  }
0xa5: {  	s26 =	simm.s32 $execute0_lowered;
	[smem:$0x3FD2] =	sst s25  }
0xa6: {  	s5 =	sshll.u32 s26, $0x1;
	_ =	strace $0x80000049;
	[dreg:$0x1] =	wrdreg $0xFFFFFFFF  }
0xa7: {  	s28 =	simm.s32 $_size_execute0_lowered;
	s3 =	sadd.s32 s3, s5;
	[dreg:$0x0] =	wrdreg $0x0  }
0xa8: {  	s5 =	sshll.u32 s28, $0x1;
	[dreg:$0x2] =	wrdreg s3  }
0xa9: {  	[dreg:$0x3] =	wrdreg s5  }
0xaa: {  	[dreg:$0x4] =	wrdreg $0xC0  }
0xab: {  	_ =	task [dreg:s7], $0x5FFFF  }
0xac: {  	[dreg:$0x1] =	wrdreg $0xFFFFFFFF  }
0xad: {  	[dreg:$0x0] =	wrdreg $0x60  }
0xae: {  	[dreg:$0x2] =	wrdreg s2  }
0xaf: {  	[dreg:$0x3] =	wrdreg s24  }
0xb0: {  	[dreg:$0x4] =	wrdreg $0x0  }
0xb1: {  	[dreg:$0x5] =	wrdreg $0x50000  }
0xb2: {  	[dreg:$0x6] =	wrdreg $0x9  }
0xb3: {  	_ =	task.clear_ibuf [dreg:s7], $0x7FFFF;
	_ =	strace $0x90000049  }
0xb4: {  	s29 =	simm.s32 $0x9;
	_ =	strace $0x8000004B  }
0xb5: {  	_ =	swait.ge [sflag:s29], $0x1  }
0xb6: {  	[sflag:s29] =	ssyncadd.s32 $0xFFFFFFFF  }
0xb7: {  	_ =	strace $0x9000004B  }
0xb8: {  	_ =	sfence  }
0xb9: {  	s30 =	sld [smem:$0x0];
	_ =	sdelay $0x2  }
0xba: {  	s31 =	sshll.u32 s1, $0xD;
	s1 =	sshrl.u32 s1, $0x2  }
0xbb: {  	s3 =	sand.u32 $0x4000, s31;
	s1 =	sadd.s32 s1, s30  }
0xbc: {  	s0 =	sor.u32 s3, s0;
	s1 =	sshll.u32 s1, $0x11  }
0xbd: {  	s0 =	sor.u32 s1, s0  }
0xbe: {  	s0 =	sadd.s32 $0x8F2B, s0  }
0xbf: {  	[sflag:s0] =	ssyncadd.remote.s32 $0x1  }
0xc0: {  	_ =	sfence.sel $0xFFFF  }
0xc1: {  	[dreg:$0x0] =	wrdreg $0xFFFFFFFF;
	(pc) =	sbr.abs _section_cstart, $3  }
0xc2: {  	[dreg:$0x1] =	wrdreg $0xFFFFFFFF  }
0xc3: {  	_ =	task.clear_ibuf [dreg:s7], $0x2FFFF;
	_ =	strace $0x9FFFFFFF  }
0xc4: {  	(tm) =	ssettm $0x7FFFFFFF  }
0xc5: {  	_ =	shalt  }
tec
execute0_lowered:
.L_overlay_start_1:
0x0: {  	(tag) =	ssettag $0x1  }
0x1: {  	s12 =	rddreg [dreg:$0x0]  }
0x2: {  	s5 =	rddreg [dreg:$0x1]  }
0x3: {  	s2 =	rddreg [dreg:$0x2]  }
0x4: {  	s0 =	stileid.u32;
	s1 =	srdreg.scid  }
0x5: {  	s3 =	rddreg [dreg:$0x3];
	s4 =	simm.s32 $0x0;
	s18 =	simm.s32 $0xF000  }
0x6: {  	s19 =	simm.s32 $0x19000;
	s20 =	simm.s32 $0x4;
	s8 =	smul.u32 $0x5000, s0  }
0x7: {  	s7 =	sand.u32 $0x1, s1;
	s1 =	rddreg [dreg:$0x4];
	s9 =	smul.u32 $0xA00, s0  }
0x8: {  	[smem:$0x7FF] =	sst s4;
	s13 =	sadd.s32 $0x33E00, s5;
	s6 =	smul.u32 $0x50000, s7  }
0x9: {  	_ =	strace $0x8000004A;
	s10 =	ssub.s32 $0x2, s7;
	p0 =	seq.s32 s7, $0x0  }
0xa: {  	s9 =	sadd.s32 s9, s5;
	s31 =	sshrl.u32 s10, $0x1;
	s14 =	sadd.s32 $0x2800, s8  }
0xb: {  	s16 =	sshrl.u32 s8, $0x3;
	s7 =	sadd.s32 s8, s3;
	s13 =	smov.u32 @p0 s12  }
0xc: {  	s6 =	sadd.s32 s8, s6;
	s15 =	ssub.s32 s10, s31;
	s17 =	sshrl.u32 s14, $0x3  }
.Ltmp0:
0xd: {  	s9 =	sadd.s32 $0x1E00, s9;
	s12 =	sadd.s32 s13, s16;
	(pc) =	sbr.rel .LBB2_1-.Ltmp0, $4  }
0xe: {  	s16 =	simm.s32 $0xA000;
	s6 =	sshrl.u32 s6, $0x3;
	s13 =	sadd.s32 s13, s17  }
0xf: {  	s17 =	simm.s32 $0x80;
	s11 =	sadd.s32 s6, s5;
	s5 =	sadd.s32 s8, s2  }
0x10: {  	s6 =	sadd.s32 s14, s2;
	s8 =	sadd.s32 s14, s3;
	s14 =	simm.s32 $0x1B000  }
0x11: {  	v0 =	vimm.f32 $0.0e+00;
	s10 =	sadd.s32 $0x3DE00, s11;
	s11 =	smax.u32 s15, $0x1;
	s15 =	simm.s32 $0x5  }
.LBB2_9:
0x12: {  	_ =	swait.ge [sflag:s20], $0x1000  }
0x13: {  	s21 =	sshll.u32 s0, $0x6;
	s4 =	sadd.s32 $0x1, s4;
	[sflag:s20] =	ssyncset.done $0x0  }
0x14: {  	s22 =	sshrl.u32 s5, $0x3;
	p0 =	sne.s32 s4, s11;
	[sflag:s20] =	ssyncadd.s32 $0xFFFFF000  }
.Ltmp1:
0x15: {  	s21 =	sor.u32 $0x1C05, s21;
	[bflag:$0x0] =	sbarrier.arrive $0xFFFF;
	(pc) =	sbr.rel @!p0 .LBB2_10-.Ltmp1, $4  }
0x16: {  	[hbm:s10], [sflag:s21] =	dma.local [spmem:s22], $0xA00  }
0x17: {  	_ =	swait.ge [sflag:s15], $0xA00  }
0x18: {  	[sflag:s15] =	ssyncset.done $0x0  }
0x19: {  	[sflag:s15] =	ssyncadd.s32 $0xFFFFF600  }
.LBB2_1:
0x1a: {  	s21 =	simm.s32 $0x80;
	s22 =	simm.s32 $0x0  }
.LBB2_2:
0x1b: {  	p0 =	sne.s32 s21, $0x9F80;
	[tilespmem:s22+$0x1B000] =	vst v0;
	s23 =	smov.u32 s21;
	s21 =	sadd.s32 $0x80, s21  }
.Ltmp2:
0x1c: {  	[tilespmem:s22+$0x1B010] =	vst v0;
	(pc) =	sbr.rel @p0 .LBB2_2-.Ltmp2, $2  }
0x1d: {  	_ =	sdelay $0x2  }
0x1e: {  	s22 =	sshra.s32 s23, $0x2  }
0x1f: {  	[tilespmem:s22+$0x1B000] =	vst v0  }
0x20: {  	[tilespmem:s22+$0x1B010] =	vst v0  }
0x21: {  	[spmem:s5] =	stream.linear.scatter [tilespmem:s14], [sflag:$0x5], $0x2800, $0x38;
	[tilespmem:$0x1D800] =	vst v63  }
0x22: {  	_ =	swait.ge [sflag:s15], $0x2800  }
0x23: {  	[sflag:s15] =	ssyncset.done $0x0  }
0x24: {  	[sflag:s15] =	ssyncadd.s32 $0xFFFFD800  }
0x25: {  	[spmem:s6] =	stream.linear.scatter [tilespmem:s14], [sflag:$0x5], $0x2800, $0x38;
	[tilespmem:$0x1D800] =	vst v63  }
0x26: {  	_ =	swait.ge [sflag:s15], $0x2800  }
0x27: {  	[sflag:s15] =	ssyncset.done $0x0  }
0x28: {  	s21 =	simm.s32 $0x0;
	[sflag:s15] =	ssyncadd.s32 $0xFFFFD800  }
0x29: {  	[tilespmem:s14], [sflag:$0x5] =	stream.linear.gather [hbm4b:s12+s21], $0x2800, $0x38;
	[tilespmem:$0x1D800] =	vst v63  }
0x2a: {  	_ =	swait.ge [sflag:s15], $0x2800  }
0x2b: {  	[sflag:s15] =	ssyncset.done $0x0  }
0x2c: {  	[sflag:s15] =	ssyncadd.s32 $0xFFFFD800  }
0x2d: {  	[spmem:s7] =	stream.linear.scatter [tilespmem:s14], [sflag:$0x5], $0x2800, $0x38;
	[tilespmem:$0x1D800] =	vst v63  }
0x2e: {  	_ =	swait.ge [sflag:s15], $0x2800  }
0x2f: {  	[sflag:s15] =	ssyncset.done $0x0  }
0x30: {  	[sflag:s15] =	ssyncadd.s32 $0xFFFFD800  }
0x31: {  	[tilespmem:s14], [sflag:$0x5] =	stream.linear.gather [hbm4b:s13+s21], $0x2800, $0x38;
	[tilespmem:$0x1D800] =	vst v63  }
0x32: {  	_ =	swait.ge [sflag:s15], $0x2800  }
0x33: {  	[sflag:s15] =	ssyncset.done $0x0  }
0x34: {  	[sflag:s15] =	ssyncadd.s32 $0xFFFFD800  }
0x35: {  	[spmem:s8] =	stream.linear.scatter [tilespmem:s14], [sflag:$0x5], $0x2800, $0x38;
	[tilespmem:$0x1D800] =	vst v63  }
0x36: {  	_ =	swait.ge [sflag:s15], $0x2800  }
0x37: {  	[sflag:s15] =	ssyncset.done $0x0  }
0x38: {  	[sflag:s15] =	ssyncadd.s32 $0xFFFFD800  }
0x39: {  	[tilespmem:s16], [sflag:$0x5] =	stream.linear.gather [hbm4b:s9+s21], $0x5000, $0x38;
	[tilespmem:$0x1D800] =	vst v63  }
0x3a: {  	_ =	swait.ge [sflag:s15], $0x5000  }
0x3b: {  	[sflag:s15] =	ssyncset.done $0x0  }
0x3c: {  	s21 =	simm.s32 $0x0;
	[sflag:s15] =	ssyncadd.s32 $0xFFFFB000  }
0x3d: {  	v1 =	vld [tilespmem:s21+$0xA070]  }
0x3e: {  	v2 =	vld [tilespmem:s21+$0xA000];
	_ =	sdelay $0x1  }
0x3f: {  	v3 =	vld [tilespmem:s21+$0xA010]  }
0x40: {  	v6 =	vld [tilespmem:s21+$0xA040]  }
0x41: {  	v7 =	vshrl.u32 v1, $0x10  }
0x42: {  	v4 =	vld [tilespmem:s21+$0xA020];
	v9 =	vand.u32 $0xFFFF, v2;
	[tilespmem:s21+$0x14070] =	vst v7  }
0x43: {  	v2 =	vshrl.u32 v2, $0x10;
	[tilespmem:s21+$0xF000] =	vst v9  }
0x44: {  	v5 =	vld [tilespmem:s21+$0xA030];
	v62 =	vand.u32 $0xFFFF, v3;
	[tilespmem:s21+$0x14000] =	vst v2  }
0x45: {  	v8 =	vld [tilespmem:s21+$0xA050];
	v63 =	vand.u32 $0xFFFF, v6;
	[tilespmem:s21+$0xF010] =	vst v62  }
0x46: {  	v7 =	vld [tilespmem:s21+$0xA060];
	v2 =	vshrl.u32 v3, $0x10;
	[tilespmem:s21+$0xF040] =	vst v63  }
0x47: {  	v3 =	vand.u32 $0xFFFF, v4;
	[tilespmem:s21+$0x14010] =	vst v2  }
0x48: {  	v2 =	vshrl.u32 v4, $0x10;
	[tilespmem:s21+$0xF020] =	vst v3  }
0x49: {  	v1 =	vand.u32 $0xFFFF, v1;
	v3 =	vand.u32 $0xFFFF, v5;
	[tilespmem:s21+$0x14020] =	vst v2  }
0x4a: {  	v6 =	vshrl.u32 v6, $0x10;
	v4 =	vshrl.u32 v8, $0x10;
	v2 =	vshrl.u32 v5, $0x10;
	[tilespmem:s21+$0xF030] =	vst v3  }
0x4b: {  	s22 =	simm.s32 $0x80;
	s23 =	simm.s32 $0x400;
	v5 =	vand.u32 $0xFFFF, v8;
	[tilespmem:s21+$0x14030] =	vst v2;
	v3 =	vand.u32 $0xFFFF, v7;
	v2 =	vshrl.u32 v7, $0x10  }
.LBB2_4:
0x4c: {  	p0 =	sne.s32 s23, $0x13E00;
	v7 =	vld [tilespmem:s22+$0xA070];
	[tilespmem:s21+$0x14040] =	vst v6  }
0x4d: {  	v6 =	vld [tilespmem:s22+$0xA000];
	[tilespmem:s21+$0xF050] =	vst v5  }
0x4e: {  	v5 =	vld [tilespmem:s22+$0xA010];
	[tilespmem:s21+$0x14050] =	vst v4  }
0x4f: {  	v4 =	vld [tilespmem:s22+$0xA020];
	[tilespmem:s21+$0xF060] =	vst v3  }
0x50: {  	v3 =	vld [tilespmem:s22+$0xA030];
	[tilespmem:s21+$0x14060] =	vst v2  }
0x51: {  	v2 =	vld [tilespmem:s22+$0xA040];
	v8 =	vshrl.u32 v7, $0x10;
	[tilespmem:s21+$0xF070] =	vst v1;
	v1 =	vand.u32 $0xFFFF, v7;
	s21 =	smov.u32 s22  }
0x52: {  	v7 =	vand.u32 $0xFFFF, v6;
	v6 =	vshrl.u32 v6, $0x10;
	v9 =	vld [tilespmem:s21+$0xA050];
	[tilespmem:s21+$0x14070] =	vst v8  }
0x53: {  	[tilespmem:s21+$0xF000] =	vst v7;
	v7 =	vand.u32 $0xFFFF, v5;
	v5 =	vshrl.u32 v5, $0x10;
	v8 =	vld [tilespmem:s21+$0xA060]  }
0x54: {  	[tilespmem:s21+$0x14000] =	vst v6;
	v10 =	vand.u32 $0xFFFF, v4;
	v11 =	vshrl.u32 v4, $0x10  }
0x55: {  	[tilespmem:s21+$0xF010] =	vst v7;
	v7 =	vand.u32 $0xFFFF, v3;
	v12 =	vshrl.u32 v3, $0x10  }
0x56: {  	[tilespmem:s21+$0x14010] =	vst v5;
	v13 =	vand.u32 $0xFFFF, v2;
	v6 =	vshrl.u32 v2, $0x10  }
.Ltmp3:
0x57: {  	[tilespmem:s21+$0xF020] =	vst v10;
	v5 =	vand.u32 $0xFFFF, v9;
	v4 =	vshrl.u32 v9, $0x10;
	(pc) =	sbr.rel @p0 .LBB2_4-.Ltmp3, $4  }
0x58: {  	[tilespmem:s21+$0x14020] =	vst v11;
	v3 =	vand.u32 $0xFFFF, v8;
	v2 =	vshrl.u32 v8, $0x10  }
0x59: {  	[tilespmem:s21+$0xF030] =	vst v7  }
0x5a: {  	[tilespmem:s21+$0x14030] =	vst v12  }
0x5b: {  	s22 =	sshra.s32 s23, $0x2;
	s23 =	sadd.s32 $0x200, s23;
	[tilespmem:s21+$0xF040] =	vst v13  }
0x5c: {  	v7 =	vld [tilespmem:s22+$0xA070];
	[tilespmem:s21+$0x14040] =	vst v6  }
0x5d: {  	v6 =	vld [tilespmem:s22+$0xA000];
	[tilespmem:s21+$0xF050] =	vst v5  }
0x5e: {  	v5 =	vld [tilespmem:s22+$0xA010];
	[tilespmem:s21+$0x14050] =	vst v4  }
0x5f: {  	v4 =	vld [tilespmem:s22+$0xA020];
	[tilespmem:s21+$0xF060] =	vst v3  }
0x60: {  	v3 =	vld [tilespmem:s22+$0xA030];
	[tilespmem:s21+$0x14060] =	vst v2  }
0x61: {  	v2 =	vld [tilespmem:s22+$0xA040];
	[tilespmem:s21+$0xF070] =	vst v1;
	v1 =	vshrl.u32 v7, $0x10  }
0x62: {  	v9 =	vand.u32 $0xFFFF, v6;
	[tilespmem:s22+$0x14070] =	vst v1  }
0x63: {  	v1 =	vshrl.u32 v6, $0x10;
	[tilespmem:s22+$0xF000] =	vst v9  }
0x64: {  	v61 =	vand.u32 $0xFFFF, v5;
	[tilespmem:s22+$0x14000] =	vst v1  }
0x65: {  	v1 =	vshrl.u32 v5, $0x10;
	[tilespmem:s22+$0xF010] =	vst v61  }
0x66: {  	v62 =	vand.u32 $0xFFFF, v4;
	[tilespmem:s22+$0x14010] =	vst v1  }
0x67: {  	v8 =	vld [tilespmem:s22+$0xA050];
	v1 =	vshrl.u32 v4, $0x10;
	[tilespmem:s22+$0xF020] =	vst v62  }
0x68: {  	v63 =	vand.u32 $0xFFFF, v3;
	[tilespmem:s22+$0x14020] =	vst v1  }
0x69: {  	v60 =	vld [tilespmem:s22+$0xA060];
	v1 =	vshrl.u32 v3, $0x10;
	[tilespmem:s22+$0xF030] =	vst v63  }
0x6a: {  	v3 =	vand.u32 $0xFFFF, v2;
	[tilespmem:s22+$0x14030] =	vst v1  }
0x6b: {  	v1 =	vshrl.u32 v2, $0x10;
	[tilespmem:s22+$0xF040] =	vst v3  }
0x6c: {  	v2 =	vand.u32 $0xFFFF, v8;
	[tilespmem:s22+$0x14040] =	vst v1  }
0x6d: {  	v1 =	vshrl.u32 v8, $0x10;
	[tilespmem:s22+$0xF050] =	vst v2  }
0x6e: {  	v2 =	vand.u32 $0xFFFF, v60;
	[tilespmem:s22+$0x14050] =	vst v1  }
.Ltmp4:
0x6f: {  	v1 =	vshrl.u32 v60, $0x10;
	[tilespmem:s22+$0xF060] =	vst v2;
	(pc) =	sbr.rel .LBB2_6-.Ltmp4, $4  }
0x70: {  	v2 =	vand.u32 $0xFFFF, v7;
	[tilespmem:s22+$0x14060] =	vst v1  }
0x71: {  	[tilespmem:s22+$0xF070] =	vst v2  }
0x72: {  	s22 =	simm.s32 $0x0;
	[bflag:$0x0] =	sbarrier.arrive $0xFFFF  }
0x73: {  	[tilespmem:s19], [sflag:$0x1] =	stream.indirect.gather [spmem:s3], $0x20, s18, s17, $0xb8;
	[tilespmem:$0x1D800] =	vst v63  }
.LBB2_8:
0x74: {  	s24 =	sadd.s32 $0x1, s21;
	s22 =	sshll.u32 s22, $0x7;
	p0 =	slt.u32 s23, $0xA0  }
.Ltmp5:
0x75: {  	s30 =	sshll.u32 s21, $0xC;
	_ =	swait.ge [sflag:s24], $0x1000;
	(pc) =	sbr.rel @!p0 .LBB2_9-.Ltmp5, $4  }
0x76: {  	s31 =	sadd.s32 $0x3, s21;
	s22 =	sand.u32 $0x3FFFFF80, s22;
	[sflag:s24] =	ssyncset.done $0x0  }
0x77: {  	s22 =	sadd.s32 $0x14000, s22;
	[sflag:s24] =	ssyncadd.s32 $0xFFFFF000;
	s24 =	sadd.s32 $0x19000, s30  }
0x78: {  	[spmem:s2] =	stream.indirect.scatter.add.f32 [tilespmem:s24], [sflag:s31], $0x20, s22, s17, $0xb8;
	[tilespmem:$0x1D800] =	vst v63  }
0x79: {  	s22 =	smov.u32 s23  }
.LBB2_6:
0x7a: {  	p0 =	seq.s32 s22, $0x0  }
0x7b: {  	p1 =	seq.s32 @!p0 s22, $0x9F  }
0x7c: {  	s21 =	sand.u32 $0x1, s22;
	p1 =	por p0, !p1  }
.Ltmp6:
0x7d: {  	s24 =	sxor.u32 @!p0 $0x1, s21;
	(pc) =	sbr.rel @!p1 .LBB2_8-.Ltmp6, $4  }
0x7e: {  	s23 =	sadd.s32 @!p0 $0x3, s24  }
0x7f: {  	_ =	swait.ge @!p0 [sflag:s23], $0x1000  }
0x80: {  	[sflag:s23] =	ssyncset.done @!p0 $0x0  }
0x81: {  	[sflag:s23] =	ssyncadd.s32 @!p0 $0xFFFFF000;
	s23 =	simm.s32 @!p0 $0xA0  }
0x82: {  	s23 =	sadd.s32 @!p0 $0x1, s22  }
.Ltmp7:
0x83: {  	s23 =	simm.s32 @p0 $0x1;
	(pc) =	sbr.rel .LBB2_8-.Ltmp7, $4  }
0x84: {  	s24 =	simm.s32 @p0 $0x1;
	s25 =	sshll.u32 s23, $0x7  }
0x85: {  	s26 =	sshll.u32 s24, $0xC;
	s25 =	sand.u32 $0x3FFFFF80, s25  }
0x86: {  	s24 =	sadd.s32 $0x1, s24;
	s26 =	sadd.s32 $0x19000, s26;
	s25 =	sadd.s32 $0xF000, s25  }
0x87: {  	[tilespmem:s26], [sflag:s24] =	stream.indirect.gather [spmem:s3], $0x20, s25, s17, $0xb8;
	[tilespmem:$0x1D800] =	vst v63  }
.LBB2_10:
0x88: {  	_ =	sfence.sel $0x180000  }
0x89: {  	[bflag:$0x0] =	sbarrier.arrive $0xFFFF  }
0x8a: {  	p0 =	sne.s32 s0, $0x0;
	_ =	strace $0x9000004A  }
0x8b: {  	s0 =	sadd.s32 @!p0 $0x100000, s1;
	[bflag:$0x2] =	sbarrier.arrive $0xFFFF  }
0x8c: {  	[sflag:s0] =	ssyncadd.tile.s32 @!p0 $0x1;
	_ =	shalt  }
.Lfunc_end2:
_tile_overlayer_lowered:
.L_overlay_start_2:
0x8d: {  	(tag) =	ssettag $0x2  }
0x8e: {  	s0 =	rddreg [dreg:$0x0];
	s2 =	stileid.u32  }
0x8f: {  	s1 =	rddreg [dreg:$0x1];
	p0 =	sne.s32 s2, $0x0  }
0x90: {  	s3 =	rddreg [dreg:$0x2];
	[bflag:$0x3] =	sbarrier.arrive $0xFFFF;
	s2 =	simm.s32 @!p0 $0x1C05  }
0x91: {  	[timem:s3], [sflag:s2] =	dma.local @!p0 [hbm:s0], s1  }
0x92: {  	s0 =	simm.s32 @!p0 $0x5  }
0x93: {  	_ =	swait.ge @!p0 [sflag:s0], s1  }
0x94: {  	s1 =	ssub.s32 @!p0 $0x0, s1;
	[sflag:s0] =	ssyncset.done @!p0 $0x0  }
0x95: {  	[sflag:s0] =	ssyncadd.s32 @!p0 s1  }
0x96: {  	[bflag:$0x3] =	sbarrier.arrive $0xFFFF  }
0x97: {  	_ =	shalt  }

// kernel: kernel.14.cloned.1.call-start
scs
__scs_entry_jumppad:
0x0: {  	(pc) =	sbr.rel $0x88, $3  }
0x1: {  	(tag) =	ssettag $0x0;
	lr =	simm.s32 $0x1  }
0x2: {  	[smem:$0x3F9B] =	sst lr;
	_ =	strace $0xD0000000  }
0x3: {  	_ = 	snop  }
0x4: {  	_ = 	snop  }
0x5: {  	_ = 	snop  }
0x6: {  	_ = 	snop  }
0x7: {  	_ = 	snop  }
__scs_overlays_trampoline_lowered:
0x8: {  	[smem:$0x3FAA] =	sst s0  }
0x9: {  	[smem:$0x3FAB] =	sst s1  }
0xa: {  	[smem:$0x3FAC] =	sst s2  }
0xb: {  	[smem:$0x3FAD] =	sst s3  }
0xc: {  	[smem:$0x3FAE] =	sst s4  }
0xd: {  	[smem:$0x3FAF] =	sst s5  }
0xe: {  	[smem:$0x3FB0] =	sst s6  }
0xf: {  	[smem:$0x3FB1] =	sst s7  }
0x10: {  	[smem:$0x3FB2] =	sst s8  }
0x11: {  	[smem:$0x3FB3] =	sst s9;
	s0 =	simm.s32 @!p0 $0x0  }
0x12: {  	s1 =	sld [smem:$0x3F99];
	s0 =	simm.s32 @p0 $0x1  }
0x13: {  	[smem:$0x3FB4] =	sst s0;
	s0 =	simm.s32 @!p1 $0x0  }
0x14: {  	s2 =	sld [smem:$0x3F98];
	s0 =	simm.s32 @p1 $0x1  }
0x15: {  	[smem:$0x3FB5] =	sst s0;
	s0 =	simm.s32 @!p2 $0x0  }
0x16: {  	s3 =	sld [smem:$0x3FDB];
	s0 =	simm.s32 @p2 $0x1  }
0x17: {  	s4 =	simm.s32 $0x1BF5;
	[smem:$0x3FB7] =	sst s0  }
0x18: {  	s0 =	sld [smem:$0x3F9A];
	_ =	swait.ge [sflag:s4], $0x0  }
0x19: {  	s7 =	sld [smem:$0x3F9B]  }
0x1a: {  	s8 =	sadd.s32 $0xFFFFE003, lr  }
0x1b: {  	s9 =	sadd.s32 $0xFFFFFEF7, lr;
	s5 =	simm.s32 $0xFFFFFFFF;
	p2 =	slt.u32 s8, $0xFFFFF086  }
0x1c: {  	p1 =	slt.u32 s9, $0xF7A;
	s5 =	simm.s32 @!p2 $0x0  }
0x1d: {  	s5 =	simm.s32 @p1 $0x1;
	p0 =	seq.s32 s7, s2  }
0x1e: {  	s7 =	smul.u32 @!p0 $0xF7A, s2;
	p2 =	seq.s32 @!p0 s5, $0x0  }
0x1f: {  	s9 =	smul.u32 $0xF7A, s1;
	s8 =	simm.s32 @!p0 $0x1BF5;
	p2 =	por !p2, p0  }
0x20: {  	[sflag:s8] =	ssyncset.s32 @!p0 $0xFFFFF086;
	s6 =	sadd.s32 @!p0 s3, s7;
	s7 =	simm.s32 @!p0 $0x108  }
0x21: {  	s3 =	sadd.s32 s3, s9;
	s6 =	sadd.s32 @!p0 $0x88, s6;
	s7 =	simm.s32 @p2 $0x1082  }
0x22: {  	[simem:s7], [sflag:s8] =	dma.local @!p0 [hbm:s6], $0xF7A  }
0x23: {  	s9 =	sor.u32 $0xD0000000, s2;
	s6 =	simm.s32 $0x108;
	_ =	swait.ge @!p0 [sflag:s8], $0x0  }
0x24: {  	s3 =	sadd.s32 $0x88, s3;
	s6 =	simm.s32 @!p1 $0x1082;
	[sflag:s4] =	ssyncset.s32 $0xFFFFF086  }
0x25: {  	[simem:s6], [sflag:s4] =	dma.local [hbm:s3], $0xF7A  }
0x26: {  	[smem:$0x3F9B] =	sst s1;
	(tag) =	ssettag s2;
	_ =	strace s9  }
0x27: {  	s1 =	sld [smem:$0x3FAB]  }
0x28: {  	s2 =	sld [smem:$0x3FAC]  }
0x29: {  	s4 =	sld [smem:$0x3FAE]  }
0x2a: {  	p0 =	seq.s32 s5, $0x0;
	s5 =	sld [smem:$0x3FAF]  }
0x2b: {  	s6 =	sld [smem:$0x3FB0]  }
0x2c: {  	s7 =	sld [smem:$0x3FB1]  }
0x2d: {  	s3 =	simm.s32 $0x108;
	s8 =	sld [smem:$0x3FB2]  }
0x2e: {  	s3 =	simm.s32 @!p0 $0x1082;
	s9 =	sld [smem:$0x3FB3]  }
0x2f: {  	lr =	sadd.s32 s0, s3;
	s0 =	sld [smem:$0x3FAA]  }
0x30: {  	s3 =	sld [smem:$0x3FAD]  }
0x31: {  	[smem:$0x3FB6] =	sst s10  }
0x32: {  	s10 =	sld [smem:$0x3FB4];
	_ =	sdelay $0x3  }
0x33: {  	p0 =	seq.s32 s10, $0x1;
	s10 =	sld [smem:$0x3FB6];
	_ =	sdelay $0x3  }
0x34: {  	[smem:$0x3FB6] =	sst s10  }
0x35: {  	s10 =	sld [smem:$0x3FB5];
	_ =	sdelay $0x3  }
0x36: {  	p1 =	seq.s32 s10, $0x1;
	s10 =	sld [smem:$0x3FB6];
	_ =	sdelay $0x3  }
0x37: {  	[smem:$0x3FB6] =	sst s10  }
0x38: {  	s10 =	sld [smem:$0x3FB7]  }
0x39: {  	_ = 	snop;
	(pc) =	sbr.ind lr, $3  }
0x3a: {  	_ = 	snop  }
0x3b: {  	_ = 	snop  }
0x3c: {  	p2 =	seq.s32 s10, $0x1;
	s10 =	sld [smem:$0x3FB6]  }
0x3d: {  	_ =	shalt  }
0x3e: {  	_ =	shalt  }
0x3f: {  	_ =	shalt  }
0x40: {  	_ =	shalt  }
0x41: {  	_ =	shalt  }
0x42: {  	_ =	shalt  }
0x43: {  	_ =	shalt  }
0x44: {  	_ =	shalt  }
0x45: {  	_ =	shalt  }
0x46: {  	_ =	shalt  }
0x47: {  	_ =	shalt  }
0x48: {  	_ =	shalt  }
0x49: {  	_ =	shalt  }
0x4a: {  	_ =	shalt  }
0x4b: {  	_ =	shalt  }
0x4c: {  	_ =	shalt  }
0x4d: {  	_ =	shalt  }
0x4e: {  	_ =	shalt  }
0x4f: {  	_ =	shalt  }
0x50: {  	_ =	shalt  }
0x51: {  	_ =	shalt  }
0x52: {  	_ =	shalt  }
0x53: {  	_ =	shalt  }
0x54: {  	_ =	shalt  }
0x55: {  	_ =	shalt  }
0x56: {  	_ =	shalt  }
0x57: {  	_ =	shalt  }
0x58: {  	_ =	shalt  }
0x59: {  	_ =	shalt  }
0x5a: {  	_ =	shalt  }
0x5b: {  	_ =	shalt  }
0x5c: {  	_ =	shalt  }
0x5d: {  	_ =	shalt  }
0x5e: {  	_ =	shalt  }
0x5f: {  	_ =	shalt  }
0x60: {  	_ =	shalt  }
0x61: {  	_ =	shalt  }
0x62: {  	_ =	shalt  }
0x63: {  	_ =	shalt  }
0x64: {  	_ =	shalt  }
0x65: {  	_ =	shalt  }
0x66: {  	_ =	shalt  }
0x67: {  	_ =	shalt  }
0x68: {  	_ =	shalt  }
0x69: {  	_ =	shalt  }
0x6a: {  	_ =	shalt  }
0x6b: {  	_ =	shalt  }
0x6c: {  	_ =	shalt  }
0x6d: {  	_ =	shalt  }
0x6e: {  	_ =	shalt  }
0x6f: {  	_ =	shalt  }
0x70: {  	_ =	shalt  }
0x71: {  	_ =	shalt  }
0x72: {  	_ =	shalt  }
0x73: {  	_ =	shalt  }
0x74: {  	_ =	shalt  }
0x75: {  	_ =	shalt  }
0x76: {  	_ =	shalt  }
0x77: {  	_ =	shalt  }
0x78: {  	_ =	shalt  }
0x79: {  	_ =	shalt  }
0x7a: {  	_ =	shalt  }
0x7b: {  	_ =	shalt  }
0x7c: {  	_ =	shalt  }
0x7d: {  	_ =	shalt  }
0x7e: {  	_ =	shalt  }
0x7f: {  	_ =	shalt  }
0x80: {  	_ =	shalt  }
0x81: {  	_ =	shalt  }
0x82: {  	_ =	shalt  }
0x83: {  	_ =	shalt  }
0x84: {  	_ =	shalt  }
0x85: {  	_ =	shalt  }
0x86: {  	_ =	shalt  }
0x87: {  	_ =	shalt  }
.Lfunc_end0:
.L_simem_size_0:
called_computation.2_lowered:
.L_overlay_start_0:
0x88: {  	s2 =	sld [smem:$0x3FD9]  }
0x89: {  	s3 =	sld [smem:$0x3FFE];
	_ =	sdelay $0x1  }
0x8a: {  	s1 =	srdreg.scid  }
0x8b: {  	s0 =	sand.u32 $0x1, s1  }
0x8c: {  	s17 =	sshll.u32 s0, $0xA;
	s2 =	sadd.s32 s3, s2  }
0x8d: {  	s2 =	sadd.s32 s2, s17  }
0x8e: {  	[smem:$0x3FC2] =	sst s2  }
0x8f: {  	_ = 	snop  }
0x90: {  	s2 =	sld [smem:$0x3FD0];
	(tm) =	ssettm $0x1  }
0x91: {  	s18 =	sld [smem:$0x3FFB];
	_ =	sdelay $0x3  }
0x92: {  	_ =	strace s18  }
0x93: {  	s3 =	sld [smem:$0x3FFC];
	_ =	sdelay $0x3  }
0x94: {  	_ =	strace s3  }
0x95: {  	s3 =	sld [smem:$0x3FFD];
	_ =	sdelay $0x3  }
0x96: {  	_ =	strace s3  }
0x97: {  	_ =	strace $0x8FFFFFFF  }
0x98: {  	s19 =	sld [smem:$0x3FDB];
	_ =	sdelay $0x1  }
0x99: {  	s4 =	simm.s32 $_scs_section_size  }
0x9a: {  	s5 =	simm.s32 $_size__tile_overlayer_lowered;
	s6 =	simm.s32 $_tile_overlayer_lowered  }
0x9b: {  	s22 =	simm.s32 $0x1BFF;
	s21 =	sshll.u32 s6, $0x1;
	s3 =	sadd.s32 s4, s19  }
0x9c: {  	s7 =	simm.s32 $0x0;
	s20 =	sshll.u32 s5, $0x1;
	s5 =	sadd.s32 s21, s3  }
0x9d: {  	[timem:s7], [sflag:s22] =	dma.local [hbm:s5], s20  }
0x9e: {  	_ =	swait.ge [sflag:s22], s20  }
0x9f: {  	s4 =	ssub.s32 $0x0, s20;
	[sflag:s22] =	ssyncset.done $0x0  }
0xa0: {  	[sflag:s22] =	ssyncadd.s32 s4;
	_ =	sdelay $0x1  }
0xa1: {  	s23 =	simm.s32 $0x1B8B  }
0xa2: {  	_ =	swait.ge [sflag:s23], $0x1  }
0xa3: {  	[sflag:s23] =	ssyncset.done $0x0  }
0xa4: {  	s25 =	simm.s32 $0x1B8E;
	s24 =	sld [smem:$0x3FFE];
	[sflag:s23] =	ssyncadd.s32 $0xFFFFFFFF  }
0xa5: {  	s26 =	simm.s32 $execute0_lowered;
	[smem:$0x3FD2] =	sst s25  }
0xa6: {  	s5 =	sshll.u32 s26, $0x1;
	_ =	strace $0x8000004C;
	[dreg:$0x1] =	wrdreg $0xFFFFFFFF  }
0xa7: {  	s28 =	simm.s32 $_size_execute0_lowered;
	s3 =	sadd.s32 s3, s5;
	[dreg:$0x0] =	wrdreg $0x0  }
0xa8: {  	s5 =	sshll.u32 s28, $0x1;
	[dreg:$0x2] =	wrdreg s3  }
0xa9: {  	[dreg:$0x3] =	wrdreg s5  }
0xaa: {  	[dreg:$0x4] =	wrdreg $0xC0  }
0xab: {  	_ =	task [dreg:s7], $0x5FFFF  }
0xac: {  	[dreg:$0x1] =	wrdreg $0xFFFFFFFF  }
0xad: {  	[dreg:$0x0] =	wrdreg $0x60  }
0xae: {  	[dreg:$0x2] =	wrdreg s2  }
0xaf: {  	[dreg:$0x3] =	wrdreg s24  }
0xb0: {  	[dreg:$0x4] =	wrdreg $0x0  }
0xb1: {  	[dreg:$0x5] =	wrdreg $0x50000  }
0xb2: {  	[dreg:$0x6] =	wrdreg $0x9  }
0xb3: {  	_ =	task.clear_ibuf [dreg:s7], $0x7FFFF;
	_ =	strace $0x9000004C  }
0xb4: {  	s29 =	simm.s32 $0x9;
	_ =	strace $0x8000004E  }
0xb5: {  	_ =	swait.ge [sflag:s29], $0x1  }
0xb6: {  	[sflag:s29] =	ssyncadd.s32 $0xFFFFFFFF  }
0xb7: {  	_ =	strace $0x9000004E  }
0xb8: {  	_ =	sfence  }
0xb9: {  	s30 =	sld [smem:$0x0];
	_ =	sdelay $0x2  }
0xba: {  	s31 =	sshll.u32 s1, $0xD;
	s1 =	sshrl.u32 s1, $0x2  }
0xbb: {  	s3 =	sand.u32 $0x4000, s31;
	s1 =	sadd.s32 s1, s30  }
0xbc: {  	s0 =	sor.u32 s3, s0;
	s1 =	sshll.u32 s1, $0x11  }
0xbd: {  	s0 =	sor.u32 s1, s0  }
0xbe: {  	s0 =	sadd.s32 $0x8F2B, s0  }
0xbf: {  	[sflag:s0] =	ssyncadd.remote.s32 $0x1  }
0xc0: {  	_ =	sfence.sel $0xFFFF  }
0xc1: {  	[dreg:$0x0] =	wrdreg $0xFFFFFFFF;
	(pc) =	sbr.abs _section_cstart, $3  }
0xc2: {  	[dreg:$0x1] =	wrdreg $0xFFFFFFFF  }
0xc3: {  	_ =	task.clear_ibuf [dreg:s7], $0x2FFFF;
	_ =	strace $0x9FFFFFFF  }
0xc4: {  	(tm) =	ssettm $0x7FFFFFFF  }
0xc5: {  	_ =	shalt  }
tec
execute0_lowered:
.L_overlay_start_1:
0x0: {  	(tag) =	ssettag $0x1  }
0x1: {  	s12 =	rddreg [dreg:$0x0]  }
0x2: {  	s5 =	rddreg [dreg:$0x1]  }
0x3: {  	s2 =	rddreg [dreg:$0x2]  }
0x4: {  	s0 =	stileid.u32;
	s1 =	srdreg.scid  }
0x5: {  	s3 =	rddreg [dreg:$0x3];
	s4 =	simm.s32 $0x0;
	s18 =	simm.s32 $0xF000  }
0x6: {  	s19 =	simm.s32 $0x19000;
	s20 =	simm.s32 $0x4;
	s8 =	smul.u32 $0x5000, s0  }
0x7: {  	s7 =	sand.u32 $0x1, s1;
	s1 =	rddreg [dreg:$0x4];
	s9 =	smul.u32 $0xA00, s0  }
0x8: {  	[smem:$0x7FF] =	sst s4;
	s13 =	sadd.s32 $0x33E00, s5;
	s6 =	smul.u32 $0x50000, s7  }
0x9: {  	_ =	strace $0x8000004D;
	s10 =	ssub.s32 $0x2, s7;
	p0 =	seq.s32 s7, $0x0  }
0xa: {  	s9 =	sadd.s32 s9, s5;
	s31 =	sshrl.u32 s10, $0x1;
	s14 =	sadd.s32 $0x2800, s8  }
0xb: {  	s16 =	sshrl.u32 s8, $0x3;
	s7 =	sadd.s32 s8, s3;
	s13 =	smov.u32 @p0 s12  }
0xc: {  	s6 =	sadd.s32 s8, s6;
	s15 =	ssub.s32 s10, s31;
	s17 =	sshrl.u32 s14, $0x3  }
.Ltmp0:
0xd: {  	s9 =	sadd.s32 $0x1E00, s9;
	s12 =	sadd.s32 s13, s16;
	(pc) =	sbr.rel .LBB2_1-.Ltmp0, $4  }
0xe: {  	s16 =	simm.s32 $0xA000;
	s6 =	sshrl.u32 s6, $0x3;
	s13 =	sadd.s32 s13, s17  }
0xf: {  	s17 =	simm.s32 $0x80;
	s11 =	sadd.s32 s6, s5;
	s5 =	sadd.s32 s8, s2  }
0x10: {  	s6 =	sadd.s32 s14, s2;
	s8 =	sadd.s32 s14, s3;
	s14 =	simm.s32 $0x1B000  }
0x11: {  	v0 =	vimm.f32 $0.0e+00;
	s10 =	sadd.s32 $0x3DE00, s11;
	s11 =	smax.u32 s15, $0x1;
	s15 =	simm.s32 $0x5  }
.LBB2_9:
0x12: {  	_ =	swait.ge [sflag:s20], $0x1000  }
0x13: {  	s21 =	sshll.u32 s0, $0x6;
	s4 =	sadd.s32 $0x1, s4;
	[sflag:s20] =	ssyncset.done $0x0  }
0x14: {  	s22 =	sshrl.u32 s5, $0x3;
	p0 =	sne.s32 s4, s11;
	[sflag:s20] =	ssyncadd.s32 $0xFFFFF000  }
.Ltmp1:
0x15: {  	s21 =	sor.u32 $0x1C05, s21;
	[bflag:$0x0] =	sbarrier.arrive $0xFFFF;
	(pc) =	sbr.rel @!p0 .LBB2_10-.Ltmp1, $4  }
0x16: {  	[hbm:s10], [sflag:s21] =	dma.local [spmem:s22], $0xA00  }
0x17: {  	_ =	swait.ge [sflag:s15], $0xA00  }
0x18: {  	[sflag:s15] =	ssyncset.done $0x0  }
0x19: {  	[sflag:s15] =	ssyncadd.s32 $0xFFFFF600  }
.LBB2_1:
0x1a: {  	s21 =	simm.s32 $0x80;
	s22 =	simm.s32 $0x0  }
.LBB2_2:
0x1b: {  	p0 =	sne.s32 s21, $0x9F80;
	[tilespmem:s22+$0x1B000] =	vst v0;
	s23 =	smov.u32 s21;
	s21 =	sadd.s32 $0x80, s21  }
.Ltmp2:
0x1c: {  	[tilespmem:s22+$0x1B010] =	vst v0;
	(pc) =	sbr.rel @p0 .LBB2_2-.Ltmp2, $2  }
0x1d: {  	_ =	sdelay $0x2  }
0x1e: {  	s22 =	sshra.s32 s23, $0x2  }
0x1f: {  	[tilespmem:s22+$0x1B000] =	vst v0  }
0x20: {  	[tilespmem:s22+$0x1B010] =	vst v0  }
0x21: {  	[spmem:s5] =	stream.linear.scatter [tilespmem:s14], [sflag:$0x5], $0x2800, $0x38;
	[tilespmem:$0x1D800] =	vst v63  }
0x22: {  	_ =	swait.ge [sflag:s15], $0x2800  }
0x23: {  	[sflag:s15] =	ssyncset.done $0x0  }
0x24: {  	[sflag:s15] =	ssyncadd.s32 $0xFFFFD800  }
0x25: {  	[spmem:s6] =	stream.linear.scatter [tilespmem:s14], [sflag:$0x5], $0x2800, $0x38;
	[tilespmem:$0x1D800] =	vst v63  }
0x26: {  	_ =	swait.ge [sflag:s15], $0x2800  }
0x27: {  	[sflag:s15] =	ssyncset.done $0x0  }
0x28: {  	s21 =	simm.s32 $0x0;
	[sflag:s15] =	ssyncadd.s32 $0xFFFFD800  }
0x29: {  	[tilespmem:s14], [sflag:$0x5] =	stream.linear.gather [hbm4b:s12+s21], $0x2800, $0x38;
	[tilespmem:$0x1D800] =	vst v63  }
0x2a: {  	_ =	swait.ge [sflag:s15], $0x2800  }
0x2b: {  	[sflag:s15] =	ssyncset.done $0x0  }
0x2c: {  	[sflag:s15] =	ssyncadd.s32 $0xFFFFD800  }
0x2d: {  	[spmem:s7] =	stream.linear.scatter [tilespmem:s14], [sflag:$0x5], $0x2800, $0x38;
	[tilespmem:$0x1D800] =	vst v63  }
0x2e: {  	_ =	swait.ge [sflag:s15], $0x2800  }
0x2f: {  	[sflag:s15] =	ssyncset.done $0x0  }
0x30: {  	[sflag:s15] =	ssyncadd.s32 $0xFFFFD800  }
0x31: {  	[tilespmem:s14], [sflag:$0x5] =	stream.linear.gather [hbm4b:s13+s21], $0x2800, $0x38;
	[tilespmem:$0x1D800] =	vst v63  }
0x32: {  	_ =	swait.ge [sflag:s15], $0x2800  }
0x33: {  	[sflag:s15] =	ssyncset.done $0x0  }
0x34: {  	[sflag:s15] =	ssyncadd.s32 $0xFFFFD800  }
0x35: {  	[spmem:s8] =	stream.linear.scatter [tilespmem:s14], [sflag:$0x5], $0x2800, $0x38;
	[tilespmem:$0x1D800] =	vst v63  }
0x36: {  	_ =	swait.ge [sflag:s15], $0x2800  }
0x37: {  	[sflag:s15] =	ssyncset.done $0x0  }
0x38: {  	[sflag:s15] =	ssyncadd.s32 $0xFFFFD800  }
0x39: {  	[tilespmem:s16], [sflag:$0x5] =	stream.linear.gather [hbm4b:s9+s21], $0x5000, $0x38;
	[tilespmem:$0x1D800] =	vst v63  }
0x3a: {  	_ =	swait.ge [sflag:s15], $0x5000  }
0x3b: {  	[sflag:s15] =	ssyncset.done $0x0  }
0x3c: {  	s21 =	simm.s32 $0x0;
	[sflag:s15] =	ssyncadd.s32 $0xFFFFB000  }
0x3d: {  	v1 =	vld [tilespmem:s21+$0xA070]  }
0x3e: {  	v2 =	vld [tilespmem:s21+$0xA000];
	_ =	sdelay $0x1  }
0x3f: {  	v3 =	vld [tilespmem:s21+$0xA010]  }
0x40: {  	v6 =	vld [tilespmem:s21+$0xA040]  }
0x41: {  	v7 =	vshrl.u32 v1, $0x10  }
0x42: {  	v4 =	vld [tilespmem:s21+$0xA020];
	v9 =	vand.u32 $0xFFFF, v2;
	[tilespmem:s21+$0x14070] =	vst v7  }
0x43: {  	v2 =	vshrl.u32 v2, $0x10;
	[tilespmem:s21+$0xF000] =	vst v9  }
0x44: {  	v5 =	vld [tilespmem:s21+$0xA030];
	v62 =	vand.u32 $0xFFFF, v3;
	[tilespmem:s21+$0x14000] =	vst v2  }
0x45: {  	v8 =	vld [tilespmem:s21+$0xA050];
	v63 =	vand.u32 $0xFFFF, v6;
	[tilespmem:s21+$0xF010] =	vst v62  }
0x46: {  	v7 =	vld [tilespmem:s21+$0xA060];
	v2 =	vshrl.u32 v3, $0x10;
	[tilespmem:s21+$0xF040] =	vst v63  }
0x47: {  	v3 =	vand.u32 $0xFFFF, v4;
	[tilespmem:s21+$0x14010] =	vst v2  }
0x48: {  	v2 =	vshrl.u32 v4, $0x10;
	[tilespmem:s21+$0xF020] =	vst v3  }
0x49: {  	v1 =	vand.u32 $0xFFFF, v1;
	v3 =	vand.u32 $0xFFFF, v5;
	[tilespmem:s21+$0x14020] =	vst v2  }
0x4a: {  	v6 =	vshrl.u32 v6, $0x10;
	v4 =	vshrl.u32 v8, $0x10;
	v2 =	vshrl.u32 v5, $0x10;
	[tilespmem:s21+$0xF030] =	vst v3  }
0x4b: {  	s22 =	simm.s32 $0x80;
	s23 =	simm.s32 $0x400;
	v5 =	vand.u32 $0xFFFF, v8;
	[tilespmem:s21+$0x14030] =	vst v2;
	v3 =	vand.u32 $0xFFFF, v7;
	v2 =	vshrl.u32 v7, $0x10  }
.LBB2_4:
0x4c: {  	p0 =	sne.s32 s23, $0x13E00;
	v7 =	vld [tilespmem:s22+$0xA070];
	[tilespmem:s21+$0x14040] =	vst v6  }
0x4d: {  	v6 =	vld [tilespmem:s22+$0xA000];
	[tilespmem:s21+$0xF050] =	vst v5  }
0x4e: {  	v5 =	vld [tilespmem:s22+$0xA010];
	[tilespmem:s21+$0x14050] =	vst v4  }
0x4f: {  	v4 =	vld [tilespmem:s22+$0xA020];
	[tilespmem:s21+$0xF060] =	vst v3  }
0x50: {  	v3 =	vld [tilespmem:s22+$0xA030];
	[tilespmem:s21+$0x14060] =	vst v2  }
0x51: {  	v2 =	vld [tilespmem:s22+$0xA040];
	v8 =	vshrl.u32 v7, $0x10;
	[tilespmem:s21+$0xF070] =	vst v1;
	v1 =	vand.u32 $0xFFFF, v7;
	s21 =	smov.u32 s22  }
0x52: {  	v7 =	vand.u32 $0xFFFF, v6;
	v6 =	vshrl.u32 v6, $0x10;
	v9 =	vld [tilespmem:s21+$0xA050];
	[tilespmem:s21+$0x14070] =	vst v8  }
0x53: {  	[tilespmem:s21+$0xF000] =	vst v7;
	v7 =	vand.u32 $0xFFFF, v5;
	v5 =	vshrl.u32 v5, $0x10;
	v8 =	vld [tilespmem:s21+$0xA060]  }
0x54: {  	[tilespmem:s21+$0x14000] =	vst v6;
	v10 =	vand.u32 $0xFFFF, v4;
	v11 =	vshrl.u32 v4, $0x10  }
0x55: {  	[tilespmem:s21+$0xF010] =	vst v7;
	v7 =	vand.u32 $0xFFFF, v3;
	v12 =	vshrl.u32 v3, $0x10  }
0x56: {  	[tilespmem:s21+$0x14010] =	vst v5;
	v13 =	vand.u32 $0xFFFF, v2;
	v6 =	vshrl.u32 v2, $0x10  }
.Ltmp3:
0x57: {  	[tilespmem:s21+$0xF020] =	vst v10;
	v5 =	vand.u32 $0xFFFF, v9;
	v4 =	vshrl.u32 v9, $0x10;
	(pc) =	sbr.rel @p0 .LBB2_4-.Ltmp3, $4  }
0x58: {  	[tilespmem:s21+$0x14020] =	vst v11;
	v3 =	vand.u32 $0xFFFF, v8;
	v2 =	vshrl.u32 v8, $0x10  }
0x59: {  	[tilespmem:s21+$0xF030] =	vst v7  }
0x5a: {  	[tilespmem:s21+$0x14030] =	vst v12  }
0x5b: {  	s22 =	sshra.s32 s23, $0x2;
	s23 =	sadd.s32 $0x200, s23;
	[tilespmem:s21+$0xF040] =	vst v13  }
0x5c: {  	v7 =	vld [tilespmem:s22+$0xA070];
	[tilespmem:s21+$0x14040] =	vst v6  }
0x5d: {  	v6 =	vld [tilespmem:s22+$0xA000];
	[tilespmem:s21+$0xF050] =	vst v5  }
0x5e: {  	v5 =	vld [tilespmem:s22+$0xA010];
	[tilespmem:s21+$0x14050] =	vst v4  }
0x5f: {  	v4 =	vld [tilespmem:s22+$0xA020];
	[tilespmem:s21+$0xF060] =	vst v3  }
0x60: {  	v3 =	vld [tilespmem:s22+$0xA030];
	[tilespmem:s21+$0x14060] =	vst v2  }
0x61: {  	v2 =	vld [tilespmem:s22+$0xA040];
	[tilespmem:s21+$0xF070] =	vst v1;
	v1 =	vshrl.u32 v7, $0x10  }
0x62: {  	v9 =	vand.u32 $0xFFFF, v6;
	[tilespmem:s22+$0x14070] =	vst v1  }
0x63: {  	v1 =	vshrl.u32 v6, $0x10;
	[tilespmem:s22+$0xF000] =	vst v9  }
0x64: {  	v61 =	vand.u32 $0xFFFF, v5;
	[tilespmem:s22+$0x14000] =	vst v1  }
0x65: {  	v1 =	vshrl.u32 v5, $0x10;
	[tilespmem:s22+$0xF010] =	vst v61  }
0x66: {  	v62 =	vand.u32 $0xFFFF, v4;
	[tilespmem:s22+$0x14010] =	vst v1  }
0x67: {  	v8 =	vld [tilespmem:s22+$0xA050];
	v1 =	vshrl.u32 v4, $0x10;
	[tilespmem:s22+$0xF020] =	vst v62  }
0x68: {  	v63 =	vand.u32 $0xFFFF, v3;
	[tilespmem:s22+$0x14020] =	vst v1  }
0x69: {  	v60 =	vld [tilespmem:s22+$0xA060];
	v1 =	vshrl.u32 v3, $0x10;
	[tilespmem:s22+$0xF030] =	vst v63  }
0x6a: {  	v3 =	vand.u32 $0xFFFF, v2;
	[tilespmem:s22+$0x14030] =	vst v1  }
0x6b: {  	v1 =	vshrl.u32 v2, $0x10;
	[tilespmem:s22+$0xF040] =	vst v3  }
0x6c: {  	v2 =	vand.u32 $0xFFFF, v8;
	[tilespmem:s22+$0x14040] =	vst v1  }
0x6d: {  	v1 =	vshrl.u32 v8, $0x10;
	[tilespmem:s22+$0xF050] =	vst v2  }
0x6e: {  	v2 =	vand.u32 $0xFFFF, v60;
	[tilespmem:s22+$0x14050] =	vst v1  }
.Ltmp4:
0x6f: {  	v1 =	vshrl.u32 v60, $0x10;
	[tilespmem:s22+$0xF060] =	vst v2;
	(pc) =	sbr.rel .LBB2_6-.Ltmp4, $4  }
0x70: {  	v2 =	vand.u32 $0xFFFF, v7;
	[tilespmem:s22+$0x14060] =	vst v1  }
0x71: {  	[tilespmem:s22+$0xF070] =	vst v2  }
0x72: {  	s22 =	simm.s32 $0x0;
	[bflag:$0x0] =	sbarrier.arrive $0xFFFF  }
0x73: {  	[tilespmem:s19], [sflag:$0x1] =	stream.indirect.gather [spmem:s3], $0x20, s18, s17, $0xb8;
	[tilespmem:$0x1D800] =	vst v63  }
.LBB2_8:
0x74: {  	s24 =	sadd.s32 $0x1, s21;
	s22 =	sshll.u32 s22, $0x7;
	p0 =	slt.u32 s23, $0xA0  }
.Ltmp5:
0x75: {  	s30 =	sshll.u32 s21, $0xC;
	_ =	swait.ge [sflag:s24], $0x1000;
	(pc) =	sbr.rel @!p0 .LBB2_9-.Ltmp5, $4  }
0x76: {  	s31 =	sadd.s32 $0x3, s21;
	s22 =	sand.u32 $0x3FFFFF80, s22;
	[sflag:s24] =	ssyncset.done $0x0  }
0x77: {  	s22 =	sadd.s32 $0x14000, s22;
	[sflag:s24] =	ssyncadd.s32 $0xFFFFF000;
	s24 =	sadd.s32 $0x19000, s30  }
0x78: {  	[spmem:s2] =	stream.indirect.scatter.add.f32 [tilespmem:s24], [sflag:s31], $0x20, s22, s17, $0xb8;
	[tilespmem:$0x1D800] =	vst v63  }
0x79: {  	s22 =	smov.u32 s23  }
.LBB2_6:
0x7a: {  	p0 =	seq.s32 s22, $0x0  }
0x7b: {  	p1 =	seq.s32 @!p0 s22, $0x9F  }
0x7c: {  	s21 =	sand.u32 $0x1, s22;
	p1 =	por p0, !p1  }
.Ltmp6:
0x7d: {  	s24 =	sxor.u32 @!p0 $0x1, s21;
	(pc) =	sbr.rel @!p1 .LBB2_8-.Ltmp6, $4  }
0x7e: {  	s23 =	sadd.s32 @!p0 $0x3, s24  }
0x7f: {  	_ =	swait.ge @!p0 [sflag:s23], $0x1000  }
0x80: {  	[sflag:s23] =	ssyncset.done @!p0 $0x0  }
0x81: {  	[sflag:s23] =	ssyncadd.s32 @!p0 $0xFFFFF000;
	s23 =	simm.s32 @!p0 $0xA0  }
0x82: {  	s23 =	sadd.s32 @!p0 $0x1, s22  }
.Ltmp7:
0x83: {  	s23 =	simm.s32 @p0 $0x1;
	(pc) =	sbr.rel .LBB2_8-.Ltmp7, $4  }
0x84: {  	s24 =	simm.s32 @p0 $0x1;
	s25 =	sshll.u32 s23, $0x7  }
0x85: {  	s26 =	sshll.u32 s24, $0xC;
	s25 =	sand.u32 $0x3FFFFF80, s25  }
0x86: {  	s24 =	sadd.s32 $0x1, s24;
	s26 =	sadd.s32 $0x19000, s26;
	s25 =	sadd.s32 $0xF000, s25  }
0x87: {  	[tilespmem:s26], [sflag:s24] =	stream.indirect.gather [spmem:s3], $0x20, s25, s17, $0xb8;
	[tilespmem:$0x1D800] =	vst v63  }
.LBB2_10:
0x88: {  	_ =	sfence.sel $0x180000  }
0x89: {  	[bflag:$0x0] =	sbarrier.arrive $0xFFFF  }
0x8a: {  	p0 =	sne.s32 s0, $0x0;
	_ =	strace $0x9000004D  }
0x8b: {  	s0 =	sadd.s32 @!p0 $0x100000, s1;
	[bflag:$0x2] =	sbarrier.arrive $0xFFFF  }
0x8c: {  	[sflag:s0] =	ssyncadd.tile.s32 @!p0 $0x1;
	_ =	shalt  }
.Lfunc_end2:
_tile_overlayer_lowered:
.L_overlay_start_2:
0x8d: {  	(tag) =	ssettag $0x2  }
0x8e: {  	s0 =	rddreg [dreg:$0x0];
	s2 =	stileid.u32  }
0x8f: {  	s1 =	rddreg [dreg:$0x1];
	p0 =	sne.s32 s2, $0x0  }
0x90: {  	s3 =	rddreg [dreg:$0x2];
	[bflag:$0x3] =	sbarrier.arrive $0xFFFF;
	s2 =	simm.s32 @!p0 $0x1C05  }
0x91: {  	[timem:s3], [sflag:s2] =	dma.local @!p0 [hbm:s0], s1  }
0x92: {  	s0 =	simm.s32 @!p0 $0x5  }
0x93: {  	_ =	swait.ge @!p0 [sflag:s0], s1  }
0x94: {  	s1 =	ssub.s32 @!p0 $0x0, s1;
	[sflag:s0] =	ssyncset.done @!p0 $0x0  }
0x95: {  	[sflag:s0] =	ssyncadd.s32 @!p0 s1  }
0x96: {  	[bflag:$0x3] =	sbarrier.arrive $0xFFFF  }
0x97: {  	_ =	shalt  }

// kernel: kernel.8.cloned.1.call-start
scs
__scs_entry_jumppad:
0x0: {  	(pc) =	sbr.rel $0x88, $3  }
0x1: {  	(tag) =	ssettag $0x0;
	lr =	simm.s32 $0x1  }
0x2: {  	[smem:$0x3F9B] =	sst lr;
	_ =	strace $0xD0000000  }
0x3: {  	_ = 	snop  }
0x4: {  	_ = 	snop  }
0x5: {  	_ = 	snop  }
0x6: {  	_ = 	snop  }
0x7: {  	_ = 	snop  }
__scs_overlays_trampoline_lowered:
0x8: {  	[smem:$0x3FAA] =	sst s0  }
0x9: {  	[smem:$0x3FAB] =	sst s1  }
0xa: {  	[smem:$0x3FAC] =	sst s2  }
0xb: {  	[smem:$0x3FAD] =	sst s3  }
0xc: {  	[smem:$0x3FAE] =	sst s4  }
0xd: {  	[smem:$0x3FAF] =	sst s5  }
0xe: {  	[smem:$0x3FB0] =	sst s6  }
0xf: {  	[smem:$0x3FB1] =	sst s7  }
0x10: {  	[smem:$0x3FB2] =	sst s8  }
0x11: {  	[smem:$0x3FB3] =	sst s9;
	s0 =	simm.s32 @!p0 $0x0  }
0x12: {  	s1 =	sld [smem:$0x3F99];
	s0 =	simm.s32 @p0 $0x1  }
0x13: {  	[smem:$0x3FB4] =	sst s0;
	s0 =	simm.s32 @!p1 $0x0  }
0x14: {  	s2 =	sld [smem:$0x3F98];
	s0 =	simm.s32 @p1 $0x1  }
0x15: {  	[smem:$0x3FB5] =	sst s0;
	s0 =	simm.s32 @!p2 $0x0  }
0x16: {  	s3 =	sld [smem:$0x3FDB];
	s0 =	simm.s32 @p2 $0x1  }
0x17: {  	s4 =	simm.s32 $0x1BF5;
	[smem:$0x3FB7] =	sst s0  }
0x18: {  	s0 =	sld [smem:$0x3F9A];
	_ =	swait.ge [sflag:s4], $0x0  }
0x19: {  	s7 =	sld [smem:$0x3F9B]  }
0x1a: {  	s8 =	sadd.s32 $0xFFFFE003, lr  }
0x1b: {  	s9 =	sadd.s32 $0xFFFFFEF7, lr;
	s5 =	simm.s32 $0xFFFFFFFF;
	p2 =	slt.u32 s8, $0xFFFFF086  }
0x1c: {  	p1 =	slt.u32 s9, $0xF7A;
	s5 =	simm.s32 @!p2 $0x0  }
0x1d: {  	s5 =	simm.s32 @p1 $0x1;
	p0 =	seq.s32 s7, s2  }
0x1e: {  	s7 =	smul.u32 @!p0 $0xF7A, s2;
	p2 =	seq.s32 @!p0 s5, $0x0  }
0x1f: {  	s9 =	smul.u32 $0xF7A, s1;
	s8 =	simm.s32 @!p0 $0x1BF5;
	p2 =	por !p2, p0  }
0x20: {  	[sflag:s8] =	ssyncset.s32 @!p0 $0xFFFFF086;
	s6 =	sadd.s32 @!p0 s3, s7;
	s7 =	simm.s32 @!p0 $0x108  }
0x21: {  	s3 =	sadd.s32 s3, s9;
	s6 =	sadd.s32 @!p0 $0x88, s6;
	s7 =	simm.s32 @p2 $0x1082  }
0x22: {  	[simem:s7], [sflag:s8] =	dma.local @!p0 [hbm:s6], $0xF7A  }
0x23: {  	s9 =	sor.u32 $0xD0000000, s2;
	s6 =	simm.s32 $0x108;
	_ =	swait.ge @!p0 [sflag:s8], $0x0  }
0x24: {  	s3 =	sadd.s32 $0x88, s3;
	s6 =	simm.s32 @!p1 $0x1082;
	[sflag:s4] =	ssyncset.s32 $0xFFFFF086  }
0x25: {  	[simem:s6], [sflag:s4] =	dma.local [hbm:s3], $0xF7A  }
0x26: {  	[smem:$0x3F9B] =	sst s1;
	(tag) =	ssettag s2;
	_ =	strace s9  }
0x27: {  	s1 =	sld [smem:$0x3FAB]  }
0x28: {  	s2 =	sld [smem:$0x3FAC]  }
0x29: {  	s4 =	sld [smem:$0x3FAE]  }
0x2a: {  	p0 =	seq.s32 s5, $0x0;
	s5 =	sld [smem:$0x3FAF]  }
0x2b: {  	s6 =	sld [smem:$0x3FB0]  }
0x2c: {  	s7 =	sld [smem:$0x3FB1]  }
0x2d: {  	s3 =	simm.s32 $0x108;
	s8 =	sld [smem:$0x3FB2]  }
0x2e: {  	s3 =	simm.s32 @!p0 $0x1082;
	s9 =	sld [smem:$0x3FB3]  }
0x2f: {  	lr =	sadd.s32 s0, s3;
	s0 =	sld [smem:$0x3FAA]  }
0x30: {  	s3 =	sld [smem:$0x3FAD]  }
0x31: {  	[smem:$0x3FB6] =	sst s10  }
0x32: {  	s10 =	sld [smem:$0x3FB4];
	_ =	sdelay $0x3  }
0x33: {  	p0 =	seq.s32 s10, $0x1;
	s10 =	sld [smem:$0x3FB6];
	_ =	sdelay $0x3  }
0x34: {  	[smem:$0x3FB6] =	sst s10  }
0x35: {  	s10 =	sld [smem:$0x3FB5];
	_ =	sdelay $0x3  }
0x36: {  	p1 =	seq.s32 s10, $0x1;
	s10 =	sld [smem:$0x3FB6];
	_ =	sdelay $0x3  }
0x37: {  	[smem:$0x3FB6] =	sst s10  }
0x38: {  	s10 =	sld [smem:$0x3FB7]  }
0x39: {  	_ = 	snop;
	(pc) =	sbr.ind lr, $3  }
0x3a: {  	_ = 	snop  }
0x3b: {  	_ = 	snop  }
0x3c: {  	p2 =	seq.s32 s10, $0x1;
	s10 =	sld [smem:$0x3FB6]  }
0x3d: {  	_ =	shalt  }
0x3e: {  	_ =	shalt  }
0x3f: {  	_ =	shalt  }
0x40: {  	_ =	shalt  }
0x41: {  	_ =	shalt  }
0x42: {  	_ =	shalt  }
0x43: {  	_ =	shalt  }
0x44: {  	_ =	shalt  }
0x45: {  	_ =	shalt  }
0x46: {  	_ =	shalt  }
0x47: {  	_ =	shalt  }
0x48: {  	_ =	shalt  }
0x49: {  	_ =	shalt  }
0x4a: {  	_ =	shalt  }
0x4b: {  	_ =	shalt  }
0x4c: {  	_ =	shalt  }
0x4d: {  	_ =	shalt  }
0x4e: {  	_ =	shalt  }
0x4f: {  	_ =	shalt  }
0x50: {  	_ =	shalt  }
0x51: {  	_ =	shalt  }
0x52: {  	_ =	shalt  }
0x53: {  	_ =	shalt  }
0x54: {  	_ =	shalt  }
0x55: {  	_ =	shalt  }
0x56: {  	_ =	shalt  }
0x57: {  	_ =	shalt  }
0x58: {  	_ =	shalt  }
0x59: {  	_ =	shalt  }
0x5a: {  	_ =	shalt  }
0x5b: {  	_ =	shalt  }
0x5c: {  	_ =	shalt  }
0x5d: {  	_ =	shalt  }
0x5e: {  	_ =	shalt  }
0x5f: {  	_ =	shalt  }
0x60: {  	_ =	shalt  }
0x61: {  	_ =	shalt  }
0x62: {  	_ =	shalt  }
0x63: {  	_ =	shalt  }
0x64: {  	_ =	shalt  }
0x65: {  	_ =	shalt  }
0x66: {  	_ =	shalt  }
0x67: {  	_ =	shalt  }
0x68: {  	_ =	shalt  }
0x69: {  	_ =	shalt  }
0x6a: {  	_ =	shalt  }
0x6b: {  	_ =	shalt  }
0x6c: {  	_ =	shalt  }
0x6d: {  	_ =	shalt  }
0x6e: {  	_ =	shalt  }
0x6f: {  	_ =	shalt  }
0x70: {  	_ =	shalt  }
0x71: {  	_ =	shalt  }
0x72: {  	_ =	shalt  }
0x73: {  	_ =	shalt  }
0x74: {  	_ =	shalt  }
0x75: {  	_ =	shalt  }
0x76: {  	_ =	shalt  }
0x77: {  	_ =	shalt  }
0x78: {  	_ =	shalt  }
0x79: {  	_ =	shalt  }
0x7a: {  	_ =	shalt  }
0x7b: {  	_ =	shalt  }
0x7c: {  	_ =	shalt  }
0x7d: {  	_ =	shalt  }
0x7e: {  	_ =	shalt  }
0x7f: {  	_ =	shalt  }
0x80: {  	_ =	shalt  }
0x81: {  	_ =	shalt  }
0x82: {  	_ =	shalt  }
0x83: {  	_ =	shalt  }
0x84: {  	_ =	shalt  }
0x85: {  	_ =	shalt  }
0x86: {  	_ =	shalt  }
0x87: {  	_ =	shalt  }
.Lfunc_end0:
.L_simem_size_0:
called_computation_lowered:
.L_overlay_start_0:
0x88: {  	s2 =	sld [smem:$0x3FD9]  }
0x89: {  	s3 =	sld [smem:$0x3FFE];
	_ =	sdelay $0x1  }
0x8a: {  	s1 =	srdreg.scid  }
0x8b: {  	s0 =	sand.u32 $0x1, s1  }
0x8c: {  	s17 =	sshll.u32 s0, $0xA;
	s2 =	sadd.s32 s3, s2  }
0x8d: {  	s2 =	sadd.s32 s2, s17  }
0x8e: {  	[smem:$0x3FC2] =	sst s2  }
0x8f: {  	_ = 	snop  }
0x90: {  	s2 =	sld [smem:$0x3FD0];
	(tm) =	ssettm $0x1  }
0x91: {  	s18 =	sld [smem:$0x3FFB];
	_ =	sdelay $0x3  }
0x92: {  	_ =	strace s18  }
0x93: {  	s3 =	sld [smem:$0x3FFC];
	_ =	sdelay $0x3  }
0x94: {  	_ =	strace s3  }
0x95: {  	s3 =	sld [smem:$0x3FFD];
	_ =	sdelay $0x3  }
0x96: {  	_ =	strace s3  }
0x97: {  	_ =	strace $0x8FFFFFFF  }
0x98: {  	s19 =	sld [smem:$0x3FDB];
	_ =	sdelay $0x1  }
0x99: {  	s4 =	simm.s32 $_scs_section_size  }
0x9a: {  	s5 =	simm.s32 $_size__tile_overlayer_lowered;
	s6 =	simm.s32 $_tile_overlayer_lowered  }
0x9b: {  	s22 =	simm.s32 $0x1BFF;
	s21 =	sshll.u32 s6, $0x1;
	s3 =	sadd.s32 s4, s19  }
0x9c: {  	s7 =	simm.s32 $0x0;
	s20 =	sshll.u32 s5, $0x1;
	s5 =	sadd.s32 s21, s3  }
0x9d: {  	[timem:s7], [sflag:s22] =	dma.local [hbm:s5], s20  }
0x9e: {  	_ =	swait.ge [sflag:s22], s20  }
0x9f: {  	s4 =	ssub.s32 $0x0, s20;
	[sflag:s22] =	ssyncset.done $0x0  }
0xa0: {  	[sflag:s22] =	ssyncadd.s32 s4;
	_ =	sdelay $0x1  }
0xa1: {  	s23 =	simm.s32 $0x1B8B  }
0xa2: {  	_ =	swait.ge [sflag:s23], $0x1  }
0xa3: {  	[sflag:s23] =	ssyncset.done $0x0  }
0xa4: {  	s25 =	simm.s32 $0x1B8E;
	s24 =	sld [smem:$0x3FFE];
	[sflag:s23] =	ssyncadd.s32 $0xFFFFFFFF  }
0xa5: {  	s26 =	simm.s32 $execute0_lowered;
	[smem:$0x3FD2] =	sst s25  }
0xa6: {  	s5 =	sshll.u32 s26, $0x1;
	_ =	strace $0x80000046;
	[dreg:$0x1] =	wrdreg $0xFFFFFFFF  }
0xa7: {  	s28 =	simm.s32 $_size_execute0_lowered;
	s3 =	sadd.s32 s3, s5;
	[dreg:$0x0] =	wrdreg $0x0  }
0xa8: {  	s5 =	sshll.u32 s28, $0x1;
	[dreg:$0x2] =	wrdreg s3  }
0xa9: {  	[dreg:$0x3] =	wrdreg s5  }
0xaa: {  	[dreg:$0x4] =	wrdreg $0xC0  }
0xab: {  	_ =	task [dreg:s7], $0x5FFFF  }
0xac: {  	[dreg:$0x1] =	wrdreg $0xFFFFFFFF  }
0xad: {  	[dreg:$0x0] =	wrdreg $0x60  }
0xae: {  	[dreg:$0x2] =	wrdreg s2  }
0xaf: {  	[dreg:$0x3] =	wrdreg s24  }
0xb0: {  	[dreg:$0x4] =	wrdreg $0x0  }
0xb1: {  	[dreg:$0x5] =	wrdreg $0x50000  }
0xb2: {  	[dreg:$0x6] =	wrdreg $0x9  }
0xb3: {  	_ =	task.clear_ibuf [dreg:s7], $0x7FFFF;
	_ =	strace $0x90000046  }
0xb4: {  	s29 =	simm.s32 $0x9;
	_ =	strace $0x80000048  }
0xb5: {  	_ =	swait.ge [sflag:s29], $0x1  }
0xb6: {  	[sflag:s29] =	ssyncadd.s32 $0xFFFFFFFF  }
0xb7: {  	_ =	strace $0x90000048  }
0xb8: {  	_ =	sfence  }
0xb9: {  	s30 =	sld [smem:$0x0];
	_ =	sdelay $0x2  }
0xba: {  	s31 =	sshll.u32 s1, $0xD;
	s1 =	sshrl.u32 s1, $0x2  }
0xbb: {  	s3 =	sand.u32 $0x4000, s31;
	s1 =	sadd.s32 s1, s30  }
0xbc: {  	s0 =	sor.u32 s3, s0;
	s1 =	sshll.u32 s1, $0x11  }
0xbd: {  	s0 =	sor.u32 s1, s0  }
0xbe: {  	s0 =	sadd.s32 $0x8F2B, s0  }
0xbf: {  	[sflag:s0] =	ssyncadd.remote.s32 $0x1  }
0xc0: {  	_ =	sfence.sel $0xFFFF  }
0xc1: {  	[dreg:$0x0] =	wrdreg $0xFFFFFFFF;
	(pc) =	sbr.abs _section_cstart, $3  }
0xc2: {  	[dreg:$0x1] =	wrdreg $0xFFFFFFFF  }
0xc3: {  	_ =	task.clear_ibuf [dreg:s7], $0x2FFFF;
	_ =	strace $0x9FFFFFFF  }
0xc4: {  	(tm) =	ssettm $0x7FFFFFFF  }
0xc5: {  	_ =	shalt  }
tec
execute0_lowered:
.L_overlay_start_1:
0x0: {  	(tag) =	ssettag $0x1  }
0x1: {  	s9 =	rddreg [dreg:$0x0]  }
0x2: {  	s5 =	rddreg [dreg:$0x1]  }
0x3: {  	s2 =	rddreg [dreg:$0x2]  }
0x4: {  	s0 =	stileid.u32;
	s1 =	srdreg.scid  }
0x5: {  	s3 =	rddreg [dreg:$0x3];
	s4 =	simm.s32 $0x0;
	s15 =	simm.s32 $0x5  }
0x6: {  	s16 =	simm.s32 $0xA000;
	s17 =	simm.s32 $0x80;
	s18 =	simm.s32 $0xF000  }
0x7: {  	s19 =	simm.s32 $0x19000;
	s20 =	simm.s32 $0x4;
	s8 =	smul.u32 $0x5000, s0  }
0x8: {  	s6 =	sand.u32 $0x1, s1;
	s1 =	rddreg [dreg:$0x4];
	s10 =	smul.u32 $0xA00, s0  }
0x9: {  	[smem:$0x7FF] =	sst s4;
	s7 =	smul.u32 $0x50000, s6;
	s6 =	ssub.s32 $0x2, s6  }
0xa: {  	_ =	strace $0x80000047;
	s11 =	sadd.s32 s10, s5;
	s29 =	sshrl.u32 s6, $0x1  }
0xb: {  	s30 =	sadd.s32 $0x2800, s8;
	s31 =	sshrl.u32 s8, $0x3;
	s7 =	sadd.s32 s8, s7  }
.Ltmp0:
0xc: {  	s13 =	ssub.s32 s6, s29;
	s6 =	sadd.s32 s30, s2;
	(pc) =	sbr.rel .LBB2_1-.Ltmp0, $4  }
0xd: {  	s14 =	sshrl.u32 s30, $0x3;
	s10 =	sadd.s32 s30, s3;
	s7 =	sshrl.u32 s7, $0x3  }
0xe: {  	s11 =	sadd.s32 $0x1E00, s11;
	s13 =	smax.u32 s13, $0x1;
	s12 =	sadd.s32 s7, s5  }
0xf: {  	s5 =	sadd.s32 s8, s2;
	s7 =	sadd.s32 s9, s31;
	s8 =	sadd.s32 s8, s3  }
0x10: {  	v0 =	vimm.f32 $0.0e+00;
	s9 =	sadd.s32 s9, s14;
	s14 =	simm.s32 $0x1B000;
	s12 =	sadd.s32 $0xBE00, s12  }
.LBB2_9:
0x11: {  	_ =	swait.ge [sflag:s20], $0x1000  }
0x12: {  	s21 =	sshll.u32 s0, $0x6;
	s4 =	sadd.s32 $0x1, s4;
	[sflag:s20] =	ssyncset.done $0x0  }
0x13: {  	s22 =	sshrl.u32 s5, $0x3;
	p0 =	sne.s32 s4, s13;
	[sflag:s20] =	ssyncadd.s32 $0xFFFFF000  }
.Ltmp1:
0x14: {  	s21 =	sor.u32 $0x1C05, s21;
	[bflag:$0x0] =	sbarrier.arrive $0xFFFF;
	(pc) =	sbr.rel @!p0 .LBB2_10-.Ltmp1, $4  }
0x15: {  	[hbm:s12], [sflag:s21] =	dma.local [spmem:s22], $0xA00  }
0x16: {  	_ =	swait.ge [sflag:s15], $0xA00  }
0x17: {  	[sflag:s15] =	ssyncset.done $0x0  }
0x18: {  	[sflag:s15] =	ssyncadd.s32 $0xFFFFF600  }
.LBB2_1:
0x19: {  	s21 =	simm.s32 $0x80;
	s22 =	simm.s32 $0x0  }
.LBB2_2:
0x1a: {  	p0 =	sne.s32 s21, $0x9F80;
	[tilespmem:s22+$0x1B000] =	vst v0;
	s23 =	smov.u32 s21;
	s21 =	sadd.s32 $0x80, s21  }
.Ltmp2:
0x1b: {  	[tilespmem:s22+$0x1B010] =	vst v0;
	(pc) =	sbr.rel @p0 .LBB2_2-.Ltmp2, $2  }
0x1c: {  	_ =	sdelay $0x2  }
0x1d: {  	s22 =	sshra.s32 s23, $0x2  }
0x1e: {  	[tilespmem:s22+$0x1B000] =	vst v0  }
0x1f: {  	[tilespmem:s22+$0x1B010] =	vst v0  }
0x20: {  	[spmem:s5] =	stream.linear.scatter [tilespmem:s14], [sflag:$0x5], $0x2800, $0x38;
	[tilespmem:$0x1D800] =	vst v63  }
0x21: {  	_ =	swait.ge [sflag:s15], $0x2800  }
0x22: {  	[sflag:s15] =	ssyncset.done $0x0  }
0x23: {  	[sflag:s15] =	ssyncadd.s32 $0xFFFFD800  }
0x24: {  	[spmem:s6] =	stream.linear.scatter [tilespmem:s14], [sflag:$0x5], $0x2800, $0x38;
	[tilespmem:$0x1D800] =	vst v63  }
0x25: {  	_ =	swait.ge [sflag:s15], $0x2800  }
0x26: {  	[sflag:s15] =	ssyncset.done $0x0  }
0x27: {  	s21 =	simm.s32 $0x0;
	[sflag:s15] =	ssyncadd.s32 $0xFFFFD800  }
0x28: {  	[tilespmem:s14], [sflag:$0x5] =	stream.linear.gather [hbm4b:s7+s21], $0x2800, $0x38;
	[tilespmem:$0x1D800] =	vst v63  }
0x29: {  	_ =	swait.ge [sflag:s15], $0x2800  }
0x2a: {  	[sflag:s15] =	ssyncset.done $0x0  }
0x2b: {  	[sflag:s15] =	ssyncadd.s32 $0xFFFFD800  }
0x2c: {  	[spmem:s8] =	stream.linear.scatter [tilespmem:s14], [sflag:$0x5], $0x2800, $0x38;
	[tilespmem:$0x1D800] =	vst v63  }
0x2d: {  	_ =	swait.ge [sflag:s15], $0x2800  }
0x2e: {  	[sflag:s15] =	ssyncset.done $0x0  }
0x2f: {  	[sflag:s15] =	ssyncadd.s32 $0xFFFFD800  }
0x30: {  	[tilespmem:s14], [sflag:$0x5] =	stream.linear.gather [hbm4b:s9+s21], $0x2800, $0x38;
	[tilespmem:$0x1D800] =	vst v63  }
0x31: {  	_ =	swait.ge [sflag:s15], $0x2800  }
0x32: {  	[sflag:s15] =	ssyncset.done $0x0  }
0x33: {  	[sflag:s15] =	ssyncadd.s32 $0xFFFFD800  }
0x34: {  	[spmem:s10] =	stream.linear.scatter [tilespmem:s14], [sflag:$0x5], $0x2800, $0x38;
	[tilespmem:$0x1D800] =	vst v63  }
0x35: {  	_ =	swait.ge [sflag:s15], $0x2800  }
0x36: {  	[sflag:s15] =	ssyncset.done $0x0  }
0x37: {  	[sflag:s15] =	ssyncadd.s32 $0xFFFFD800  }
0x38: {  	[tilespmem:s16], [sflag:$0x5] =	stream.linear.gather [hbm4b:s11+s21], $0x5000, $0x38;
	[tilespmem:$0x1D800] =	vst v63  }
0x39: {  	_ =	swait.ge [sflag:s15], $0x5000  }
0x3a: {  	[sflag:s15] =	ssyncset.done $0x0  }
0x3b: {  	s21 =	simm.s32 $0x0;
	[sflag:s15] =	ssyncadd.s32 $0xFFFFB000  }
0x3c: {  	v1 =	vld [tilespmem:s21+$0xA070]  }
0x3d: {  	v2 =	vld [tilespmem:s21+$0xA000];
	_ =	sdelay $0x1  }
0x3e: {  	v3 =	vld [tilespmem:s21+$0xA010]  }
0x3f: {  	v6 =	vld [tilespmem:s21+$0xA040]  }
0x40: {  	v7 =	vshrl.u32 v1, $0x10  }
0x41: {  	v4 =	vld [tilespmem:s21+$0xA020];
	v9 =	vand.u32 $0xFFFF, v2;
	[tilespmem:s21+$0x14070] =	vst v7  }
0x42: {  	v2 =	vshrl.u32 v2, $0x10;
	[tilespmem:s21+$0xF000] =	vst v9  }
0x43: {  	v5 =	vld [tilespmem:s21+$0xA030];
	v62 =	vand.u32 $0xFFFF, v3;
	[tilespmem:s21+$0x14000] =	vst v2  }
0x44: {  	v8 =	vld [tilespmem:s21+$0xA050];
	v63 =	vand.u32 $0xFFFF, v6;
	[tilespmem:s21+$0xF010] =	vst v62  }
0x45: {  	v7 =	vld [tilespmem:s21+$0xA060];
	v2 =	vshrl.u32 v3, $0x10;
	[tilespmem:s21+$0xF040] =	vst v63  }
0x46: {  	v3 =	vand.u32 $0xFFFF, v4;
	[tilespmem:s21+$0x14010] =	vst v2  }
0x47: {  	v2 =	vshrl.u32 v4, $0x10;
	[tilespmem:s21+$0xF020] =	vst v3  }
0x48: {  	v1 =	vand.u32 $0xFFFF, v1;
	v3 =	vand.u32 $0xFFFF, v5;
	[tilespmem:s21+$0x14020] =	vst v2  }
0x49: {  	v6 =	vshrl.u32 v6, $0x10;
	v4 =	vshrl.u32 v8, $0x10;
	v2 =	vshrl.u32 v5, $0x10;
	[tilespmem:s21+$0xF030] =	vst v3  }
0x4a: {  	s22 =	simm.s32 $0x80;
	s23 =	simm.s32 $0x400;
	v5 =	vand.u32 $0xFFFF, v8;
	[tilespmem:s21+$0x14030] =	vst v2;
	v3 =	vand.u32 $0xFFFF, v7;
	v2 =	vshrl.u32 v7, $0x10  }
.LBB2_4:
0x4b: {  	p0 =	sne.s32 s23, $0x13E00;
	v7 =	vld [tilespmem:s22+$0xA070];
	[tilespmem:s21+$0x14040] =	vst v6  }
0x4c: {  	v6 =	vld [tilespmem:s22+$0xA000];
	[tilespmem:s21+$0xF050] =	vst v5  }
0x4d: {  	v5 =	vld [tilespmem:s22+$0xA010];
	[tilespmem:s21+$0x14050] =	vst v4  }
0x4e: {  	v4 =	vld [tilespmem:s22+$0xA020];
	[tilespmem:s21+$0xF060] =	vst v3  }
0x4f: {  	v3 =	vld [tilespmem:s22+$0xA030];
	[tilespmem:s21+$0x14060] =	vst v2  }
0x50: {  	v2 =	vld [tilespmem:s22+$0xA040];
	v8 =	vshrl.u32 v7, $0x10;
	[tilespmem:s21+$0xF070] =	vst v1;
	v1 =	vand.u32 $0xFFFF, v7;
	s21 =	smov.u32 s22  }
0x51: {  	v7 =	vand.u32 $0xFFFF, v6;
	v6 =	vshrl.u32 v6, $0x10;
	v9 =	vld [tilespmem:s21+$0xA050];
	[tilespmem:s21+$0x14070] =	vst v8  }
0x52: {  	[tilespmem:s21+$0xF000] =	vst v7;
	v7 =	vand.u32 $0xFFFF, v5;
	v5 =	vshrl.u32 v5, $0x10;
	v8 =	vld [tilespmem:s21+$0xA060]  }
0x53: {  	[tilespmem:s21+$0x14000] =	vst v6;
	v10 =	vand.u32 $0xFFFF, v4;
	v11 =	vshrl.u32 v4, $0x10  }
0x54: {  	[tilespmem:s21+$0xF010] =	vst v7;
	v7 =	vand.u32 $0xFFFF, v3;
	v12 =	vshrl.u32 v3, $0x10  }
0x55: {  	[tilespmem:s21+$0x14010] =	vst v5;
	v13 =	vand.u32 $0xFFFF, v2;
	v6 =	vshrl.u32 v2, $0x10  }
.Ltmp3:
0x56: {  	[tilespmem:s21+$0xF020] =	vst v10;
	v5 =	vand.u32 $0xFFFF, v9;
	v4 =	vshrl.u32 v9, $0x10;
	(pc) =	sbr.rel @p0 .LBB2_4-.Ltmp3, $4  }
0x57: {  	[tilespmem:s21+$0x14020] =	vst v11;
	v3 =	vand.u32 $0xFFFF, v8;
	v2 =	vshrl.u32 v8, $0x10  }
0x58: {  	[tilespmem:s21+$0xF030] =	vst v7  }
0x59: {  	[tilespmem:s21+$0x14030] =	vst v12  }
0x5a: {  	s22 =	sshra.s32 s23, $0x2;
	s23 =	sadd.s32 $0x200, s23;
	[tilespmem:s21+$0xF040] =	vst v13  }
0x5b: {  	v7 =	vld [tilespmem:s22+$0xA070];
	[tilespmem:s21+$0x14040] =	vst v6  }
0x5c: {  	v6 =	vld [tilespmem:s22+$0xA000];
	[tilespmem:s21+$0xF050] =	vst v5  }
0x5d: {  	v5 =	vld [tilespmem:s22+$0xA010];
	[tilespmem:s21+$0x14050] =	vst v4  }
0x5e: {  	v4 =	vld [tilespmem:s22+$0xA020];
	[tilespmem:s21+$0xF060] =	vst v3  }
0x5f: {  	v3 =	vld [tilespmem:s22+$0xA030];
	[tilespmem:s21+$0x14060] =	vst v2  }
0x60: {  	v2 =	vld [tilespmem:s22+$0xA040];
	[tilespmem:s21+$0xF070] =	vst v1;
	v1 =	vshrl.u32 v7, $0x10  }
0x61: {  	v9 =	vand.u32 $0xFFFF, v6;
	[tilespmem:s22+$0x14070] =	vst v1  }
0x62: {  	v1 =	vshrl.u32 v6, $0x10;
	[tilespmem:s22+$0xF000] =	vst v9  }
0x63: {  	v61 =	vand.u32 $0xFFFF, v5;
	[tilespmem:s22+$0x14000] =	vst v1  }
0x64: {  	v1 =	vshrl.u32 v5, $0x10;
	[tilespmem:s22+$0xF010] =	vst v61  }
0x65: {  	v62 =	vand.u32 $0xFFFF, v4;
	[tilespmem:s22+$0x14010] =	vst v1  }
0x66: {  	v8 =	vld [tilespmem:s22+$0xA050];
	v1 =	vshrl.u32 v4, $0x10;
	[tilespmem:s22+$0xF020] =	vst v62  }
0x67: {  	v63 =	vand.u32 $0xFFFF, v3;
	[tilespmem:s22+$0x14020] =	vst v1  }
0x68: {  	v60 =	vld [tilespmem:s22+$0xA060];
	v1 =	vshrl.u32 v3, $0x10;
	[tilespmem:s22+$0xF030] =	vst v63  }
0x69: {  	v3 =	vand.u32 $0xFFFF, v2;
	[tilespmem:s22+$0x14030] =	vst v1  }
0x6a: {  	v1 =	vshrl.u32 v2, $0x10;
	[tilespmem:s22+$0xF040] =	vst v3  }
0x6b: {  	v2 =	vand.u32 $0xFFFF, v8;
	[tilespmem:s22+$0x14040] =	vst v1  }
0x6c: {  	v1 =	vshrl.u32 v8, $0x10;
	[tilespmem:s22+$0xF050] =	vst v2  }
0x6d: {  	v2 =	vand.u32 $0xFFFF, v60;
	[tilespmem:s22+$0x14050] =	vst v1  }
.Ltmp4:
0x6e: {  	v1 =	vshrl.u32 v60, $0x10;
	[tilespmem:s22+$0xF060] =	vst v2;
	(pc) =	sbr.rel .LBB2_6-.Ltmp4, $4  }
0x6f: {  	v2 =	vand.u32 $0xFFFF, v7;
	[tilespmem:s22+$0x14060] =	vst v1  }
0x70: {  	[tilespmem:s22+$0xF070] =	vst v2  }
0x71: {  	s22 =	simm.s32 $0x0;
	[bflag:$0x0] =	sbarrier.arrive $0xFFFF  }
0x72: {  	[tilespmem:s19], [sflag:$0x1] =	stream.indirect.gather [spmem:s3], $0x20, s18, s17, $0xb8;
	[tilespmem:$0x1D800] =	vst v63  }
.LBB2_8:
0x73: {  	s24 =	sadd.s32 $0x1, s21;
	s22 =	sshll.u32 s22, $0x7;
	p0 =	slt.u32 s23, $0xA0  }
.Ltmp5:
0x74: {  	s30 =	sshll.u32 s21, $0xC;
	_ =	swait.ge [sflag:s24], $0x1000;
	(pc) =	sbr.rel @!p0 .LBB2_9-.Ltmp5, $4  }
0x75: {  	s31 =	sadd.s32 $0x3, s21;
	s22 =	sand.u32 $0x3FFFFF80, s22;
	[sflag:s24] =	ssyncset.done $0x0  }
0x76: {  	s22 =	sadd.s32 $0x14000, s22;
	[sflag:s24] =	ssyncadd.s32 $0xFFFFF000;
	s24 =	sadd.s32 $0x19000, s30  }
0x77: {  	[spmem:s2] =	stream.indirect.scatter.add.f32 [tilespmem:s24], [sflag:s31], $0x20, s22, s17, $0xb8;
	[tilespmem:$0x1D800] =	vst v63  }
0x78: {  	s22 =	smov.u32 s23  }
.LBB2_6:
0x79: {  	p0 =	seq.s32 s22, $0x0  }
0x7a: {  	p1 =	seq.s32 @!p0 s22, $0x9F  }
0x7b: {  	s21 =	sand.u32 $0x1, s22;
	p1 =	por p0, !p1  }
.Ltmp6:
0x7c: {  	s24 =	sxor.u32 @!p0 $0x1, s21;
	(pc) =	sbr.rel @!p1 .LBB2_8-.Ltmp6, $4  }
0x7d: {  	s23 =	sadd.s32 @!p0 $0x3, s24  }
0x7e: {  	_ =	swait.ge @!p0 [sflag:s23], $0x1000  }
0x7f: {  	[sflag:s23] =	ssyncset.done @!p0 $0x0  }
0x80: {  	[sflag:s23] =	ssyncadd.s32 @!p0 $0xFFFFF000;
	s23 =	simm.s32 @!p0 $0xA0  }
0x81: {  	s23 =	sadd.s32 @!p0 $0x1, s22  }
.Ltmp7:
0x82: {  	s23 =	simm.s32 @p0 $0x1;
	(pc) =	sbr.rel .LBB2_8-.Ltmp7, $4  }
0x83: {  	s24 =	simm.s32 @p0 $0x1;
	s25 =	sshll.u32 s23, $0x7  }
0x84: {  	s26 =	sshll.u32 s24, $0xC;
	s25 =	sand.u32 $0x3FFFFF80, s25  }
0x85: {  	s24 =	sadd.s32 $0x1, s24;
	s26 =	sadd.s32 $0x19000, s26;
	s25 =	sadd.s32 $0xF000, s25  }
0x86: {  	[tilespmem:s26], [sflag:s24] =	stream.indirect.gather [spmem:s3], $0x20, s25, s17, $0xb8;
	[tilespmem:$0x1D800] =	vst v63  }
.LBB2_10:
0x87: {  	_ =	sfence.sel $0x180000  }
0x88: {  	[bflag:$0x0] =	sbarrier.arrive $0xFFFF  }
0x89: {  	p0 =	sne.s32 s0, $0x0;
	_ =	strace $0x90000047  }
0x8a: {  	s0 =	sadd.s32 @!p0 $0x100000, s1;
	[bflag:$0x2] =	sbarrier.arrive $0xFFFF  }
0x8b: {  	[sflag:s0] =	ssyncadd.tile.s32 @!p0 $0x1;
	_ =	shalt  }
.Lfunc_end2:
_tile_overlayer_lowered:
.L_overlay_start_2:
0x8c: {  	(tag) =	ssettag $0x2  }
0x8d: {  	s0 =	rddreg [dreg:$0x0];
	s2 =	stileid.u32  }
0x8e: {  	s1 =	rddreg [dreg:$0x1];
	p0 =	sne.s32 s2, $0x0  }
0x8f: {  	s3 =	rddreg [dreg:$0x2];
	[bflag:$0x3] =	sbarrier.arrive $0xFFFF;
	s2 =	simm.s32 @!p0 $0x1C05  }
0x90: {  	[timem:s3], [sflag:s2] =	dma.local @!p0 [hbm:s0], s1  }
0x91: {  	s0 =	simm.s32 @!p0 $0x5  }
0x92: {  	_ =	swait.ge @!p0 [sflag:s0], s1  }
0x93: {  	s1 =	ssub.s32 @!p0 $0x0, s1;
	[sflag:s0] =	ssyncset.done @!p0 $0x0  }
0x94: {  	[sflag:s0] =	ssyncadd.s32 @!p0 s1  }
0x95: {  	[bflag:$0x3] =	sbarrier.arrive $0xFFFF  }
0x96: {  	_ =	shalt  }

</sc_bundles>
